<compile_context>
chip_gen: v7x
topology: tpu7x:2x2x1
jax: 0.10.2.dev20260603
libtpu: 0.0.44.dev20260713+nightly
codegen_flags: <defaults>
</compile_context>

<pallas_src>
import functools

import jax
import jax.numpy as jnp
from jax import lax
from jax.experimental import pallas as pl
from jax.experimental.pallas import tpu as pltpu
from jax.experimental.pallas import tpu_sc as plsc

_L = 16
_NS = 16
_NC = 2
_G = 64
_NP = 10016
_EP = 163840
_SCH = 2048
_UNR = 4
_CS = 4


def _leaky_relu(v):
    return jnp.where(v >= 0, v, 0.01 * v)


def _sc_params():
    return pltpu.CompilerParams(needs_layout_passes=False,
                                use_tc_tiling_on_sc=False)


def _mesh():
    return plsc.VectorSubcoreMesh(
        core_axis_name="c", subcore_axis_name="s",
        num_cores=_NC, num_subcores=_NS)


_XR = 79
_AR1 = 157


@functools.lru_cache(maxsize=None)
def _sc_pass1(N, E):
    EPT = E // (_NC * _NS)
    NV = EPT // _L

    @functools.partial(
        pl.kernel,
        out_type=jax.ShapeDtypeStruct((_NC * _NS, _AR1 * 128), jnp.float32),
        mesh=_mesh(),
        scratch_types=[
            pltpu.VMEM((_XR * 128,), jnp.float32),
            pltpu.VMEM((_AR1 * 128,), jnp.float32),
            pltpu.VMEM((EPT,), jnp.int32),
            pltpu.VMEM((EPT,), jnp.int32),
        ],
        compiler_params=_sc_params(),
    )
    def k(xf_hbm, zero_hbm, src_hbm, dst2_hbm, out_hbm, xt, acc, src_v, dst_v):
        c = lax.axis_index("c")
        s = lax.axis_index("s")
        w = s * _NC + c
        one16 = jnp.ones((_L,), jnp.float32)
        one16i = jnp.ones((_L,), jnp.int32)

        pltpu.sync_copy(xf_hbm, xt)
        pltpu.sync_copy(zero_hbm, acc)

        base = w * EPT
        pltpu.sync_copy(src_hbm.at[pl.ds(base, EPT)], src_v)
        pltpu.sync_copy(dst2_hbm.at[pl.ds(base, EPT)], dst_v)

        def _vec(v, _):
            s16 = src_v[pl.ds(v * _L, _L)]
            f16 = dst_v[pl.ds(v * _L, _L)]
            vals = plsc.load_gather(xt, [s16])
            plsc.addupdate_scatter(acc, [f16], vals)
            plsc.addupdate_scatter(acc, [f16 + one16i], one16)
            return 0
        lax.fori_loop(0, NV, _vec, 0)

        pltpu.sync_copy(acc, out_hbm.at[w])

    return k


_ARB = _NP * _CS // 128


@functools.lru_cache(maxsize=None)
def _sc_passB(N, E):
    NCHK = E // _SCH
    NV = _SCH // _L

    @functools.partial(
        pl.kernel,
        out_type=jax.ShapeDtypeStruct((_NC * _NS, _ARB * 128), jnp.float32),
        mesh=_mesh(),
        scratch_types=[
            pltpu.VMEM((_ARB * 128,), jnp.float32),
            pltpu.VMEM((_ARB * 128,), jnp.float32),
            pltpu.VMEM((_SCH,), jnp.int32),
            pltpu.VMEM((_SCH,), jnp.int32),
        ],
        compiler_params=_sc_params(),
    )
    def k(ps_hbm, zero_hbm, fs_hbm, fd_hbm, out_hbm, pt, acc, fs_v, fd_v):
        c = lax.axis_index("c")
        s = lax.axis_index("s")
        w = s * _NC + c
        one16i = jnp.ones((_L,), jnp.int32)

        pltpu.sync_copy(ps_hbm.at[w], pt)
        pltpu.sync_copy(zero_hbm, acc)

        def _chunk(ch, _):
            pltpu.sync_copy(fs_hbm.at[pl.ds(ch * _SCH, _SCH)], fs_v)
            pltpu.sync_copy(fd_hbm.at[pl.ds(ch * _SCH, _SCH)], fd_v)

            def _vec(v, __):
                gathered = []
                for u in range(_UNR):
                    o = v * _UNR * _L + u * _L
                    fs = fs_v[pl.ds(o, _L)]
                    fd = fd_v[pl.ds(o, _L)]
                    for _cc in range(_CS):
                        gathered.append((fd, plsc.load_gather(pt, [fs])))
                        if _cc + 1 < _CS:
                            fs = fs + one16i
                            fd = fd + one16i
                for fd, vals in gathered:
                    plsc.addupdate_scatter(acc, [fd], vals)
                return 0
            lax.fori_loop(0, NV // _UNR, _vec, 0)
            return 0
        lax.fori_loop(0, NCHK, _chunk, 0)

        pltpu.sync_copy(acc, out_hbm.at[w])

    return k


_RB = 1000


def _stage1_body(x_ref, pr_ref, w1l_ref, w1r_ref, b1_ref, h1_ref, cnt_ref):
    a = jnp.sum(pr_ref[:, :32], axis=1, keepdims=True)
    cnt_ref[...] = jnp.sum(pr_ref[:, 32:], axis=1, keepdims=True)
    h1 = a * w1l_ref[...] + x_ref[...] * w1r_ref[...] + b1_ref[...]
    h1_ref[...] = _leaky_relu(h1)


def _stage2_body(qh_ref, h_ref, b2_ref, Wl_ref, Wr_ref, h2_ref):
    dn = (((1,), (1,)), ((), ()))
    v = (lax.dot_general(qh_ref[...], Wl_ref[...], dn,
                         preferred_element_type=jnp.float32,
                         precision=lax.Precision.HIGHEST)
         + b2_ref[...]
         + lax.dot_general(h_ref[...], Wr_ref[...], dn,
                           preferred_element_type=jnp.float32,
                         precision=lax.Precision.HIGHEST))
    h2_ref[...] = _leaky_relu(v)


def _stage3_body(qh_ref, h_ref, cnt_ref, b3_ref, W3l_ref, W3r_ref, batch_ref,
                 wm_ref, wa_ref, blin_ref, out_ref, sums_ref, cntb_ref):
    i = pl.program_id(0)
    cnt = jnp.maximum(cnt_ref[...], 1.0)
    dn = (((1,), (1,)), ((), ()))
    h3 = (lax.dot_general(qh_ref[...] / cnt, W3l_ref[...], dn,
                          preferred_element_type=jnp.float32,
                         precision=lax.Precision.HIGHEST)
          + b3_ref[...]
          + lax.dot_general(h_ref[...], W3r_ref[...], dn,
                            preferred_element_type=jnp.float32,
                         precision=lax.Precision.HIGHEST))
    h3 = _leaky_relu(h3)
    b = batch_ref[0]
    gid = lax.broadcasted_iota(jnp.int32, (_G, h3.shape[0]), 0)
    onehot = (b == gid).astype(jnp.float32)
    ps = lax.dot_general(onehot, h3, (((1,), (0,)), ((), ())),
                         preferred_element_type=jnp.float32,
                         precision=lax.Precision.HIGHEST)
    pc = jnp.sum(onehot, axis=1, keepdims=True)

    @pl.when(i == 0)
    def _():
        sums_ref[...] = jnp.zeros_like(sums_ref)
        cntb_ref[...] = jnp.zeros_like(cntb_ref)

    sums_ref[...] += ps
    cntb_ref[:, 0:1] += pc

    @pl.when(i == pl.num_programs(0) - 1)
    def _():
        sums = sums_ref[...]
        cb = jnp.maximum(cntb_ref[:, 0:1], 1.0)
        z = (sums / cb) * wm_ref[...] + sums * wa_ref[...]
        out_ref[...] = jnp.sum(z, axis=1, keepdims=True) + blin_ref[...]


def _row_spec(w):
    return pl.BlockSpec((_RB, w), lambda i: (i, 0))


def _full_spec(shape):
    nd = len(shape)
    return pl.BlockSpec(shape, lambda i: (0,) * nd)


def _tc_params():
    return pltpu.CompilerParams(dimension_semantics=("arbitrary",))


@functools.lru_cache(maxsize=None)
def _stage1_call(N, H):
    grid = (N // _RB,)
    return pl.pallas_call(
        _stage1_body,
        grid=grid,
        in_specs=[_row_spec(1), _row_spec(64), _full_spec((1, H)),
                  _full_spec((1, H)), _full_spec((1, H))],
        out_specs=[_row_spec(H), _row_spec(1)],
        out_shape=[jax.ShapeDtypeStruct((N, H), jnp.float32),
                   jax.ShapeDtypeStruct((N, 1), jnp.float32)],
        compiler_params=_tc_params(),
    )


@functools.lru_cache(maxsize=None)
def _stage2_call(N, H):
    grid = (N // _RB,)
    return pl.pallas_call(
        _stage2_body,
        grid=grid,
        in_specs=[_row_spec(H), _row_spec(H), _full_spec((1, H)),
                  _full_spec((H, H)), _full_spec((H, H))],
        out_specs=[_row_spec(H)],
        out_shape=[jax.ShapeDtypeStruct((N, H), jnp.float32)],
        compiler_params=_tc_params(),
    )


@functools.lru_cache(maxsize=None)
def _stage3_call(N, H):
    grid = (N // _RB,)
    return pl.pallas_call(
        _stage3_body,
        grid=grid,
        in_specs=[_row_spec(H), _row_spec(H), _row_spec(1),
                  _full_spec((1, H)),
                  _full_spec((H, H)), _full_spec((H, H)),
                  pl.BlockSpec((1, 1, _RB), lambda i: (i, 0, 0)),
                  _full_spec((1, H)), _full_spec((1, H)),
                  _full_spec((1, 1))],
        out_specs=[_full_spec((_G, 1))],
        out_shape=[jax.ShapeDtypeStruct((_G, 1), jnp.float32)],
        scratch_shapes=[pltpu.VMEM((_G, H), jnp.float32),
                        pltpu.VMEM((_G, 128), jnp.float32)],
        compiler_params=_tc_params(),
    )


def _aggregate(p, eidx, N, E):
    H = p.shape[1]
    NS32 = _NC * _NS
    ps = p.reshape(N, H // _CS, _CS).transpose(1, 0, 2)
    ps = ps.reshape(H // _CS, N * _CS)
    ps = jnp.pad(ps, ((0, 0), (0, _ARB * 128 - N * _CS)))
    zeros = jnp.zeros((_ARB * 128,), jnp.float32)
    halves = []
    for h in range(H // (_CS * NS32)):
        qh = _sc_passB(N, E)(ps[h * NS32:(h + 1) * NS32], zeros, *eidx)
        qh = qh.reshape(NS32, _NP, _CS)[:, :N, :]
        halves.append(qh)
    q = jnp.concatenate(halves, axis=0)
    return q.transpose(1, 0, 2).reshape(N, H)


def kernel(x, edge_index, batch, W1l, b1, W1r, W2l, b2, W2r, W3l, b3, W3r,
           Wlin, blin):
    N = x.shape[0]
    E = edge_index.shape[1]
    H = W1l.shape[0]
    pad = _EP - E
    srcp = jnp.pad(edge_index[0], (0, pad))
    dstp = jnp.pad(edge_index[1], (0, pad),
                   constant_values=_NP - 8)

    xf = jnp.pad(x[:, 0], (0, _XR * 128 - N))
    zeros1 = jnp.zeros((_AR1 * 128,), jnp.float32)
    part = _sc_pass1(N, _EP)(xf, zeros1, srcp, dstp * 2)
    part = part[:, :_NP * 2].reshape(32, _NP, 2)
    pr = part[:, :N, :].transpose(1, 2, 0).reshape(N, 64)

    h1, cnt = _stage1_call(N, H)(x, pr, W1l.T, W1r.T, b1.reshape(1, H))
    eidx = (srcp * 4, dstp * 4)
    q1 = _aggregate(h1, eidx, N, _EP)

    h2, = _stage2_call(N, H)(q1, h1, b2.reshape(1, H), W2l, W2r)
    q2 = _aggregate(h2, eidx, N, _EP)

    out, = _stage3_call(N, H)(
        q2, h2, cnt, b3.reshape(1, H), W3l, W3r,
        batch.reshape(N // _RB, 1, _RB).astype(jnp.int32),
        Wlin[:, :H], Wlin[:, H:], blin.reshape(1, 1))
    return out

# --- scband reference (transcript-rebuilt; emitter-appended) ---
"""Pipeline reference for scband-model-24945170055651 (READ-ONLY COPY).

The authoritative reference and input builder live on the scoring server;
editing this copy changes nothing except your own understanding.
"""

import jax, jax.numpy as jnp
import numpy as np

N = 10000
E = 160000
H = 256
G = 64


def setup_inputs(seed: int = 0) -> dict:
    key = jax.random.key(seed)
    ks = jax.random.split(key, 16)
    x = jax.random.normal(ks[0], (N, 1), dtype=jnp.float32)
    edge_index = jax.random.randint(ks[1], (2, E), 0, N, dtype=jnp.int32)
    batch = jnp.sort(jax.random.randint(ks[2], (N,), 0, G, dtype=jnp.int32))
    def w(k, shape):
        fan_in = shape[-1]
        return jax.random.normal(k, shape, dtype=jnp.float32) * (1.0 / np.sqrt(max(fan_in, 1)))
    W1l = w(ks[3], (H, 1)); b1 = jnp.zeros((H,), dtype=jnp.float32); W1r = w(ks[4], (H, 1))
    W2l = w(ks[5], (H, H)); b2 = jnp.zeros((H,), dtype=jnp.float32); W2r = w(ks[6], (H, H))
    W3l = w(ks[7], (H, H)); b3 = jnp.zeros((H,), dtype=jnp.float32); W3r = w(ks[8], (H, H))
    Wlin = w(ks[9], (1, 2 * H)); blin = jnp.zeros((1,), dtype=jnp.float32)
    return {"x": x, "edge_index": edge_index, "batch": batch,
            "W1l": W1l, "b1": b1, "W1r": W1r,
            "W2l": W2l, "b2": b2, "W2r": W2r,
            "W3l": W3l, "b3": b3, "W3r": W3r,
            "Wlin": Wlin, "blin": blin}


def _leaky(v):
    return jnp.where(v >= 0, v, 0.01 * v)


def _sage(x, src, dst, Wl, bl, Wr, aggr):
    msgs = jnp.take(x, src, axis=0)
    agg = jax.ops.segment_sum(msgs, dst, num_segments=N)
    if aggr == "mean":
        cnt = jax.ops.segment_sum(jnp.ones((src.shape[0],), dtype=x.dtype), dst, num_segments=N)
        agg = agg / jnp.clip(cnt, 1.0)[:, None]
    return agg @ Wl.T + bl + x @ Wr.T


def reference(x, edge_index, batch, W1l, b1, W1r, W2l, b2, W2r, W3l, b3, W3r, Wlin, blin):
    src = edge_index[0]
    dst = edge_index[1]
    h = _leaky(_sage(x, src, dst, W1l, b1, W1r, "sum"))
    h = _leaky(_sage(h, src, dst, W2l, b2, W2r, "sum"))
    h = _leaky(_sage(h, src, dst, W3l, b3, W3r, "mean"))
    sums = jax.ops.segment_sum(h, batch, num_segments=G)
    cnt = jax.ops.segment_sum(jnp.ones((N,), dtype=h.dtype), batch, num_segments=G)
    mean_pool = sums / jnp.clip(cnt, 1.0)[:, None]
    add_pool = sums
    z = jnp.concatenate([mean_pool, add_pool], axis=1)
    out = z @ Wlin.T + blin
    return out

if __name__ == "__main__":
    import jax
    _d = setup_inputs()
    print(jax.jit(kernel)(*tuple(_d.values())))

</pallas_src>

<mosaic_0001>
#map = affine_map<(d0, d1) -> (0, 0)>
#map1 = affine_map<(d0, d1) -> (0)>
module attributes {stable_mosaic.version = 14 : i64} {
  func.func @k(%arg0: i32, %arg1: i32, %arg2: memref<32x40064xf32, #tpu.memory_space<hbm>>, %arg3: memref<40064xf32, #tpu.memory_space<hbm>>, %arg4: memref<163840xi32, #tpu.memory_space<hbm>>, %arg5: memref<163840xi32, #tpu.memory_space<hbm>>, %arg6: memref<32x40064xf32, #tpu.memory_space<hbm>>, %arg7: memref<40064xf32, #tpu.memory_space<vmem>>, %arg8: memref<40064xf32, #tpu.memory_space<vmem>>, %arg9: memref<2048xi32, #tpu.memory_space<vmem>>, %arg10: memref<2048xi32, #tpu.memory_space<vmem>>) attributes {dimension_semantics = [#tpu.dimension_semantics<core_parallel>, #tpu.dimension_semantics<subcore_parallel>], iteration_bounds = array<i64: 2, 16>, scalar_prefetch = 0 : i64, scratch_operands = 4 : i64, tpu.core_type = #tpu.core_type<sc_vector_subcore>, window_params = [{transform_indices = #map}, {transform_indices = #map1}, {transform_indices = #map1}, {transform_indices = #map1}, {transform_indices = #map}]} {
    %mul3A = arith.constant 2 : i32
    %mul3A_0 = arith.muli %arg1, %mul3A : i32
    %add3A = arith.addi %mul3A_0, %arg0 : i32
    %broadcast_in_dim3A = arith.constant 1 : i32
    %broadcast_in_dim3A_1 = vector.broadcast %broadcast_in_dim3A : i32 to vector<16xi32>
    "tpu.region"() ({
      %run_scoped3A = tpu.sem_alloc : memref<!tpu.dma_semaphore, #tpu.memory_space<semaphore_mem>>
      %dma_start3A = arith.constant 0 : i32
      %dma_start3A_8 = tpu.memref_slice %arg2[%add3A, %dma_start3A] : memref<32x40064xf32, #tpu.memory_space<hbm>> -> memref<1x40064xf32, #tpu.memory_space<hbm>>
      %dma_start3A_9 = tpu.memref_squeeze %dma_start3A_8 : memref<1x40064xf32, #tpu.memory_space<hbm>> -> memref<40064xf32, #tpu.memory_space<hbm>>
      %dma_start3A_10 = arith.constant 0 : i32
      %dma_start3A_11 = tpu.memref_slice %arg2[%add3A, %dma_start3A_10] : memref<32x40064xf32, #tpu.memory_space<hbm>> -> memref<1x40064xf32, #tpu.memory_space<hbm>>
      %dma_start3A_12 = tpu.memref_squeeze %dma_start3A_11 : memref<1x40064xf32, #tpu.memory_space<hbm>> -> memref<40064xf32, #tpu.memory_space<hbm>>
      tpu.enqueue_dma source(%dma_start3A_12 : memref<40064xf32, #tpu.memory_space<hbm>>) target(%arg7 : memref<40064xf32, #tpu.memory_space<vmem>>) target_semaphore(%run_scoped3A : memref<!tpu.dma_semaphore, #tpu.memory_space<semaphore_mem>>)
      %dma_wait3A = arith.constant 0 : i32
      %dma_wait3A_13 = tpu.memref_slice %arg2[%add3A, %dma_wait3A] : memref<32x40064xf32, #tpu.memory_space<hbm>> -> memref<1x40064xf32, #tpu.memory_space<hbm>>
      %dma_wait3A_14 = tpu.memref_squeeze %dma_wait3A_13 : memref<1x40064xf32, #tpu.memory_space<hbm>> -> memref<40064xf32, #tpu.memory_space<hbm>>
      %dma_wait3A_15 = arith.constant 0 : i32
      %dma_wait3A_16 = tpu.memref_slice %arg2[%add3A, %dma_wait3A_15] : memref<32x40064xf32, #tpu.memory_space<hbm>> -> memref<1x40064xf32, #tpu.memory_space<hbm>>
      %dma_wait3A_17 = tpu.memref_squeeze %dma_wait3A_16 : memref<1x40064xf32, #tpu.memory_space<hbm>> -> memref<40064xf32, #tpu.memory_space<hbm>>
      tpu.wait_dma2 semaphore(%run_scoped3A : memref<!tpu.dma_semaphore, #tpu.memory_space<semaphore_mem>>) src(%dma_wait3A_17 : memref<40064xf32, #tpu.memory_space<hbm>>) dst(%arg7 : memref<40064xf32, #tpu.memory_space<vmem>>)
      tpu.yield
    }) : () -> ()
    "tpu.region"() ({
      %run_scoped3A = tpu.sem_alloc : memref<!tpu.dma_semaphore, #tpu.memory_space<semaphore_mem>>
      tpu.enqueue_dma source(%arg3 : memref<40064xf32, #tpu.memory_space<hbm>>) target(%arg8 : memref<40064xf32, #tpu.memory_space<vmem>>) target_semaphore(%run_scoped3A : memref<!tpu.dma_semaphore, #tpu.memory_space<semaphore_mem>>)
      tpu.wait_dma2 semaphore(%run_scoped3A : memref<!tpu.dma_semaphore, #tpu.memory_space<semaphore_mem>>) src(%arg3 : memref<40064xf32, #tpu.memory_space<hbm>>) dst(%arg8 : memref<40064xf32, #tpu.memory_space<vmem>>)
      tpu.yield
    }) : () -> ()
    %scan3A = arith.constant 0 : i32
    %scan3A_2 = arith.constant 0 : i32
    %scan3A_3 = arith.constant 80 : i32
    %scan3A_4 = arith.addi %scan3A_2, %scan3A_3 : i32
    %scan3A_5 = arith.constant 1 : i32
    %scan3A_6 = scf.for %scan3A_8 = %scan3A_2 to %scan3A_4 step %scan3A_5 iter_args(%scan3A_9 = %scan3A) -> (i32)  : i32 {
      %mul3A_10 = arith.constant 2048 : i32
      %mul3A_11 = arith.muli %scan3A_8, %mul3A_10 : i32
      "tpu.region"() ({
        %run_scoped3A = tpu.sem_alloc : memref<!tpu.dma_semaphore, #tpu.memory_space<semaphore_mem>>
        %dma_start3A = tpu.memref_slice %arg4[%mul3A_11] : memref<163840xi32, #tpu.memory_space<hbm>> -> memref<2048xi32, #tpu.memory_space<hbm>>
        %dma_start3A_22 = tpu.memref_slice %arg4[%mul3A_11] : memref<163840xi32, #tpu.memory_space<hbm>> -> memref<2048xi32, #tpu.memory_space<hbm>>
        tpu.enqueue_dma source(%dma_start3A_22 : memref<2048xi32, #tpu.memory_space<hbm>>) target(%arg9 : memref<2048xi32, #tpu.memory_space<vmem>>) target_semaphore(%run_scoped3A : memref<!tpu.dma_semaphore, #tpu.memory_space<semaphore_mem>>)
        %dma_wait3A = tpu.memref_slice %arg4[%mul3A_11] : memref<163840xi32, #tpu.memory_space<hbm>> -> memref<2048xi32, #tpu.memory_space<hbm>>
        %dma_wait3A_23 = tpu.memref_slice %arg4[%mul3A_11] : memref<163840xi32, #tpu.memory_space<hbm>> -> memref<2048xi32, #tpu.memory_space<hbm>>
        tpu.wait_dma2 semaphore(%run_scoped3A : memref<!tpu.dma_semaphore, #tpu.memory_space<semaphore_mem>>) src(%dma_wait3A_23 : memref<2048xi32, #tpu.memory_space<hbm>>) dst(%arg9 : memref<2048xi32, #tpu.memory_space<vmem>>)
        tpu.yield
      }) : () -> ()
      %mul3A_12 = arith.constant 2048 : i32
      %mul3A_13 = arith.muli %scan3A_8, %mul3A_12 : i32
      "tpu.region"() ({
        %run_scoped3A = tpu.sem_alloc : memref<!tpu.dma_semaphore, #tpu.memory_space<semaphore_mem>>
        %dma_start3A = tpu.memref_slice %arg5[%mul3A_13] : memref<163840xi32, #tpu.memory_space<hbm>> -> memref<2048xi32, #tpu.memory_space<hbm>>
        %dma_start3A_22 = tpu.memref_slice %arg5[%mul3A_13] : memref<163840xi32, #tpu.memory_space<hbm>> -> memref<2048xi32, #tpu.memory_space<hbm>>
        tpu.enqueue_dma source(%dma_start3A_22 : memref<2048xi32, #tpu.memory_space<hbm>>) target(%arg10 : memref<2048xi32, #tpu.memory_space<vmem>>) target_semaphore(%run_scoped3A : memref<!tpu.dma_semaphore, #tpu.memory_space<semaphore_mem>>)
        %dma_wait3A = tpu.memref_slice %arg5[%mul3A_13] : memref<163840xi32, #tpu.memory_space<hbm>> -> memref<2048xi32, #tpu.memory_space<hbm>>
        %dma_wait3A_23 = tpu.memref_slice %arg5[%mul3A_13] : memref<163840xi32, #tpu.memory_space<hbm>> -> memref<2048xi32, #tpu.memory_space<hbm>>
        tpu.wait_dma2 semaphore(%run_scoped3A : memref<!tpu.dma_semaphore, #tpu.memory_space<semaphore_mem>>) src(%dma_wait3A_23 : memref<2048xi32, #tpu.memory_space<hbm>>) dst(%arg10 : memref<2048xi32, #tpu.memory_space<vmem>>)
        tpu.yield
      }) : () -> ()
      %scan3A_14 = arith.constant 0 : i32
      %scan3A_15 = arith.constant 0 : i32
      %scan3A_16 = arith.constant 32 : i32
      %scan3A_17 = arith.addi %scan3A_15, %scan3A_16 : i32
      %scan3A_18 = arith.constant 1 : i32
      %scan3A_19 = scf.for %scan3A_22 = %scan3A_15 to %scan3A_17 step %scan3A_18 iter_args(%scan3A_23 = %scan3A_14) -> (i32)  : i32 {
        %mul3A_24 = arith.constant 4 : i32
        %mul3A_25 = arith.muli %scan3A_22, %mul3A_24 : i32
        %mul3A_26 = arith.constant 16 : i32
        %mul3A_27 = arith.muli %mul3A_25, %mul3A_26 : i32
        %add3A_28 = arith.constant 0 : i32
        %add3A_29 = arith.addi %mul3A_27, %add3A_28 : i32
        %get3A = arith.index_cast %add3A_29 : i32 to index
        %get3A_30 = tpu.vector_load %arg9[%get3A] {strides = array<i32>} : memref<2048xi32, #tpu.memory_space<vmem>>, vector<16xi32>,
        %get3A_31 = arith.index_cast %add3A_29 : i32 to index
        %get3A_32 = tpu.vector_load %arg10[%get3A_31] {strides = array<i32>} : memref<2048xi32, #tpu.memory_space<vmem>>, vector<16xi32>,
        %gather3A = tpu.vector_load_idx %arg7[%get3A_30] : memref<40064xf32, #tpu.memory_space<vmem>>[vector<16xi32>], vector<16xf32>,
        %add3A_33 = arith.addi %get3A_30, %broadcast_in_dim3A_1 : vector<16xi32>
        %add3A_34 = arith.addi %get3A_32, %broadcast_in_dim3A_1 : vector<16xi32>
        %gather3A_35 = tpu.vector_load_idx %arg7[%add3A_33] : memref<40064xf32, #tpu.memory_space<vmem>>[vector<16xi32>], vector<16xf32>,
        %add3A_36 = arith.addi %add3A_33, %broadcast_in_dim3A_1 : vector<16xi32>
        %add3A_37 = arith.addi %add3A_34, %broadcast_in_dim3A_1 : vector<16xi32>
        %gather3A_38 = tpu.vector_load_idx %arg7[%add3A_36] : memref<40064xf32, #tpu.memory_space<vmem>>[vector<16xi32>], vector<16xf32>,
        %add3A_39 = arith.addi %add3A_36, %broadcast_in_dim3A_1 : vector<16xi32>
        %add3A_40 = arith.addi %add3A_37, %broadcast_in_dim3A_1 : vector<16xi32>
        %gather3A_41 = tpu.vector_load_idx %arg7[%add3A_39] : memref<40064xf32, #tpu.memory_space<vmem>>[vector<16xi32>], vector<16xf32>,
        %mul3A_42 = arith.constant 4 : i32
        %mul3A_43 = arith.muli %scan3A_22, %mul3A_42 : i32
        %mul3A_44 = arith.constant 16 : i32
        %mul3A_45 = arith.muli %mul3A_43, %mul3A_44 : i32
        %add3A_46 = arith.constant 16 : i32
        %add3A_47 = arith.addi %mul3A_45, %add3A_46 : i32
        %get3A_48 = arith.index_cast %add3A_47 : i32 to index
        %get3A_49 = tpu.vector_load %arg9[%get3A_48] {strides = array<i32>} : memref<2048xi32, #tpu.memory_space<vmem>>, vector<16xi32>,
        %get3A_50 = arith.index_cast %add3A_47 : i32 to index
        %get3A_51 = tpu.vector_load %arg10[%get3A_50] {strides = array<i32>} : memref<2048xi32, #tpu.memory_space<vmem>>, vector<16xi32>,
        %gather3A_52 = tpu.vector_load_idx %arg7[%get3A_49] : memref<40064xf32, #tpu.memory_space<vmem>>[vector<16xi32>], vector<16xf32>,
        %add3A_53 = arith.addi %get3A_49, %broadcast_in_dim3A_1 : vector<16xi32>
        %add3A_54 = arith.addi %get3A_51, %broadcast_in_dim3A_1 : vector<16xi32>
        %gather3A_55 = tpu.vector_load_idx %arg7[%add3A_53] : memref<40064xf32, #tpu.memory_space<vmem>>[vector<16xi32>], vector<16xf32>,
        %add3A_56 = arith.addi %add3A_53, %broadcast_in_dim3A_1 : vector<16xi32>
        %add3A_57 = arith.addi %add3A_54, %broadcast_in_dim3A_1 : vector<16xi32>
        %gather3A_58 = tpu.vector_load_idx %arg7[%add3A_56] : memref<40064xf32, #tpu.memory_space<vmem>>[vector<16xi32>], vector<16xf32>,
        %add3A_59 = arith.addi %add3A_56, %broadcast_in_dim3A_1 : vector<16xi32>
        %add3A_60 = arith.addi %add3A_57, %broadcast_in_dim3A_1 : vector<16xi32>
        %gather3A_61 = tpu.vector_load_idx %arg7[%add3A_59] : memref<40064xf32, #tpu.memory_space<vmem>>[vector<16xi32>], vector<16xf32>,
        %mul3A_62 = arith.constant 4 : i32
        %mul3A_63 = arith.muli %scan3A_22, %mul3A_62 : i32
        %mul3A_64 = arith.constant 16 : i32
        %mul3A_65 = arith.muli %mul3A_63, %mul3A_64 : i32
        %add3A_66 = arith.constant 32 : i32
        %add3A_67 = arith.addi %mul3A_65, %add3A_66 : i32
        %get3A_68 = arith.index_cast %add3A_67 : i32 to index
        %get3A_69 = tpu.vector_load %arg9[%get3A_68] {strides = array<i32>} : memref<2048xi32, #tpu.memory_space<vmem>>, vector<16xi32>,
        %get3A_70 = arith.index_cast %add3A_67 : i32 to index
        %get3A_71 = tpu.vector_load %arg10[%get3A_70] {strides = array<i32>} : memref<2048xi32, #tpu.memory_space<vmem>>, vector<16xi32>,
        %gather3A_72 = tpu.vector_load_idx %arg7[%get3A_69] : memref<40064xf32, #tpu.memory_space<vmem>>[vector<16xi32>], vector<16xf32>,
        %add3A_73 = arith.addi %get3A_69, %broadcast_in_dim3A_1 : vector<16xi32>
        %add3A_74 = arith.addi %get3A_71, %broadcast_in_dim3A_1 : vector<16xi32>
        %gather3A_75 = tpu.vector_load_idx %arg7[%add3A_73] : memref<40064xf32, #tpu.memory_space<vmem>>[vector<16xi32>], vector<16xf32>,
        %add3A_76 = arith.addi %add3A_73, %broadcast_in_dim3A_1 : vector<16xi32>
        %add3A_77 = arith.addi %add3A_74, %broadcast_in_dim3A_1 : vector<16xi32>
        %gather3A_78 = tpu.vector_load_idx %arg7[%add3A_76] : memref<40064xf32, #tpu.memory_space<vmem>>[vector<16xi32>], vector<16xf32>,
        %add3A_79 = arith.addi %add3A_76, %broadcast_in_dim3A_1 : vector<16xi32>
        %add3A_80 = arith.addi %add3A_77, %broadcast_in_dim3A_1 : vector<16xi32>
        %gather3A_81 = tpu.vector_load_idx %arg7[%add3A_79] : memref<40064xf32, #tpu.memory_space<vmem>>[vector<16xi32>], vector<16xf32>,
        %mul3A_82 = arith.constant 4 : i32
        %mul3A_83 = arith.muli %scan3A_22, %mul3A_82 : i32
        %mul3A_84 = arith.constant 16 : i32
        %mul3A_85 = arith.muli %mul3A_83, %mul3A_84 : i32
        %add3A_86 = arith.constant 48 : i32
        %add3A_87 = arith.addi %mul3A_85, %add3A_86 : i32
        %get3A_88 = arith.index_cast %add3A_87 : i32 to index
        %get3A_89 = tpu.vector_load %arg9[%get3A_88] {strides = array<i32>} : memref<2048xi32, #tpu.memory_space<vmem>>, vector<16xi32>,
        %get3A_90 = arith.index_cast %add3A_87 : i32 to index
        %get3A_91 = tpu.vector_load %arg10[%get3A_90] {strides = array<i32>} : memref<2048xi32, #tpu.memory_space<vmem>>, vector<16xi32>,
        %gather3A_92 = tpu.vector_load_idx %arg7[%get3A_89] : memref<40064xf32, #tpu.memory_space<vmem>>[vector<16xi32>], vector<16xf32>,
        %add3A_93 = arith.addi %get3A_89, %broadcast_in_dim3A_1 : vector<16xi32>
        %add3A_94 = arith.addi %get3A_91, %broadcast_in_dim3A_1 : vector<16xi32>
        %gather3A_95 = tpu.vector_load_idx %arg7[%add3A_93] : memref<40064xf32, #tpu.memory_space<vmem>>[vector<16xi32>], vector<16xf32>,
        %add3A_96 = arith.addi %add3A_93, %broadcast_in_dim3A_1 : vector<16xi32>
        %add3A_97 = arith.addi %add3A_94, %broadcast_in_dim3A_1 : vector<16xi32>
        %gather3A_98 = tpu.vector_load_idx %arg7[%add3A_96] : memref<40064xf32, #tpu.memory_space<vmem>>[vector<16xi32>], vector<16xf32>,
        %add3A_99 = arith.addi %add3A_96, %broadcast_in_dim3A_1 : vector<16xi32>
        %add3A_100 = arith.addi %add3A_97, %broadcast_in_dim3A_1 : vector<16xi32>
        %gather3A_101 = tpu.vector_load_idx %arg7[%add3A_99] : memref<40064xf32, #tpu.memory_space<vmem>>[vector<16xi32>], vector<16xf32>,
        tpu.vector_store_idx %arg8[%get3A_32], %gather3A {add = true} : memref<40064xf32, #tpu.memory_space<vmem>>[vector<16xi32>], vector<16xf32>,
        tpu.vector_store_idx %arg8[%add3A_34], %gather3A_35 {add = true} : memref<40064xf32, #tpu.memory_space<vmem>>[vector<16xi32>], vector<16xf32>,
        tpu.vector_store_idx %arg8[%add3A_37], %gather3A_38 {add = true} : memref<40064xf32, #tpu.memory_space<vmem>>[vector<16xi32>], vector<16xf32>,
        tpu.vector_store_idx %arg8[%add3A_40], %gather3A_41 {add = true} : memref<40064xf32, #tpu.memory_space<vmem>>[vector<16xi32>], vector<16xf32>,
        tpu.vector_store_idx %arg8[%get3A_51], %gather3A_52 {add = true} : memref<40064xf32, #tpu.memory_space<vmem>>[vector<16xi32>], vector<16xf32>,
        tpu.vector_store_idx %arg8[%add3A_54], %gather3A_55 {add = true} : memref<40064xf32, #tpu.memory_space<vmem>>[vector<16xi32>], vector<16xf32>,
        tpu.vector_store_idx %arg8[%add3A_57], %gather3A_58 {add = true} : memref<40064xf32, #tpu.memory_space<vmem>>[vector<16xi32>], vector<16xf32>,
        tpu.vector_store_idx %arg8[%add3A_60], %gather3A_61 {add = true} : memref<40064xf32, #tpu.memory_space<vmem>>[vector<16xi32>], vector<16xf32>,
        tpu.vector_store_idx %arg8[%get3A_71], %gather3A_72 {add = true} : memref<40064xf32, #tpu.memory_space<vmem>>[vector<16xi32>], vector<16xf32>,
        tpu.vector_store_idx %arg8[%add3A_74], %gather3A_75 {add = true} : memref<40064xf32, #tpu.memory_space<vmem>>[vector<16xi32>], vector<16xf32>,
        tpu.vector_store_idx %arg8[%add3A_77], %gather3A_78 {add = true} : memref<40064xf32, #tpu.memory_space<vmem>>[vector<16xi32>], vector<16xf32>,
        tpu.vector_store_idx %arg8[%add3A_80], %gather3A_81 {add = true} : memref<40064xf32, #tpu.memory_space<vmem>>[vector<16xi32>], vector<16xf32>,
        tpu.vector_store_idx %arg8[%get3A_91], %gather3A_92 {add = true} : memref<40064xf32, #tpu.memory_space<vmem>>[vector<16xi32>], vector<16xf32>,
        tpu.vector_store_idx %arg8[%add3A_94], %gather3A_95 {add = true} : memref<40064xf32, #tpu.memory_space<vmem>>[vector<16xi32>], vector<16xf32>,
        tpu.vector_store_idx %arg8[%add3A_97], %gather3A_98 {add = true} : memref<40064xf32, #tpu.memory_space<vmem>>[vector<16xi32>], vector<16xf32>,
        tpu.vector_store_idx %arg8[%add3A_100], %gather3A_101 {add = true} : memref<40064xf32, #tpu.memory_space<vmem>>[vector<16xi32>], vector<16xf32>,
        %scan3A_102 = arith.constant 0 : i32
        scf.yield %scan3A_102 : i32
      }
      %scan3A_20 = arith.constant 32 : i32
      %scan3A_21 = arith.constant 0 : i32
      scf.yield %scan3A_21 : i32
    }
    %scan3A_7 = arith.constant 80 : i32
    "tpu.region"() ({
      %run_scoped3A = tpu.sem_alloc : memref<!tpu.dma_semaphore, #tpu.memory_space<semaphore_mem>>
      %dma_start3A = arith.constant 0 : i32
      %dma_start3A_8 = tpu.memref_slice %arg6[%add3A, %dma_start3A] : memref<32x40064xf32, #tpu.memory_space<hbm>> -> memref<1x40064xf32, #tpu.memory_space<hbm>>
      %dma_start3A_9 = tpu.memref_squeeze %dma_start3A_8 : memref<1x40064xf32, #tpu.memory_space<hbm>> -> memref<40064xf32, #tpu.memory_space<hbm>>
      %dma_start3A_10 = arith.constant 0 : i32
      %dma_start3A_11 = tpu.memref_slice %arg6[%add3A, %dma_start3A_10] : memref<32x40064xf32, #tpu.memory_space<hbm>> -> memref<1x40064xf32, #tpu.memory_space<hbm>>
      %dma_start3A_12 = tpu.memref_squeeze %dma_start3A_11 : memref<1x40064xf32, #tpu.memory_space<hbm>> -> memref<40064xf32, #tpu.memory_space<hbm>>
      tpu.enqueue_dma source(%arg8 : memref<40064xf32, #tpu.memory_space<vmem>>) target(%dma_start3A_12 : memref<40064xf32, #tpu.memory_space<hbm>>) target_semaphore(%run_scoped3A : memref<!tpu.dma_semaphore, #tpu.memory_space<semaphore_mem>>)
      %dma_wait3A = arith.constant 0 : i32
      %dma_wait3A_13 = tpu.memref_slice %arg6[%add3A, %dma_wait3A] : memref<32x40064xf32, #tpu.memory_space<hbm>> -> memref<1x40064xf32, #tpu.memory_space<hbm>>
      %dma_wait3A_14 = tpu.memref_squeeze %dma_wait3A_13 : memref<1x40064xf32, #tpu.memory_space<hbm>> -> memref<40064xf32, #tpu.memory_space<hbm>>
      %dma_wait3A_15 = arith.constant 0 : i32
      %dma_wait3A_16 = tpu.memref_slice %arg6[%add3A, %dma_wait3A_15] : memref<32x40064xf32, #tpu.memory_space<hbm>> -> memref<1x40064xf32, #tpu.memory_space<hbm>>
      %dma_wait3A_17 = tpu.memref_squeeze %dma_wait3A_16 : memref<1x40064xf32, #tpu.memory_space<hbm>> -> memref<40064xf32, #tpu.memory_space<hbm>>
      tpu.wait_dma2 semaphore(%run_scoped3A : memref<!tpu.dma_semaphore, #tpu.memory_space<semaphore_mem>>) src(%arg8 : memref<40064xf32, #tpu.memory_space<vmem>>) dst(%dma_wait3A_17 : memref<40064xf32, #tpu.memory_space<hbm>>)
      tpu.yield
    }) : () -> ()
    return
  }
}

#map = affine_map<(d0, d1) -> (0)>
#map1 = affine_map<(d0, d1) -> (0, 0)>
module attributes {stable_mosaic.version = 14 : i64} {
  func.func @k(%arg0: i32, %arg1: i32, %arg2: memref<10112xf32, #tpu.memory_space<hbm>>, %arg3: memref<20096xf32, #tpu.memory_space<hbm>>, %arg4: memref<163840xi32, #tpu.memory_space<hbm>>, %arg5: memref<163840xi32, #tpu.memory_space<hbm>>, %arg6: memref<32x20096xf32, #tpu.memory_space<hbm>>, %arg7: memref<10112xf32, #tpu.memory_space<vmem>>, %arg8: memref<20096xf32, #tpu.memory_space<vmem>>, %arg9: memref<5120xi32, #tpu.memory_space<vmem>>, %arg10: memref<5120xi32, #tpu.memory_space<vmem>>) attributes {dimension_semantics = [#tpu.dimension_semantics<core_parallel>, #tpu.dimension_semantics<subcore_parallel>], iteration_bounds = array<i64: 2, 16>, scalar_prefetch = 0 : i64, scratch_operands = 4 : i64, tpu.core_type = #tpu.core_type<sc_vector_subcore>, window_params = [{transform_indices = #map}, {transform_indices = #map}, {transform_indices = #map}, {transform_indices = #map}, {transform_indices = #map1}]} {
    %mul3A = arith.constant 2 : i32
    %mul3A_0 = arith.muli %arg1, %mul3A : i32
    %add3A = arith.addi %mul3A_0, %arg0 : i32
    %broadcast_in_dim3A = arith.constant 1.000000e+00 : f32
    %broadcast_in_dim3A_1 = vector.broadcast %broadcast_in_dim3A : f32 to vector<16xf32>
    %broadcast_in_dim3A_2 = arith.constant 1 : i32
    %broadcast_in_dim3A_3 = vector.broadcast %broadcast_in_dim3A_2 : i32 to vector<16xi32>
    "tpu.region"() ({
      %run_scoped3A = tpu.sem_alloc : memref<!tpu.dma_semaphore, #tpu.memory_space<semaphore_mem>>
      tpu.enqueue_dma source(%arg2 : memref<10112xf32, #tpu.memory_space<hbm>>) target(%arg7 : memref<10112xf32, #tpu.memory_space<vmem>>) target_semaphore(%run_scoped3A : memref<!tpu.dma_semaphore, #tpu.memory_space<semaphore_mem>>)
      tpu.wait_dma2 semaphore(%run_scoped3A : memref<!tpu.dma_semaphore, #tpu.memory_space<semaphore_mem>>) src(%arg2 : memref<10112xf32, #tpu.memory_space<hbm>>) dst(%arg7 : memref<10112xf32, #tpu.memory_space<vmem>>)
      tpu.yield
    }) : () -> ()
    "tpu.region"() ({
      %run_scoped3A = tpu.sem_alloc : memref<!tpu.dma_semaphore, #tpu.memory_space<semaphore_mem>>
      tpu.enqueue_dma source(%arg3 : memref<20096xf32, #tpu.memory_space<hbm>>) target(%arg8 : memref<20096xf32, #tpu.memory_space<vmem>>) target_semaphore(%run_scoped3A : memref<!tpu.dma_semaphore, #tpu.memory_space<semaphore_mem>>)
      tpu.wait_dma2 semaphore(%run_scoped3A : memref<!tpu.dma_semaphore, #tpu.memory_space<semaphore_mem>>) src(%arg3 : memref<20096xf32, #tpu.memory_space<hbm>>) dst(%arg8 : memref<20096xf32, #tpu.memory_space<vmem>>)
      tpu.yield
    }) : () -> ()
    %mul3A_4 = arith.constant 5120 : i32
    %mul3A_5 = arith.muli %add3A, %mul3A_4 : i32
    "tpu.region"() ({
      %run_scoped3A = tpu.sem_alloc : memref<!tpu.dma_semaphore, #tpu.memory_space<semaphore_mem>>
      %dma_start3A = tpu.memref_slice %arg4[%mul3A_5] : memref<163840xi32, #tpu.memory_space<hbm>> -> memref<5120xi32, #tpu.memory_space<hbm>>
      %dma_start3A_12 = tpu.memref_slice %arg4[%mul3A_5] : memref<163840xi32, #tpu.memory_space<hbm>> -> memref<5120xi32, #tpu.memory_space<hbm>>
      tpu.enqueue_dma source(%dma_start3A_12 : memref<5120xi32, #tpu.memory_space<hbm>>) target(%arg9 : memref<5120xi32, #tpu.memory_space<vmem>>) target_semaphore(%run_scoped3A : memref<!tpu.dma_semaphore, #tpu.memory_space<semaphore_mem>>)
      %dma_wait3A = tpu.memref_slice %arg4[%mul3A_5] : memref<163840xi32, #tpu.memory_space<hbm>> -> memref<5120xi32, #tpu.memory_space<hbm>>
      %dma_wait3A_13 = tpu.memref_slice %arg4[%mul3A_5] : memref<163840xi32, #tpu.memory_space<hbm>> -> memref<5120xi32, #tpu.memory_space<hbm>>
      tpu.wait_dma2 semaphore(%run_scoped3A : memref<!tpu.dma_semaphore, #tpu.memory_space<semaphore_mem>>) src(%dma_wait3A_13 : memref<5120xi32, #tpu.memory_space<hbm>>) dst(%arg9 : memref<5120xi32, #tpu.memory_space<vmem>>)
      tpu.yield
    }) : () -> ()
    "tpu.region"() ({
      %run_scoped3A = tpu.sem_alloc : memref<!tpu.dma_semaphore, #tpu.memory_space<semaphore_mem>>
      %dma_start3A = tpu.memref_slice %arg5[%mul3A_5] : memref<163840xi32, #tpu.memory_space<hbm>> -> memref<5120xi32, #tpu.memory_space<hbm>>
      %dma_start3A_12 = tpu.memref_slice %arg5[%mul3A_5] : memref<163840xi32, #tpu.memory_space<hbm>> -> memref<5120xi32, #tpu.memory_space<hbm>>
      tpu.enqueue_dma source(%dma_start3A_12 : memref<5120xi32, #tpu.memory_space<hbm>>) target(%arg10 : memref<5120xi32, #tpu.memory_space<vmem>>) target_semaphore(%run_scoped3A : memref<!tpu.dma_semaphore, #tpu.memory_space<semaphore_mem>>)
      %dma_wait3A = tpu.memref_slice %arg5[%mul3A_5] : memref<163840xi32, #tpu.memory_space<hbm>> -> memref<5120xi32, #tpu.memory_space<hbm>>
      %dma_wait3A_13 = tpu.memref_slice %arg5[%mul3A_5] : memref<163840xi32, #tpu.memory_space<hbm>> -> memref<5120xi32, #tpu.memory_space<hbm>>
      tpu.wait_dma2 semaphore(%run_scoped3A : memref<!tpu.dma_semaphore, #tpu.memory_space<semaphore_mem>>) src(%dma_wait3A_13 : memref<5120xi32, #tpu.memory_space<hbm>>) dst(%arg10 : memref<5120xi32, #tpu.memory_space<vmem>>)
      tpu.yield
    }) : () -> ()
    %scan3A = arith.constant 0 : i32
    %scan3A_6 = arith.constant 0 : i32
    %scan3A_7 = arith.constant 320 : i32
    %scan3A_8 = arith.addi %scan3A_6, %scan3A_7 : i32
    %scan3A_9 = arith.constant 1 : i32
    %scan3A_10 = scf.for %scan3A_12 = %scan3A_6 to %scan3A_8 step %scan3A_9 iter_args(%scan3A_13 = %scan3A) -> (i32)  : i32 {
      %mul3A_14 = arith.constant 16 : i32
      %mul3A_15 = arith.muli %scan3A_12, %mul3A_14 : i32
      %get3A = arith.index_cast %mul3A_15 : i32 to index
      %get3A_16 = tpu.vector_load %arg9[%get3A] {strides = array<i32>} : memref<5120xi32, #tpu.memory_space<vmem>>, vector<16xi32>,
      %mul3A_17 = arith.constant 16 : i32
      %mul3A_18 = arith.muli %scan3A_12, %mul3A_17 : i32
      %get3A_19 = arith.index_cast %mul3A_18 : i32 to index
      %get3A_20 = tpu.vector_load %arg10[%get3A_19] {strides = array<i32>} : memref<5120xi32, #tpu.memory_space<vmem>>, vector<16xi32>,
      %gather3A = tpu.vector_load_idx %arg7[%get3A_16] : memref<10112xf32, #tpu.memory_space<vmem>>[vector<16xi32>], vector<16xf32>,
      tpu.vector_store_idx %arg8[%get3A_20], %gather3A {add = true} : memref<20096xf32, #tpu.memory_space<vmem>>[vector<16xi32>], vector<16xf32>,
      %add3A_21 = arith.addi %get3A_20, %broadcast_in_dim3A_3 : vector<16xi32>
      tpu.vector_store_idx %arg8[%add3A_21], %broadcast_in_dim3A_1 {add = true} : memref<20096xf32, #tpu.memory_space<vmem>>[vector<16xi32>], vector<16xf32>,
      %scan3A_22 = arith.constant 0 : i32
      scf.yield %scan3A_22 : i32
    }
    %scan3A_11 = arith.constant 320 : i32
    "tpu.region"() ({
      %run_scoped3A = tpu.sem_alloc : memref<!tpu.dma_semaphore, #tpu.memory_space<semaphore_mem>>
      %dma_start3A = arith.constant 0 : i32
      %dma_start3A_12 = tpu.memref_slice %arg6[%add3A, %dma_start3A] : memref<32x20096xf32, #tpu.memory_space<hbm>> -> memref<1x20096xf32, #tpu.memory_space<hbm>>
      %dma_start3A_13 = tpu.memref_squeeze %dma_start3A_12 : memref<1x20096xf32, #tpu.memory_space<hbm>> -> memref<20096xf32, #tpu.memory_space<hbm>>
      %dma_start3A_14 = arith.constant 0 : i32
      %dma_start3A_15 = tpu.memref_slice %arg6[%add3A, %dma_start3A_14] : memref<32x20096xf32, #tpu.memory_space<hbm>> -> memref<1x20096xf32, #tpu.memory_space<hbm>>
      %dma_start3A_16 = tpu.memref_squeeze %dma_start3A_15 : memref<1x20096xf32, #tpu.memory_space<hbm>> -> memref<20096xf32, #tpu.memory_space<hbm>>
      tpu.enqueue_dma source(%arg8 : memref<20096xf32, #tpu.memory_space<vmem>>) target(%dma_start3A_16 : memref<20096xf32, #tpu.memory_space<hbm>>) target_semaphore(%run_scoped3A : memref<!tpu.dma_semaphore, #tpu.memory_space<semaphore_mem>>)
      %dma_wait3A = arith.constant 0 : i32
      %dma_wait3A_17 = tpu.memref_slice %arg6[%add3A, %dma_wait3A] : memref<32x20096xf32, #tpu.memory_space<hbm>> -> memref<1x20096xf32, #tpu.memory_space<hbm>>
      %dma_wait3A_18 = tpu.memref_squeeze %dma_wait3A_17 : memref<1x20096xf32, #tpu.memory_space<hbm>> -> memref<20096xf32, #tpu.memory_space<hbm>>
      %dma_wait3A_19 = arith.constant 0 : i32
      %dma_wait3A_20 = tpu.memref_slice %arg6[%add3A, %dma_wait3A_19] : memref<32x20096xf32, #tpu.memory_space<hbm>> -> memref<1x20096xf32, #tpu.memory_space<hbm>>
      %dma_wait3A_21 = tpu.memref_squeeze %dma_wait3A_20 : memref<1x20096xf32, #tpu.memory_space<hbm>> -> memref<20096xf32, #tpu.memory_space<hbm>>
      tpu.wait_dma2 semaphore(%run_scoped3A : memref<!tpu.dma_semaphore, #tpu.memory_space<semaphore_mem>>) src(%arg8 : memref<20096xf32, #tpu.memory_space<vmem>>) dst(%dma_wait3A_21 : memref<20096xf32, #tpu.memory_space<hbm>>)
      tpu.yield
    }) : () -> ()
    return
  }
}

#map = affine_map<(d0, d1) -> (0, 0)>
#map1 = affine_map<(d0, d1) -> (0)>
module attributes {stable_mosaic.version = 14 : i64} {
  func.func @k(%arg0: i32, %arg1: i32, %arg2: memref<32x40064xf32, #tpu.memory_space<hbm>>, %arg3: memref<40064xf32, #tpu.memory_space<hbm>>, %arg4: memref<163840xi32, #tpu.memory_space<hbm>>, %arg5: memref<163840xi32, #tpu.memory_space<hbm>>, %arg6: memref<32x40064xf32, #tpu.memory_space<hbm>>, %arg7: memref<40064xf32, #tpu.memory_space<vmem>>, %arg8: memref<40064xf32, #tpu.memory_space<vmem>>, %arg9: memref<2048xi32, #tpu.memory_space<vmem>>, %arg10: memref<2048xi32, #tpu.memory_space<vmem>>) attributes {dimension_semantics = [#tpu.dimension_semantics<core_parallel>, #tpu.dimension_semantics<subcore_parallel>], iteration_bounds = array<i64: 2, 16>, scalar_prefetch = 0 : i64, scratch_operands = 4 : i64, tpu.core_type = #tpu.core_type<sc_vector_subcore>, window_params = [{transform_indices = #map}, {transform_indices = #map1}, {transform_indices = #map1}, {transform_indices = #map1}, {transform_indices = #map}]} {
    %mul3A = arith.constant 2 : i32
    %mul3A_0 = arith.muli %arg1, %mul3A : i32
    %add3A = arith.addi %mul3A_0, %arg0 : i32
    %broadcast_in_dim3A = arith.constant 1 : i32
    %broadcast_in_dim3A_1 = vector.broadcast %broadcast_in_dim3A : i32 to vector<16xi32>
    "tpu.region"() ({
      %run_scoped3A = tpu.sem_alloc : memref<!tpu.dma_semaphore, #tpu.memory_space<semaphore_mem>>
      %dma_start3A = arith.constant 0 : i32
      %dma_start3A_8 = tpu.memref_slice %arg2[%add3A, %dma_start3A] : memref<32x40064xf32, #tpu.memory_space<hbm>> -> memref<1x40064xf32, #tpu.memory_space<hbm>>
      %dma_start3A_9 = tpu.memref_squeeze %dma_start3A_8 : memref<1x40064xf32, #tpu.memory_space<hbm>> -> memref<40064xf32, #tpu.memory_space<hbm>>
      %dma_start3A_10 = arith.constant 0 : i32
      %dma_start3A_11 = tpu.memref_slice %arg2[%add3A, %dma_start3A_10] : memref<32x40064xf32, #tpu.memory_space<hbm>> -> memref<1x40064xf32, #tpu.memory_space<hbm>>
      %dma_start3A_12 = tpu.memref_squeeze %dma_start3A_11 : memref<1x40064xf32, #tpu.memory_space<hbm>> -> memref<40064xf32, #tpu.memory_space<hbm>>
      tpu.enqueue_dma source(%dma_start3A_12 : memref<40064xf32, #tpu.memory_space<hbm>>) target(%arg7 : memref<40064xf32, #tpu.memory_space<vmem>>) target_semaphore(%run_scoped3A : memref<!tpu.dma_semaphore, #tpu.memory_space<semaphore_mem>>)
      %dma_wait3A = arith.constant 0 : i32
      %dma_wait3A_13 = tpu.memref_slice %arg2[%add3A, %dma_wait3A] : memref<32x40064xf32, #tpu.memory_space<hbm>> -> memref<1x40064xf32, #tpu.memory_space<hbm>>
      %dma_wait3A_14 = tpu.memref_squeeze %dma_wait3A_13 : memref<1x40064xf32, #tpu.memory_space<hbm>> -> memref<40064xf32, #tpu.memory_space<hbm>>
      %dma_wait3A_15 = arith.constant 0 : i32
      %dma_wait3A_16 = tpu.memref_slice %arg2[%add3A, %dma_wait3A_15] : memref<32x40064xf32, #tpu.memory_space<hbm>> -> memref<1x40064xf32, #tpu.memory_space<hbm>>
      %dma_wait3A_17 = tpu.memref_squeeze %dma_wait3A_16 : memref<1x40064xf32, #tpu.memory_space<hbm>> -> memref<40064xf32, #tpu.memory_space<hbm>>
      tpu.wait_dma2 semaphore(%run_scoped3A : memref<!tpu.dma_semaphore, #tpu.memory_space<semaphore_mem>>) src(%dma_wait3A_17 : memref<40064xf32, #tpu.memory_space<hbm>>) dst(%arg7 : memref<40064xf32, #tpu.memory_space<vmem>>)
      tpu.yield
    }) : () -> ()
    "tpu.region"() ({
      %run_scoped3A = tpu.sem_alloc : memref<!tpu.dma_semaphore, #tpu.memory_space<semaphore_mem>>
      tpu.enqueue_dma source(%arg3 : memref<40064xf32, #tpu.memory_space<hbm>>) target(%arg8 : memref<40064xf32, #tpu.memory_space<vmem>>) target_semaphore(%run_scoped3A : memref<!tpu.dma_semaphore, #tpu.memory_space<semaphore_mem>>)
      tpu.wait_dma2 semaphore(%run_scoped3A : memref<!tpu.dma_semaphore, #tpu.memory_space<semaphore_mem>>) src(%arg3 : memref<40064xf32, #tpu.memory_space<hbm>>) dst(%arg8 : memref<40064xf32, #tpu.memory_space<vmem>>)
      tpu.yield
    }) : () -> ()
    %scan3A = arith.constant 0 : i32
    %scan3A_2 = arith.constant 0 : i32
    %scan3A_3 = arith.constant 80 : i32
    %scan3A_4 = arith.addi %scan3A_2, %scan3A_3 : i32
    %scan3A_5 = arith.constant 1 : i32
    %scan3A_6 = scf.for %scan3A_8 = %scan3A_2 to %scan3A_4 step %scan3A_5 iter_args(%scan3A_9 = %scan3A) -> (i32)  : i32 {
      %mul3A_10 = arith.constant 2048 : i32
      %mul3A_11 = arith.muli %scan3A_8, %mul3A_10 : i32
      "tpu.region"() ({
        %run_scoped3A = tpu.sem_alloc : memref<!tpu.dma_semaphore, #tpu.memory_space<semaphore_mem>>
        %dma_start3A = tpu.memref_slice %arg4[%mul3A_11] : memref<163840xi32, #tpu.memory_space<hbm>> -> memref<2048xi32, #tpu.memory_space<hbm>>
        %dma_start3A_22 = tpu.memref_slice %arg4[%mul3A_11] : memref<163840xi32, #tpu.memory_space<hbm>> -> memref<2048xi32, #tpu.memory_space<hbm>>
        tpu.enqueue_dma source(%dma_start3A_22 : memref<2048xi32, #tpu.memory_space<hbm>>) target(%arg9 : memref<2048xi32, #tpu.memory_space<vmem>>) target_semaphore(%run_scoped3A : memref<!tpu.dma_semaphore, #tpu.memory_space<semaphore_mem>>)
        %dma_wait3A = tpu.memref_slice %arg4[%mul3A_11] : memref<163840xi32, #tpu.memory_space<hbm>> -> memref<2048xi32, #tpu.memory_space<hbm>>
        %dma_wait3A_23 = tpu.memref_slice %arg4[%mul3A_11] : memref<163840xi32, #tpu.memory_space<hbm>> -> memref<2048xi32, #tpu.memory_space<hbm>>
        tpu.wait_dma2 semaphore(%run_scoped3A : memref<!tpu.dma_semaphore, #tpu.memory_space<semaphore_mem>>) src(%dma_wait3A_23 : memref<2048xi32, #tpu.memory_space<hbm>>) dst(%arg9 : memref<2048xi32, #tpu.memory_space<vmem>>)
        tpu.yield
      }) : () -> ()
      %mul3A_12 = arith.constant 2048 : i32
      %mul3A_13 = arith.muli %scan3A_8, %mul3A_12 : i32
      "tpu.region"() ({
        %run_scoped3A = tpu.sem_alloc : memref<!tpu.dma_semaphore, #tpu.memory_space<semaphore_mem>>
        %dma_start3A = tpu.memref_slice %arg5[%mul3A_13] : memref<163840xi32, #tpu.memory_space<hbm>> -> memref<2048xi32, #tpu.memory_space<hbm>>
        %dma_start3A_22 = tpu.memref_slice %arg5[%mul3A_13] : memref<163840xi32, #tpu.memory_space<hbm>> -> memref<2048xi32, #tpu.memory_space<hbm>>
        tpu.enqueue_dma source(%dma_start3A_22 : memref<2048xi32, #tpu.memory_space<hbm>>) target(%arg10 : memref<2048xi32, #tpu.memory_space<vmem>>) target_semaphore(%run_scoped3A : memref<!tpu.dma_semaphore, #tpu.memory_space<semaphore_mem>>)
        %dma_wait3A = tpu.memref_slice %arg5[%mul3A_13] : memref<163840xi32, #tpu.memory_space<hbm>> -> memref<2048xi32, #tpu.memory_space<hbm>>
        %dma_wait3A_23 = tpu.memref_slice %arg5[%mul3A_13] : memref<163840xi32, #tpu.memory_space<hbm>> -> memref<2048xi32, #tpu.memory_space<hbm>>
        tpu.wait_dma2 semaphore(%run_scoped3A : memref<!tpu.dma_semaphore, #tpu.memory_space<semaphore_mem>>) src(%dma_wait3A_23 : memref<2048xi32, #tpu.memory_space<hbm>>) dst(%arg10 : memref<2048xi32, #tpu.memory_space<vmem>>)
        tpu.yield
      }) : () -> ()
      %scan3A_14 = arith.constant 0 : i32
      %scan3A_15 = arith.constant 0 : i32
      %scan3A_16 = arith.constant 32 : i32
      %scan3A_17 = arith.addi %scan3A_15, %scan3A_16 : i32
      %scan3A_18 = arith.constant 1 : i32
      %scan3A_19 = scf.for %scan3A_22 = %scan3A_15 to %scan3A_17 step %scan3A_18 iter_args(%scan3A_23 = %scan3A_14) -> (i32)  : i32 {
        %mul3A_24 = arith.constant 4 : i32
        %mul3A_25 = arith.muli %scan3A_22, %mul3A_24 : i32
        %mul3A_26 = arith.constant 16 : i32
        %mul3A_27 = arith.muli %mul3A_25, %mul3A_26 : i32
        %add3A_28 = arith.constant 0 : i32
        %add3A_29 = arith.addi %mul3A_27, %add3A_28 : i32
        %get3A = arith.index_cast %add3A_29 : i32 to index
        %get3A_30 = tpu.vector_load %arg9[%get3A] {strides = array<i32>} : memref<2048xi32, #tpu.memory_space<vmem>>, vector<16xi32>,
        %get3A_31 = arith.index_cast %add3A_29 : i32 to index
        %get3A_32 = tpu.vector_load %arg10[%get3A_31] {strides = array<i32>} : memref<2048xi32, #tpu.memory_space<vmem>>, vector<16xi32>,
        %gather3A = tpu.vector_load_idx %arg7[%get3A_30] : memref<40064xf32, #tpu.memory_space<vmem>>[vector<16xi32>], vector<16xf32>,
        %add3A_33 = arith.addi %get3A_30, %broadcast_in_dim3A_1 : vector<16xi32>
        %add3A_34 = arith.addi %get3A_32, %broadcast_in_dim3A_1 : vector<16xi32>
        %gather3A_35 = tpu.vector_load_idx %arg7[%add3A_33] : memref<40064xf32, #tpu.memory_space<vmem>>[vector<16xi32>], vector<16xf32>,
        %add3A_36 = arith.addi %add3A_33, %broadcast_in_dim3A_1 : vector<16xi32>
        %add3A_37 = arith.addi %add3A_34, %broadcast_in_dim3A_1 : vector<16xi32>
        %gather3A_38 = tpu.vector_load_idx %arg7[%add3A_36] : memref<40064xf32, #tpu.memory_space<vmem>>[vector<16xi32>], vector<16xf32>,
        %add3A_39 = arith.addi %add3A_36, %broadcast_in_dim3A_1 : vector<16xi32>
        %add3A_40 = arith.addi %add3A_37, %broadcast_in_dim3A_1 : vector<16xi32>
        %gather3A_41 = tpu.vector_load_idx %arg7[%add3A_39] : memref<40064xf32, #tpu.memory_space<vmem>>[vector<16xi32>], vector<16xf32>,
        %mul3A_42 = arith.constant 4 : i32
        %mul3A_43 = arith.muli %scan3A_22, %mul3A_42 : i32
        %mul3A_44 = arith.constant 16 : i32
        %mul3A_45 = arith.muli %mul3A_43, %mul3A_44 : i32
        %add3A_46 = arith.constant 16 : i32
        %add3A_47 = arith.addi %mul3A_45, %add3A_46 : i32
        %get3A_48 = arith.index_cast %add3A_47 : i32 to index
        %get3A_49 = tpu.vector_load %arg9[%get3A_48] {strides = array<i32>} : memref<2048xi32, #tpu.memory_space<vmem>>, vector<16xi32>,
        %get3A_50 = arith.index_cast %add3A_47 : i32 to index
        %get3A_51 = tpu.vector_load %arg10[%get3A_50] {strides = array<i32>} : memref<2048xi32, #tpu.memory_space<vmem>>, vector<16xi32>,
        %gather3A_52 = tpu.vector_load_idx %arg7[%get3A_49] : memref<40064xf32, #tpu.memory_space<vmem>>[vector<16xi32>], vector<16xf32>,
        %add3A_53 = arith.addi %get3A_49, %broadcast_in_dim3A_1 : vector<16xi32>
        %add3A_54 = arith.addi %get3A_51, %broadcast_in_dim3A_1 : vector<16xi32>
        %gather3A_55 = tpu.vector_load_idx %arg7[%add3A_53] : memref<40064xf32, #tpu.memory_space<vmem>>[vector<16xi32>], vector<16xf32>,
        %add3A_56 = arith.addi %add3A_53, %broadcast_in_dim3A_1 : vector<16xi32>
        %add3A_57 = arith.addi %add3A_54, %broadcast_in_dim3A_1 : vector<16xi32>
        %gather3A_58 = tpu.vector_load_idx %arg7[%add3A_56] : memref<40064xf32, #tpu.memory_space<vmem>>[vector<16xi32>], vector<16xf32>,
        %add3A_59 = arith.addi %add3A_56, %broadcast_in_dim3A_1 : vector<16xi32>
        %add3A_60 = arith.addi %add3A_57, %broadcast_in_dim3A_1 : vector<16xi32>
        %gather3A_61 = tpu.vector_load_idx %arg7[%add3A_59] : memref<40064xf32, #tpu.memory_space<vmem>>[vector<16xi32>], vector<16xf32>,
        %mul3A_62 = arith.constant 4 : i32
        %mul3A_63 = arith.muli %scan3A_22, %mul3A_62 : i32
        %mul3A_64 = arith.constant 16 : i32
        %mul3A_65 = arith.muli %mul3A_63, %mul3A_64 : i32
        %add3A_66 = arith.constant 32 : i32
        %add3A_67 = arith.addi %mul3A_65, %add3A_66 : i32
        %get3A_68 = arith.index_cast %add3A_67 : i32 to index
        %get3A_69 = tpu.vector_load %arg9[%get3A_68] {strides = array<i32>} : memref<2048xi32, #tpu.memory_space<vmem>>, vector<16xi32>,
        %get3A_70 = arith.index_cast %add3A_67 : i32 to index
        %get3A_71 = tpu.vector_load %arg10[%get3A_70] {strides = array<i32>} : memref<2048xi32, #tpu.memory_space<vmem>>, vector<16xi32>,
        %gather3A_72 = tpu.vector_load_idx %arg7[%get3A_69] : memref<40064xf32, #tpu.memory_space<vmem>>[vector<16xi32>], vector<16xf32>,
        %add3A_73 = arith.addi %get3A_69, %broadcast_in_dim3A_1 : vector<16xi32>
        %add3A_74 = arith.addi %get3A_71, %broadcast_in_dim3A_1 : vector<16xi32>
        %gather3A_75 = tpu.vector_load_idx %arg7[%add3A_73] : memref<40064xf32, #tpu.memory_space<vmem>>[vector<16xi32>], vector<16xf32>,
        %add3A_76 = arith.addi %add3A_73, %broadcast_in_dim3A_1 : vector<16xi32>
        %add3A_77 = arith.addi %add3A_74, %broadcast_in_dim3A_1 : vector<16xi32>
        %gather3A_78 = tpu.vector_load_idx %arg7[%add3A_76] : memref<40064xf32, #tpu.memory_space<vmem>>[vector<16xi32>], vector<16xf32>,
        %add3A_79 = arith.addi %add3A_76, %broadcast_in_dim3A_1 : vector<16xi32>
        %add3A_80 = arith.addi %add3A_77, %broadcast_in_dim3A_1 : vector<16xi32>
        %gather3A_81 = tpu.vector_load_idx %arg7[%add3A_79] : memref<40064xf32, #tpu.memory_space<vmem>>[vector<16xi32>], vector<16xf32>,
        %mul3A_82 = arith.constant 4 : i32
        %mul3A_83 = arith.muli %scan3A_22, %mul3A_82 : i32
        %mul3A_84 = arith.constant 16 : i32
        %mul3A_85 = arith.muli %mul3A_83, %mul3A_84 : i32
        %add3A_86 = arith.constant 48 : i32
        %add3A_87 = arith.addi %mul3A_85, %add3A_86 : i32
        %get3A_88 = arith.index_cast %add3A_87 : i32 to index
        %get3A_89 = tpu.vector_load %arg9[%get3A_88] {strides = array<i32>} : memref<2048xi32, #tpu.memory_space<vmem>>, vector<16xi32>,
        %get3A_90 = arith.index_cast %add3A_87 : i32 to index
        %get3A_91 = tpu.vector_load %arg10[%get3A_90] {strides = array<i32>} : memref<2048xi32, #tpu.memory_space<vmem>>, vector<16xi32>,
        %gather3A_92 = tpu.vector_load_idx %arg7[%get3A_89] : memref<40064xf32, #tpu.memory_space<vmem>>[vector<16xi32>], vector<16xf32>,
        %add3A_93 = arith.addi %get3A_89, %broadcast_in_dim3A_1 : vector<16xi32>
        %add3A_94 = arith.addi %get3A_91, %broadcast_in_dim3A_1 : vector<16xi32>
        %gather3A_95 = tpu.vector_load_idx %arg7[%add3A_93] : memref<40064xf32, #tpu.memory_space<vmem>>[vector<16xi32>], vector<16xf32>,
        %add3A_96 = arith.addi %add3A_93, %broadcast_in_dim3A_1 : vector<16xi32>
        %add3A_97 = arith.addi %add3A_94, %broadcast_in_dim3A_1 : vector<16xi32>
        %gather3A_98 = tpu.vector_load_idx %arg7[%add3A_96] : memref<40064xf32, #tpu.memory_space<vmem>>[vector<16xi32>], vector<16xf32>,
        %add3A_99 = arith.addi %add3A_96, %broadcast_in_dim3A_1 : vector<16xi32>
        %add3A_100 = arith.addi %add3A_97, %broadcast_in_dim3A_1 : vector<16xi32>
        %gather3A_101 = tpu.vector_load_idx %arg7[%add3A_99] : memref<40064xf32, #tpu.memory_space<vmem>>[vector<16xi32>], vector<16xf32>,
        tpu.vector_store_idx %arg8[%get3A_32], %gather3A {add = true} : memref<40064xf32, #tpu.memory_space<vmem>>[vector<16xi32>], vector<16xf32>,
        tpu.vector_store_idx %arg8[%add3A_34], %gather3A_35 {add = true} : memref<40064xf32, #tpu.memory_space<vmem>>[vector<16xi32>], vector<16xf32>,
        tpu.vector_store_idx %arg8[%add3A_37], %gather3A_38 {add = true} : memref<40064xf32, #tpu.memory_space<vmem>>[vector<16xi32>], vector<16xf32>,
        tpu.vector_store_idx %arg8[%add3A_40], %gather3A_41 {add = true} : memref<40064xf32, #tpu.memory_space<vmem>>[vector<16xi32>], vector<16xf32>,
        tpu.vector_store_idx %arg8[%get3A_51], %gather3A_52 {add = true} : memref<40064xf32, #tpu.memory_space<vmem>>[vector<16xi32>], vector<16xf32>,
        tpu.vector_store_idx %arg8[%add3A_54], %gather3A_55 {add = true} : memref<40064xf32, #tpu.memory_space<vmem>>[vector<16xi32>], vector<16xf32>,
        tpu.vector_store_idx %arg8[%add3A_57], %gather3A_58 {add = true} : memref<40064xf32, #tpu.memory_space<vmem>>[vector<16xi32>], vector<16xf32>,
        tpu.vector_store_idx %arg8[%add3A_60], %gather3A_61 {add = true} : memref<40064xf32, #tpu.memory_space<vmem>>[vector<16xi32>], vector<16xf32>,
        tpu.vector_store_idx %arg8[%get3A_71], %gather3A_72 {add = true} : memref<40064xf32, #tpu.memory_space<vmem>>[vector<16xi32>], vector<16xf32>,
        tpu.vector_store_idx %arg8[%add3A_74], %gather3A_75 {add = true} : memref<40064xf32, #tpu.memory_space<vmem>>[vector<16xi32>], vector<16xf32>,
        tpu.vector_store_idx %arg8[%add3A_77], %gather3A_78 {add = true} : memref<40064xf32, #tpu.memory_space<vmem>>[vector<16xi32>], vector<16xf32>,
        tpu.vector_store_idx %arg8[%add3A_80], %gather3A_81 {add = true} : memref<40064xf32, #tpu.memory_space<vmem>>[vector<16xi32>], vector<16xf32>,
        tpu.vector_store_idx %arg8[%get3A_91], %gather3A_92 {add = true} : memref<40064xf32, #tpu.memory_space<vmem>>[vector<16xi32>], vector<16xf32>,
        tpu.vector_store_idx %arg8[%add3A_94], %gather3A_95 {add = true} : memref<40064xf32, #tpu.memory_space<vmem>>[vector<16xi32>], vector<16xf32>,
        tpu.vector_store_idx %arg8[%add3A_97], %gather3A_98 {add = true} : memref<40064xf32, #tpu.memory_space<vmem>>[vector<16xi32>], vector<16xf32>,
        tpu.vector_store_idx %arg8[%add3A_100], %gather3A_101 {add = true} : memref<40064xf32, #tpu.memory_space<vmem>>[vector<16xi32>], vector<16xf32>,
        %scan3A_102 = arith.constant 0 : i32
        scf.yield %scan3A_102 : i32
      }
      %scan3A_20 = arith.constant 32 : i32
      %scan3A_21 = arith.constant 0 : i32
      scf.yield %scan3A_21 : i32
    }
    %scan3A_7 = arith.constant 80 : i32
    "tpu.region"() ({
      %run_scoped3A = tpu.sem_alloc : memref<!tpu.dma_semaphore, #tpu.memory_space<semaphore_mem>>
      %dma_start3A = arith.constant 0 : i32
      %dma_start3A_8 = tpu.memref_slice %arg6[%add3A, %dma_start3A] : memref<32x40064xf32, #tpu.memory_space<hbm>> -> memref<1x40064xf32, #tpu.memory_space<hbm>>
      %dma_start3A_9 = tpu.memref_squeeze %dma_start3A_8 : memref<1x40064xf32, #tpu.memory_space<hbm>> -> memref<40064xf32, #tpu.memory_space<hbm>>
      %dma_start3A_10 = arith.constant 0 : i32
      %dma_start3A_11 = tpu.memref_slice %arg6[%add3A, %dma_start3A_10] : memref<32x40064xf32, #tpu.memory_space<hbm>> -> memref<1x40064xf32, #tpu.memory_space<hbm>>
      %dma_start3A_12 = tpu.memref_squeeze %dma_start3A_11 : memref<1x40064xf32, #tpu.memory_space<hbm>> -> memref<40064xf32, #tpu.memory_space<hbm>>
      tpu.enqueue_dma source(%arg8 : memref<40064xf32, #tpu.memory_space<vmem>>) target(%dma_start3A_12 : memref<40064xf32, #tpu.memory_space<hbm>>) target_semaphore(%run_scoped3A : memref<!tpu.dma_semaphore, #tpu.memory_space<semaphore_mem>>)
      %dma_wait3A = arith.constant 0 : i32
      %dma_wait3A_13 = tpu.memref_slice %arg6[%add3A, %dma_wait3A] : memref<32x40064xf32, #tpu.memory_space<hbm>> -> memref<1x40064xf32, #tpu.memory_space<hbm>>
      %dma_wait3A_14 = tpu.memref_squeeze %dma_wait3A_13 : memref<1x40064xf32, #tpu.memory_space<hbm>> -> memref<40064xf32, #tpu.memory_space<hbm>>
      %dma_wait3A_15 = arith.constant 0 : i32
      %dma_wait3A_16 = tpu.memref_slice %arg6[%add3A, %dma_wait3A_15] : memref<32x40064xf32, #tpu.memory_space<hbm>> -> memref<1x40064xf32, #tpu.memory_space<hbm>>
      %dma_wait3A_17 = tpu.memref_squeeze %dma_wait3A_16 : memref<1x40064xf32, #tpu.memory_space<hbm>> -> memref<40064xf32, #tpu.memory_space<hbm>>
      tpu.wait_dma2 semaphore(%run_scoped3A : memref<!tpu.dma_semaphore, #tpu.memory_space<semaphore_mem>>) src(%arg8 : memref<40064xf32, #tpu.memory_space<vmem>>) dst(%dma_wait3A_17 : memref<40064xf32, #tpu.memory_space<hbm>>)
      tpu.yield
    }) : () -> ()
    return
  }
}

#map = affine_map<(d0, d1) -> (0, 0)>
#map1 = affine_map<(d0, d1) -> (0)>
module attributes {stable_mosaic.version = 14 : i64} {
  func.func @k(%arg0: i32, %arg1: i32, %arg2: memref<32x40064xf32, #tpu.memory_space<hbm>>, %arg3: memref<40064xf32, #tpu.memory_space<hbm>>, %arg4: memref<163840xi32, #tpu.memory_space<hbm>>, %arg5: memref<163840xi32, #tpu.memory_space<hbm>>, %arg6: memref<32x40064xf32, #tpu.memory_space<hbm>>, %arg7: memref<40064xf32, #tpu.memory_space<vmem>>, %arg8: memref<40064xf32, #tpu.memory_space<vmem>>, %arg9: memref<2048xi32, #tpu.memory_space<vmem>>, %arg10: memref<2048xi32, #tpu.memory_space<vmem>>) attributes {dimension_semantics = [#tpu.dimension_semantics<core_parallel>, #tpu.dimension_semantics<subcore_parallel>], iteration_bounds = array<i64: 2, 16>, scalar_prefetch = 0 : i64, scratch_operands = 4 : i64, tpu.core_type = #tpu.core_type<sc_vector_subcore>, window_params = [{transform_indices = #map}, {transform_indices = #map1}, {transform_indices = #map1}, {transform_indices = #map1}, {transform_indices = #map}]} {
    %mul3A = arith.constant 2 : i32
    %mul3A_0 = arith.muli %arg1, %mul3A : i32
    %add3A = arith.addi %mul3A_0, %arg0 : i32
    %broadcast_in_dim3A = arith.constant 1 : i32
    %broadcast_in_dim3A_1 = vector.broadcast %broadcast_in_dim3A : i32 to vector<16xi32>
    "tpu.region"() ({
      %run_scoped3A = tpu.sem_alloc : memref<!tpu.dma_semaphore, #tpu.memory_space<semaphore_mem>>
      %dma_start3A = arith.constant 0 : i32
      %dma_start3A_8 = tpu.memref_slice %arg2[%add3A, %dma_start3A] : memref<32x40064xf32, #tpu.memory_space<hbm>> -> memref<1x40064xf32, #tpu.memory_space<hbm>>
      %dma_start3A_9 = tpu.memref_squeeze %dma_start3A_8 : memref<1x40064xf32, #tpu.memory_space<hbm>> -> memref<40064xf32, #tpu.memory_space<hbm>>
      %dma_start3A_10 = arith.constant 0 : i32
      %dma_start3A_11 = tpu.memref_slice %arg2[%add3A, %dma_start3A_10] : memref<32x40064xf32, #tpu.memory_space<hbm>> -> memref<1x40064xf32, #tpu.memory_space<hbm>>
      %dma_start3A_12 = tpu.memref_squeeze %dma_start3A_11 : memref<1x40064xf32, #tpu.memory_space<hbm>> -> memref<40064xf32, #tpu.memory_space<hbm>>
      tpu.enqueue_dma source(%dma_start3A_12 : memref<40064xf32, #tpu.memory_space<hbm>>) target(%arg7 : memref<40064xf32, #tpu.memory_space<vmem>>) target_semaphore(%run_scoped3A : memref<!tpu.dma_semaphore, #tpu.memory_space<semaphore_mem>>)
      %dma_wait3A = arith.constant 0 : i32
      %dma_wait3A_13 = tpu.memref_slice %arg2[%add3A, %dma_wait3A] : memref<32x40064xf32, #tpu.memory_space<hbm>> -> memref<1x40064xf32, #tpu.memory_space<hbm>>
      %dma_wait3A_14 = tpu.memref_squeeze %dma_wait3A_13 : memref<1x40064xf32, #tpu.memory_space<hbm>> -> memref<40064xf32, #tpu.memory_space<hbm>>
      %dma_wait3A_15 = arith.constant 0 : i32
      %dma_wait3A_16 = tpu.memref_slice %arg2[%add3A, %dma_wait3A_15] : memref<32x40064xf32, #tpu.memory_space<hbm>> -> memref<1x40064xf32, #tpu.memory_space<hbm>>
      %dma_wait3A_17 = tpu.memref_squeeze %dma_wait3A_16 : memref<1x40064xf32, #tpu.memory_space<hbm>> -> memref<40064xf32, #tpu.memory_space<hbm>>
      tpu.wait_dma2 semaphore(%run_scoped3A : memref<!tpu.dma_semaphore, #tpu.memory_space<semaphore_mem>>) src(%dma_wait3A_17 : memref<40064xf32, #tpu.memory_space<hbm>>) dst(%arg7 : memref<40064xf32, #tpu.memory_space<vmem>>)
      tpu.yield
    }) : () -> ()
    "tpu.region"() ({
      %run_scoped3A = tpu.sem_alloc : memref<!tpu.dma_semaphore, #tpu.memory_space<semaphore_mem>>
      tpu.enqueue_dma source(%arg3 : memref<40064xf32, #tpu.memory_space<hbm>>) target(%arg8 : memref<40064xf32, #tpu.memory_space<vmem>>) target_semaphore(%run_scoped3A : memref<!tpu.dma_semaphore, #tpu.memory_space<semaphore_mem>>)
      tpu.wait_dma2 semaphore(%run_scoped3A : memref<!tpu.dma_semaphore, #tpu.memory_space<semaphore_mem>>) src(%arg3 : memref<40064xf32, #tpu.memory_space<hbm>>) dst(%arg8 : memref<40064xf32, #tpu.memory_space<vmem>>)
      tpu.yield
    }) : () -> ()
    %scan3A = arith.constant 0 : i32
    %scan3A_2 = arith.constant 0 : i32
    %scan3A_3 = arith.constant 80 : i32
    %scan3A_4 = arith.addi %scan3A_2, %scan3A_3 : i32
    %scan3A_5 = arith.constant 1 : i32
    %scan3A_6 = scf.for %scan3A_8 = %scan3A_2 to %scan3A_4 step %scan3A_5 iter_args(%scan3A_9 = %scan3A) -> (i32)  : i32 {
      %mul3A_10 = arith.constant 2048 : i32
      %mul3A_11 = arith.muli %scan3A_8, %mul3A_10 : i32
      "tpu.region"() ({
        %run_scoped3A = tpu.sem_alloc : memref<!tpu.dma_semaphore, #tpu.memory_space<semaphore_mem>>
        %dma_start3A = tpu.memref_slice %arg4[%mul3A_11] : memref<163840xi32, #tpu.memory_space<hbm>> -> memref<2048xi32, #tpu.memory_space<hbm>>
        %dma_start3A_22 = tpu.memref_slice %arg4[%mul3A_11] : memref<163840xi32, #tpu.memory_space<hbm>> -> memref<2048xi32, #tpu.memory_space<hbm>>
        tpu.enqueue_dma source(%dma_start3A_22 : memref<2048xi32, #tpu.memory_space<hbm>>) target(%arg9 : memref<2048xi32, #tpu.memory_space<vmem>>) target_semaphore(%run_scoped3A : memref<!tpu.dma_semaphore, #tpu.memory_space<semaphore_mem>>)
        %dma_wait3A = tpu.memref_slice %arg4[%mul3A_11] : memref<163840xi32, #tpu.memory_space<hbm>> -> memref<2048xi32, #tpu.memory_space<hbm>>
        %dma_wait3A_23 = tpu.memref_slice %arg4[%mul3A_11] : memref<163840xi32, #tpu.memory_space<hbm>> -> memref<2048xi32, #tpu.memory_space<hbm>>
        tpu.wait_dma2 semaphore(%run_scoped3A : memref<!tpu.dma_semaphore, #tpu.memory_space<semaphore_mem>>) src(%dma_wait3A_23 : memref<2048xi32, #tpu.memory_space<hbm>>) dst(%arg9 : memref<2048xi32, #tpu.memory_space<vmem>>)
        tpu.yield
      }) : () -> ()
      %mul3A_12 = arith.constant 2048 : i32
      %mul3A_13 = arith.muli %scan3A_8, %mul3A_12 : i32
      "tpu.region"() ({
        %run_scoped3A = tpu.sem_alloc : memref<!tpu.dma_semaphore, #tpu.memory_space<semaphore_mem>>
        %dma_start3A = tpu.memref_slice %arg5[%mul3A_13] : memref<163840xi32, #tpu.memory_space<hbm>> -> memref<2048xi32, #tpu.memory_space<hbm>>
        %dma_start3A_22 = tpu.memref_slice %arg5[%mul3A_13] : memref<163840xi32, #tpu.memory_space<hbm>> -> memref<2048xi32, #tpu.memory_space<hbm>>
        tpu.enqueue_dma source(%dma_start3A_22 : memref<2048xi32, #tpu.memory_space<hbm>>) target(%arg10 : memref<2048xi32, #tpu.memory_space<vmem>>) target_semaphore(%run_scoped3A : memref<!tpu.dma_semaphore, #tpu.memory_space<semaphore_mem>>)
        %dma_wait3A = tpu.memref_slice %arg5[%mul3A_13] : memref<163840xi32, #tpu.memory_space<hbm>> -> memref<2048xi32, #tpu.memory_space<hbm>>
        %dma_wait3A_23 = tpu.memref_slice %arg5[%mul3A_13] : memref<163840xi32, #tpu.memory_space<hbm>> -> memref<2048xi32, #tpu.memory_space<hbm>>
        tpu.wait_dma2 semaphore(%run_scoped3A : memref<!tpu.dma_semaphore, #tpu.memory_space<semaphore_mem>>) src(%dma_wait3A_23 : memref<2048xi32, #tpu.memory_space<hbm>>) dst(%arg10 : memref<2048xi32, #tpu.memory_space<vmem>>)
        tpu.yield
      }) : () -> ()
      %scan3A_14 = arith.constant 0 : i32
      %scan3A_15 = arith.constant 0 : i32
      %scan3A_16 = arith.constant 32 : i32
      %scan3A_17 = arith.addi %scan3A_15, %scan3A_16 : i32
      %scan3A_18 = arith.constant 1 : i32
      %scan3A_19 = scf.for %scan3A_22 = %scan3A_15 to %scan3A_17 step %scan3A_18 iter_args(%scan3A_23 = %scan3A_14) -> (i32)  : i32 {
        %mul3A_24 = arith.constant 4 : i32
        %mul3A_25 = arith.muli %scan3A_22, %mul3A_24 : i32
        %mul3A_26 = arith.constant 16 : i32
        %mul3A_27 = arith.muli %mul3A_25, %mul3A_26 : i32
        %add3A_28 = arith.constant 0 : i32
        %add3A_29 = arith.addi %mul3A_27, %add3A_28 : i32
        %get3A = arith.index_cast %add3A_29 : i32 to index
        %get3A_30 = tpu.vector_load %arg9[%get3A] {strides = array<i32>} : memref<2048xi32, #tpu.memory_space<vmem>>, vector<16xi32>,
        %get3A_31 = arith.index_cast %add3A_29 : i32 to index
        %get3A_32 = tpu.vector_load %arg10[%get3A_31] {strides = array<i32>} : memref<2048xi32, #tpu.memory_space<vmem>>, vector<16xi32>,
        %gather3A = tpu.vector_load_idx %arg7[%get3A_30] : memref<40064xf32, #tpu.memory_space<vmem>>[vector<16xi32>], vector<16xf32>,
        %add3A_33 = arith.addi %get3A_30, %broadcast_in_dim3A_1 : vector<16xi32>
        %add3A_34 = arith.addi %get3A_32, %broadcast_in_dim3A_1 : vector<16xi32>
        %gather3A_35 = tpu.vector_load_idx %arg7[%add3A_33] : memref<40064xf32, #tpu.memory_space<vmem>>[vector<16xi32>], vector<16xf32>,
        %add3A_36 = arith.addi %add3A_33, %broadcast_in_dim3A_1 : vector<16xi32>
        %add3A_37 = arith.addi %add3A_34, %broadcast_in_dim3A_1 : vector<16xi32>
        %gather3A_38 = tpu.vector_load_idx %arg7[%add3A_36] : memref<40064xf32, #tpu.memory_space<vmem>>[vector<16xi32>], vector<16xf32>,
        %add3A_39 = arith.addi %add3A_36, %broadcast_in_dim3A_1 : vector<16xi32>
        %add3A_40 = arith.addi %add3A_37, %broadcast_in_dim3A_1 : vector<16xi32>
        %gather3A_41 = tpu.vector_load_idx %arg7[%add3A_39] : memref<40064xf32, #tpu.memory_space<vmem>>[vector<16xi32>], vector<16xf32>,
        %mul3A_42 = arith.constant 4 : i32
        %mul3A_43 = arith.muli %scan3A_22, %mul3A_42 : i32
        %mul3A_44 = arith.constant 16 : i32
        %mul3A_45 = arith.muli %mul3A_43, %mul3A_44 : i32
        %add3A_46 = arith.constant 16 : i32
        %add3A_47 = arith.addi %mul3A_45, %add3A_46 : i32
        %get3A_48 = arith.index_cast %add3A_47 : i32 to index
        %get3A_49 = tpu.vector_load %arg9[%get3A_48] {strides = array<i32>} : memref<2048xi32, #tpu.memory_space<vmem>>, vector<16xi32>,
        %get3A_50 = arith.index_cast %add3A_47 : i32 to index
        %get3A_51 = tpu.vector_load %arg10[%get3A_50] {strides = array<i32>} : memref<2048xi32, #tpu.memory_space<vmem>>, vector<16xi32>,
        %gather3A_52 = tpu.vector_load_idx %arg7[%get3A_49] : memref<40064xf32, #tpu.memory_space<vmem>>[vector<16xi32>], vector<16xf32>,
        %add3A_53 = arith.addi %get3A_49, %broadcast_in_dim3A_1 : vector<16xi32>
        %add3A_54 = arith.addi %get3A_51, %broadcast_in_dim3A_1 : vector<16xi32>
        %gather3A_55 = tpu.vector_load_idx %arg7[%add3A_53] : memref<40064xf32, #tpu.memory_space<vmem>>[vector<16xi32>], vector<16xf32>,
        %add3A_56 = arith.addi %add3A_53, %broadcast_in_dim3A_1 : vector<16xi32>
        %add3A_57 = arith.addi %add3A_54, %broadcast_in_dim3A_1 : vector<16xi32>
        %gather3A_58 = tpu.vector_load_idx %arg7[%add3A_56] : memref<40064xf32, #tpu.memory_space<vmem>>[vector<16xi32>], vector<16xf32>,
        %add3A_59 = arith.addi %add3A_56, %broadcast_in_dim3A_1 : vector<16xi32>
        %add3A_60 = arith.addi %add3A_57, %broadcast_in_dim3A_1 : vector<16xi32>
        %gather3A_61 = tpu.vector_load_idx %arg7[%add3A_59] : memref<40064xf32, #tpu.memory_space<vmem>>[vector<16xi32>], vector<16xf32>,
        %mul3A_62 = arith.constant 4 : i32
        %mul3A_63 = arith.muli %scan3A_22, %mul3A_62 : i32
        %mul3A_64 = arith.constant 16 : i32
        %mul3A_65 = arith.muli %mul3A_63, %mul3A_64 : i32
        %add3A_66 = arith.constant 32 : i32
        %add3A_67 = arith.addi %mul3A_65, %add3A_66 : i32
        %get3A_68 = arith.index_cast %add3A_67 : i32 to index
        %get3A_69 = tpu.vector_load %arg9[%get3A_68] {strides = array<i32>} : memref<2048xi32, #tpu.memory_space<vmem>>, vector<16xi32>,
        %get3A_70 = arith.index_cast %add3A_67 : i32 to index
        %get3A_71 = tpu.vector_load %arg10[%get3A_70] {strides = array<i32>} : memref<2048xi32, #tpu.memory_space<vmem>>, vector<16xi32>,
        %gather3A_72 = tpu.vector_load_idx %arg7[%get3A_69] : memref<40064xf32, #tpu.memory_space<vmem>>[vector<16xi32>], vector<16xf32>,
        %add3A_73 = arith.addi %get3A_69, %broadcast_in_dim3A_1 : vector<16xi32>
        %add3A_74 = arith.addi %get3A_71, %broadcast_in_dim3A_1 : vector<16xi32>
        %gather3A_75 = tpu.vector_load_idx %arg7[%add3A_73] : memref<40064xf32, #tpu.memory_space<vmem>>[vector<16xi32>], vector<16xf32>,
        %add3A_76 = arith.addi %add3A_73, %broadcast_in_dim3A_1 : vector<16xi32>
        %add3A_77 = arith.addi %add3A_74, %broadcast_in_dim3A_1 : vector<16xi32>
        %gather3A_78 = tpu.vector_load_idx %arg7[%add3A_76] : memref<40064xf32, #tpu.memory_space<vmem>>[vector<16xi32>], vector<16xf32>,
        %add3A_79 = arith.addi %add3A_76, %broadcast_in_dim3A_1 : vector<16xi32>
        %add3A_80 = arith.addi %add3A_77, %broadcast_in_dim3A_1 : vector<16xi32>
        %gather3A_81 = tpu.vector_load_idx %arg7[%add3A_79] : memref<40064xf32, #tpu.memory_space<vmem>>[vector<16xi32>], vector<16xf32>,
        %mul3A_82 = arith.constant 4 : i32
        %mul3A_83 = arith.muli %scan3A_22, %mul3A_82 : i32
        %mul3A_84 = arith.constant 16 : i32
        %mul3A_85 = arith.muli %mul3A_83, %mul3A_84 : i32
        %add3A_86 = arith.constant 48 : i32
        %add3A_87 = arith.addi %mul3A_85, %add3A_86 : i32
        %get3A_88 = arith.index_cast %add3A_87 : i32 to index
        %get3A_89 = tpu.vector_load %arg9[%get3A_88] {strides = array<i32>} : memref<2048xi32, #tpu.memory_space<vmem>>, vector<16xi32>,
        %get3A_90 = arith.index_cast %add3A_87 : i32 to index
        %get3A_91 = tpu.vector_load %arg10[%get3A_90] {strides = array<i32>} : memref<2048xi32, #tpu.memory_space<vmem>>, vector<16xi32>,
        %gather3A_92 = tpu.vector_load_idx %arg7[%get3A_89] : memref<40064xf32, #tpu.memory_space<vmem>>[vector<16xi32>], vector<16xf32>,
        %add3A_93 = arith.addi %get3A_89, %broadcast_in_dim3A_1 : vector<16xi32>
        %add3A_94 = arith.addi %get3A_91, %broadcast_in_dim3A_1 : vector<16xi32>
        %gather3A_95 = tpu.vector_load_idx %arg7[%add3A_93] : memref<40064xf32, #tpu.memory_space<vmem>>[vector<16xi32>], vector<16xf32>,
        %add3A_96 = arith.addi %add3A_93, %broadcast_in_dim3A_1 : vector<16xi32>
        %add3A_97 = arith.addi %add3A_94, %broadcast_in_dim3A_1 : vector<16xi32>
        %gather3A_98 = tpu.vector_load_idx %arg7[%add3A_96] : memref<40064xf32, #tpu.memory_space<vmem>>[vector<16xi32>], vector<16xf32>,
        %add3A_99 = arith.addi %add3A_96, %broadcast_in_dim3A_1 : vector<16xi32>
        %add3A_100 = arith.addi %add3A_97, %broadcast_in_dim3A_1 : vector<16xi32>
        %gather3A_101 = tpu.vector_load_idx %arg7[%add3A_99] : memref<40064xf32, #tpu.memory_space<vmem>>[vector<16xi32>], vector<16xf32>,
        tpu.vector_store_idx %arg8[%get3A_32], %gather3A {add = true} : memref<40064xf32, #tpu.memory_space<vmem>>[vector<16xi32>], vector<16xf32>,
        tpu.vector_store_idx %arg8[%add3A_34], %gather3A_35 {add = true} : memref<40064xf32, #tpu.memory_space<vmem>>[vector<16xi32>], vector<16xf32>,
        tpu.vector_store_idx %arg8[%add3A_37], %gather3A_38 {add = true} : memref<40064xf32, #tpu.memory_space<vmem>>[vector<16xi32>], vector<16xf32>,
        tpu.vector_store_idx %arg8[%add3A_40], %gather3A_41 {add = true} : memref<40064xf32, #tpu.memory_space<vmem>>[vector<16xi32>], vector<16xf32>,
        tpu.vector_store_idx %arg8[%get3A_51], %gather3A_52 {add = true} : memref<40064xf32, #tpu.memory_space<vmem>>[vector<16xi32>], vector<16xf32>,
        tpu.vector_store_idx %arg8[%add3A_54], %gather3A_55 {add = true} : memref<40064xf32, #tpu.memory_space<vmem>>[vector<16xi32>], vector<16xf32>,
        tpu.vector_store_idx %arg8[%add3A_57], %gather3A_58 {add = true} : memref<40064xf32, #tpu.memory_space<vmem>>[vector<16xi32>], vector<16xf32>,
        tpu.vector_store_idx %arg8[%add3A_60], %gather3A_61 {add = true} : memref<40064xf32, #tpu.memory_space<vmem>>[vector<16xi32>], vector<16xf32>,
        tpu.vector_store_idx %arg8[%get3A_71], %gather3A_72 {add = true} : memref<40064xf32, #tpu.memory_space<vmem>>[vector<16xi32>], vector<16xf32>,
        tpu.vector_store_idx %arg8[%add3A_74], %gather3A_75 {add = true} : memref<40064xf32, #tpu.memory_space<vmem>>[vector<16xi32>], vector<16xf32>,
        tpu.vector_store_idx %arg8[%add3A_77], %gather3A_78 {add = true} : memref<40064xf32, #tpu.memory_space<vmem>>[vector<16xi32>], vector<16xf32>,
        tpu.vector_store_idx %arg8[%add3A_80], %gather3A_81 {add = true} : memref<40064xf32, #tpu.memory_space<vmem>>[vector<16xi32>], vector<16xf32>,
        tpu.vector_store_idx %arg8[%get3A_91], %gather3A_92 {add = true} : memref<40064xf32, #tpu.memory_space<vmem>>[vector<16xi32>], vector<16xf32>,
        tpu.vector_store_idx %arg8[%add3A_94], %gather3A_95 {add = true} : memref<40064xf32, #tpu.memory_space<vmem>>[vector<16xi32>], vector<16xf32>,
        tpu.vector_store_idx %arg8[%add3A_97], %gather3A_98 {add = true} : memref<40064xf32, #tpu.memory_space<vmem>>[vector<16xi32>], vector<16xf32>,
        tpu.vector_store_idx %arg8[%add3A_100], %gather3A_101 {add = true} : memref<40064xf32, #tpu.memory_space<vmem>>[vector<16xi32>], vector<16xf32>,
        %scan3A_102 = arith.constant 0 : i32
        scf.yield %scan3A_102 : i32
      }
      %scan3A_20 = arith.constant 32 : i32
      %scan3A_21 = arith.constant 0 : i32
      scf.yield %scan3A_21 : i32
    }
    %scan3A_7 = arith.constant 80 : i32
    "tpu.region"() ({
      %run_scoped3A = tpu.sem_alloc : memref<!tpu.dma_semaphore, #tpu.memory_space<semaphore_mem>>
      %dma_start3A = arith.constant 0 : i32
      %dma_start3A_8 = tpu.memref_slice %arg6[%add3A, %dma_start3A] : memref<32x40064xf32, #tpu.memory_space<hbm>> -> memref<1x40064xf32, #tpu.memory_space<hbm>>
      %dma_start3A_9 = tpu.memref_squeeze %dma_start3A_8 : memref<1x40064xf32, #tpu.memory_space<hbm>> -> memref<40064xf32, #tpu.memory_space<hbm>>
      %dma_start3A_10 = arith.constant 0 : i32
      %dma_start3A_11 = tpu.memref_slice %arg6[%add3A, %dma_start3A_10] : memref<32x40064xf32, #tpu.memory_space<hbm>> -> memref<1x40064xf32, #tpu.memory_space<hbm>>
      %dma_start3A_12 = tpu.memref_squeeze %dma_start3A_11 : memref<1x40064xf32, #tpu.memory_space<hbm>> -> memref<40064xf32, #tpu.memory_space<hbm>>
      tpu.enqueue_dma source(%arg8 : memref<40064xf32, #tpu.memory_space<vmem>>) target(%dma_start3A_12 : memref<40064xf32, #tpu.memory_space<hbm>>) target_semaphore(%run_scoped3A : memref<!tpu.dma_semaphore, #tpu.memory_space<semaphore_mem>>)
      %dma_wait3A = arith.constant 0 : i32
      %dma_wait3A_13 = tpu.memref_slice %arg6[%add3A, %dma_wait3A] : memref<32x40064xf32, #tpu.memory_space<hbm>> -> memref<1x40064xf32, #tpu.memory_space<hbm>>
      %dma_wait3A_14 = tpu.memref_squeeze %dma_wait3A_13 : memref<1x40064xf32, #tpu.memory_space<hbm>> -> memref<40064xf32, #tpu.memory_space<hbm>>
      %dma_wait3A_15 = arith.constant 0 : i32
      %dma_wait3A_16 = tpu.memref_slice %arg6[%add3A, %dma_wait3A_15] : memref<32x40064xf32, #tpu.memory_space<hbm>> -> memref<1x40064xf32, #tpu.memory_space<hbm>>
      %dma_wait3A_17 = tpu.memref_squeeze %dma_wait3A_16 : memref<1x40064xf32, #tpu.memory_space<hbm>> -> memref<40064xf32, #tpu.memory_space<hbm>>
      tpu.wait_dma2 semaphore(%run_scoped3A : memref<!tpu.dma_semaphore, #tpu.memory_space<semaphore_mem>>) src(%arg8 : memref<40064xf32, #tpu.memory_space<vmem>>) dst(%dma_wait3A_17 : memref<40064xf32, #tpu.memory_space<hbm>>)
      tpu.yield
    }) : () -> ()
    return
  }
}

#map = affine_map<(d0, d1) -> (0, 0)>
#map1 = affine_map<(d0, d1) -> (0)>
module attributes {stable_mosaic.version = 14 : i64} {
  func.func @k(%arg0: i32, %arg1: i32, %arg2: memref<32x40064xf32, #tpu.memory_space<hbm>>, %arg3: memref<40064xf32, #tpu.memory_space<hbm>>, %arg4: memref<163840xi32, #tpu.memory_space<hbm>>, %arg5: memref<163840xi32, #tpu.memory_space<hbm>>, %arg6: memref<32x40064xf32, #tpu.memory_space<hbm>>, %arg7: memref<40064xf32, #tpu.memory_space<vmem>>, %arg8: memref<40064xf32, #tpu.memory_space<vmem>>, %arg9: memref<2048xi32, #tpu.memory_space<vmem>>, %arg10: memref<2048xi32, #tpu.memory_space<vmem>>) attributes {dimension_semantics = [#tpu.dimension_semantics<core_parallel>, #tpu.dimension_semantics<subcore_parallel>], iteration_bounds = array<i64: 2, 16>, scalar_prefetch = 0 : i64, scratch_operands = 4 : i64, tpu.core_type = #tpu.core_type<sc_vector_subcore>, window_params = [{transform_indices = #map}, {transform_indices = #map1}, {transform_indices = #map1}, {transform_indices = #map1}, {transform_indices = #map}]} {
    %mul3A = arith.constant 2 : i32
    %mul3A_0 = arith.muli %arg1, %mul3A : i32
    %add3A = arith.addi %mul3A_0, %arg0 : i32
    %broadcast_in_dim3A = arith.constant 1 : i32
    %broadcast_in_dim3A_1 = vector.broadcast %broadcast_in_dim3A : i32 to vector<16xi32>
    "tpu.region"() ({
      %run_scoped3A = tpu.sem_alloc : memref<!tpu.dma_semaphore, #tpu.memory_space<semaphore_mem>>
      %dma_start3A = arith.constant 0 : i32
      %dma_start3A_8 = tpu.memref_slice %arg2[%add3A, %dma_start3A] : memref<32x40064xf32, #tpu.memory_space<hbm>> -> memref<1x40064xf32, #tpu.memory_space<hbm>>
      %dma_start3A_9 = tpu.memref_squeeze %dma_start3A_8 : memref<1x40064xf32, #tpu.memory_space<hbm>> -> memref<40064xf32, #tpu.memory_space<hbm>>
      %dma_start3A_10 = arith.constant 0 : i32
      %dma_start3A_11 = tpu.memref_slice %arg2[%add3A, %dma_start3A_10] : memref<32x40064xf32, #tpu.memory_space<hbm>> -> memref<1x40064xf32, #tpu.memory_space<hbm>>
      %dma_start3A_12 = tpu.memref_squeeze %dma_start3A_11 : memref<1x40064xf32, #tpu.memory_space<hbm>> -> memref<40064xf32, #tpu.memory_space<hbm>>
      tpu.enqueue_dma source(%dma_start3A_12 : memref<40064xf32, #tpu.memory_space<hbm>>) target(%arg7 : memref<40064xf32, #tpu.memory_space<vmem>>) target_semaphore(%run_scoped3A : memref<!tpu.dma_semaphore, #tpu.memory_space<semaphore_mem>>)
      %dma_wait3A = arith.constant 0 : i32
      %dma_wait3A_13 = tpu.memref_slice %arg2[%add3A, %dma_wait3A] : memref<32x40064xf32, #tpu.memory_space<hbm>> -> memref<1x40064xf32, #tpu.memory_space<hbm>>
      %dma_wait3A_14 = tpu.memref_squeeze %dma_wait3A_13 : memref<1x40064xf32, #tpu.memory_space<hbm>> -> memref<40064xf32, #tpu.memory_space<hbm>>
      %dma_wait3A_15 = arith.constant 0 : i32
      %dma_wait3A_16 = tpu.memref_slice %arg2[%add3A, %dma_wait3A_15] : memref<32x40064xf32, #tpu.memory_space<hbm>> -> memref<1x40064xf32, #tpu.memory_space<hbm>>
      %dma_wait3A_17 = tpu.memref_squeeze %dma_wait3A_16 : memref<1x40064xf32, #tpu.memory_space<hbm>> -> memref<40064xf32, #tpu.memory_space<hbm>>
      tpu.wait_dma2 semaphore(%run_scoped3A : memref<!tpu.dma_semaphore, #tpu.memory_space<semaphore_mem>>) src(%dma_wait3A_17 : memref<40064xf32, #tpu.memory_space<hbm>>) dst(%arg7 : memref<40064xf32, #tpu.memory_space<vmem>>)
      tpu.yield
    }) : () -> ()
    "tpu.region"() ({
      %run_scoped3A = tpu.sem_alloc : memref<!tpu.dma_semaphore, #tpu.memory_space<semaphore_mem>>
      tpu.enqueue_dma source(%arg3 : memref<40064xf32, #tpu.memory_space<hbm>>) target(%arg8 : memref<40064xf32, #tpu.memory_space<vmem>>) target_semaphore(%run_scoped3A : memref<!tpu.dma_semaphore, #tpu.memory_space<semaphore_mem>>)
      tpu.wait_dma2 semaphore(%run_scoped3A : memref<!tpu.dma_semaphore, #tpu.memory_space<semaphore_mem>>) src(%arg3 : memref<40064xf32, #tpu.memory_space<hbm>>) dst(%arg8 : memref<40064xf32, #tpu.memory_space<vmem>>)
      tpu.yield
    }) : () -> ()
    %scan3A = arith.constant 0 : i32
    %scan3A_2 = arith.constant 0 : i32
    %scan3A_3 = arith.constant 80 : i32
    %scan3A_4 = arith.addi %scan3A_2, %scan3A_3 : i32
    %scan3A_5 = arith.constant 1 : i32
    %scan3A_6 = scf.for %scan3A_8 = %scan3A_2 to %scan3A_4 step %scan3A_5 iter_args(%scan3A_9 = %scan3A) -> (i32)  : i32 {
      %mul3A_10 = arith.constant 2048 : i32
      %mul3A_11 = arith.muli %scan3A_8, %mul3A_10 : i32
      "tpu.region"() ({
        %run_scoped3A = tpu.sem_alloc : memref<!tpu.dma_semaphore, #tpu.memory_space<semaphore_mem>>
        %dma_start3A = tpu.memref_slice %arg4[%mul3A_11] : memref<163840xi32, #tpu.memory_space<hbm>> -> memref<2048xi32, #tpu.memory_space<hbm>>
        %dma_start3A_22 = tpu.memref_slice %arg4[%mul3A_11] : memref<163840xi32, #tpu.memory_space<hbm>> -> memref<2048xi32, #tpu.memory_space<hbm>>
        tpu.enqueue_dma source(%dma_start3A_22 : memref<2048xi32, #tpu.memory_space<hbm>>) target(%arg9 : memref<2048xi32, #tpu.memory_space<vmem>>) target_semaphore(%run_scoped3A : memref<!tpu.dma_semaphore, #tpu.memory_space<semaphore_mem>>)
        %dma_wait3A = tpu.memref_slice %arg4[%mul3A_11] : memref<163840xi32, #tpu.memory_space<hbm>> -> memref<2048xi32, #tpu.memory_space<hbm>>
        %dma_wait3A_23 = tpu.memref_slice %arg4[%mul3A_11] : memref<163840xi32, #tpu.memory_space<hbm>> -> memref<2048xi32, #tpu.memory_space<hbm>>
        tpu.wait_dma2 semaphore(%run_scoped3A : memref<!tpu.dma_semaphore, #tpu.memory_space<semaphore_mem>>) src(%dma_wait3A_23 : memref<2048xi32, #tpu.memory_space<hbm>>) dst(%arg9 : memref<2048xi32, #tpu.memory_space<vmem>>)
        tpu.yield
      }) : () -> ()
      %mul3A_12 = arith.constant 2048 : i32
      %mul3A_13 = arith.muli %scan3A_8, %mul3A_12 : i32
      "tpu.region"() ({
        %run_scoped3A = tpu.sem_alloc : memref<!tpu.dma_semaphore, #tpu.memory_space<semaphore_mem>>
        %dma_start3A = tpu.memref_slice %arg5[%mul3A_13] : memref<163840xi32, #tpu.memory_space<hbm>> -> memref<2048xi32, #tpu.memory_space<hbm>>
        %dma_start3A_22 = tpu.memref_slice %arg5[%mul3A_13] : memref<163840xi32, #tpu.memory_space<hbm>> -> memref<2048xi32, #tpu.memory_space<hbm>>
        tpu.enqueue_dma source(%dma_start3A_22 : memref<2048xi32, #tpu.memory_space<hbm>>) target(%arg10 : memref<2048xi32, #tpu.memory_space<vmem>>) target_semaphore(%run_scoped3A : memref<!tpu.dma_semaphore, #tpu.memory_space<semaphore_mem>>)
        %dma_wait3A = tpu.memref_slice %arg5[%mul3A_13] : memref<163840xi32, #tpu.memory_space<hbm>> -> memref<2048xi32, #tpu.memory_space<hbm>>
        %dma_wait3A_23 = tpu.memref_slice %arg5[%mul3A_13] : memref<163840xi32, #tpu.memory_space<hbm>> -> memref<2048xi32, #tpu.memory_space<hbm>>
        tpu.wait_dma2 semaphore(%run_scoped3A : memref<!tpu.dma_semaphore, #tpu.memory_space<semaphore_mem>>) src(%dma_wait3A_23 : memref<2048xi32, #tpu.memory_space<hbm>>) dst(%arg10 : memref<2048xi32, #tpu.memory_space<vmem>>)
        tpu.yield
      }) : () -> ()
      %scan3A_14 = arith.constant 0 : i32
      %scan3A_15 = arith.constant 0 : i32
      %scan3A_16 = arith.constant 32 : i32
      %scan3A_17 = arith.addi %scan3A_15, %scan3A_16 : i32
      %scan3A_18 = arith.constant 1 : i32
      %scan3A_19 = scf.for %scan3A_22 = %scan3A_15 to %scan3A_17 step %scan3A_18 iter_args(%scan3A_23 = %scan3A_14) -> (i32)  : i32 {
        %mul3A_24 = arith.constant 4 : i32
        %mul3A_25 = arith.muli %scan3A_22, %mul3A_24 : i32
        %mul3A_26 = arith.constant 16 : i32
        %mul3A_27 = arith.muli %mul3A_25, %mul3A_26 : i32
        %add3A_28 = arith.constant 0 : i32
        %add3A_29 = arith.addi %mul3A_27, %add3A_28 : i32
        %get3A = arith.index_cast %add3A_29 : i32 to index
        %get3A_30 = tpu.vector_load %arg9[%get3A] {strides = array<i32>} : memref<2048xi32, #tpu.memory_space<vmem>>, vector<16xi32>,
        %get3A_31 = arith.index_cast %add3A_29 : i32 to index
        %get3A_32 = tpu.vector_load %arg10[%get3A_31] {strides = array<i32>} : memref<2048xi32, #tpu.memory_space<vmem>>, vector<16xi32>,
        %gather3A = tpu.vector_load_idx %arg7[%get3A_30] : memref<40064xf32, #tpu.memory_space<vmem>>[vector<16xi32>], vector<16xf32>,
        %add3A_33 = arith.addi %get3A_30, %broadcast_in_dim3A_1 : vector<16xi32>
        %add3A_34 = arith.addi %get3A_32, %broadcast_in_dim3A_1 : vector<16xi32>
        %gather3A_35 = tpu.vector_load_idx %arg7[%add3A_33] : memref<40064xf32, #tpu.memory_space<vmem>>[vector<16xi32>], vector<16xf32>,
        %add3A_36 = arith.addi %add3A_33, %broadcast_in_dim3A_1 : vector<16xi32>
        %add3A_37 = arith.addi %add3A_34, %broadcast_in_dim3A_1 : vector<16xi32>
        %gather3A_38 = tpu.vector_load_idx %arg7[%add3A_36] : memref<40064xf32, #tpu.memory_space<vmem>>[vector<16xi32>], vector<16xf32>,
        %add3A_39 = arith.addi %add3A_36, %broadcast_in_dim3A_1 : vector<16xi32>
        %add3A_40 = arith.addi %add3A_37, %broadcast_in_dim3A_1 : vector<16xi32>
        %gather3A_41 = tpu.vector_load_idx %arg7[%add3A_39] : memref<40064xf32, #tpu.memory_space<vmem>>[vector<16xi32>], vector<16xf32>,
        %mul3A_42 = arith.constant 4 : i32
        %mul3A_43 = arith.muli %scan3A_22, %mul3A_42 : i32
        %mul3A_44 = arith.constant 16 : i32
        %mul3A_45 = arith.muli %mul3A_43, %mul3A_44 : i32
        %add3A_46 = arith.constant 16 : i32
        %add3A_47 = arith.addi %mul3A_45, %add3A_46 : i32
        %get3A_48 = arith.index_cast %add3A_47 : i32 to index
        %get3A_49 = tpu.vector_load %arg9[%get3A_48] {strides = array<i32>} : memref<2048xi32, #tpu.memory_space<vmem>>, vector<16xi32>,
        %get3A_50 = arith.index_cast %add3A_47 : i32 to index
        %get3A_51 = tpu.vector_load %arg10[%get3A_50] {strides = array<i32>} : memref<2048xi32, #tpu.memory_space<vmem>>, vector<16xi32>,
        %gather3A_52 = tpu.vector_load_idx %arg7[%get3A_49] : memref<40064xf32, #tpu.memory_space<vmem>>[vector<16xi32>], vector<16xf32>,
        %add3A_53 = arith.addi %get3A_49, %broadcast_in_dim3A_1 : vector<16xi32>
        %add3A_54 = arith.addi %get3A_51, %broadcast_in_dim3A_1 : vector<16xi32>
        %gather3A_55 = tpu.vector_load_idx %arg7[%add3A_53] : memref<40064xf32, #tpu.memory_space<vmem>>[vector<16xi32>], vector<16xf32>,
        %add3A_56 = arith.addi %add3A_53, %broadcast_in_dim3A_1 : vector<16xi32>
        %add3A_57 = arith.addi %add3A_54, %broadcast_in_dim3A_1 : vector<16xi32>
        %gather3A_58 = tpu.vector_load_idx %arg7[%add3A_56] : memref<40064xf32, #tpu.memory_space<vmem>>[vector<16xi32>], vector<16xf32>,
        %add3A_59 = arith.addi %add3A_56, %broadcast_in_dim3A_1 : vector<16xi32>
        %add3A_60 = arith.addi %add3A_57, %broadcast_in_dim3A_1 : vector<16xi32>
        %gather3A_61 = tpu.vector_load_idx %arg7[%add3A_59] : memref<40064xf32, #tpu.memory_space<vmem>>[vector<16xi32>], vector<16xf32>,
        %mul3A_62 = arith.constant 4 : i32
        %mul3A_63 = arith.muli %scan3A_22, %mul3A_62 : i32
        %mul3A_64 = arith.constant 16 : i32
        %mul3A_65 = arith.muli %mul3A_63, %mul3A_64 : i32
        %add3A_66 = arith.constant 32 : i32
        %add3A_67 = arith.addi %mul3A_65, %add3A_66 : i32
        %get3A_68 = arith.index_cast %add3A_67 : i32 to index
        %get3A_69 = tpu.vector_load %arg9[%get3A_68] {strides = array<i32>} : memref<2048xi32, #tpu.memory_space<vmem>>, vector<16xi32>,
        %get3A_70 = arith.index_cast %add3A_67 : i32 to index
        %get3A_71 = tpu.vector_load %arg10[%get3A_70] {strides = array<i32>} : memref<2048xi32, #tpu.memory_space<vmem>>, vector<16xi32>,
        %gather3A_72 = tpu.vector_load_idx %arg7[%get3A_69] : memref<40064xf32, #tpu.memory_space<vmem>>[vector<16xi32>], vector<16xf32>,
        %add3A_73 = arith.addi %get3A_69, %broadcast_in_dim3A_1 : vector<16xi32>
        %add3A_74 = arith.addi %get3A_71, %broadcast_in_dim3A_1 : vector<16xi32>
        %gather3A_75 = tpu.vector_load_idx %arg7[%add3A_73] : memref<40064xf32, #tpu.memory_space<vmem>>[vector<16xi32>], vector<16xf32>,
        %add3A_76 = arith.addi %add3A_73, %broadcast_in_dim3A_1 : vector<16xi32>
        %add3A_77 = arith.addi %add3A_74, %broadcast_in_dim3A_1 : vector<16xi32>
        %gather3A_78 = tpu.vector_load_idx %arg7[%add3A_76] : memref<40064xf32, #tpu.memory_space<vmem>>[vector<16xi32>], vector<16xf32>,
        %add3A_79 = arith.addi %add3A_76, %broadcast_in_dim3A_1 : vector<16xi32>
        %add3A_80 = arith.addi %add3A_77, %broadcast_in_dim3A_1 : vector<16xi32>
        %gather3A_81 = tpu.vector_load_idx %arg7[%add3A_79] : memref<40064xf32, #tpu.memory_space<vmem>>[vector<16xi32>], vector<16xf32>,
        %mul3A_82 = arith.constant 4 : i32
        %mul3A_83 = arith.muli %scan3A_22, %mul3A_82 : i32
        %mul3A_84 = arith.constant 16 : i32
        %mul3A_85 = arith.muli %mul3A_83, %mul3A_84 : i32
        %add3A_86 = arith.constant 48 : i32
        %add3A_87 = arith.addi %mul3A_85, %add3A_86 : i32
        %get3A_88 = arith.index_cast %add3A_87 : i32 to index
        %get3A_89 = tpu.vector_load %arg9[%get3A_88] {strides = array<i32>} : memref<2048xi32, #tpu.memory_space<vmem>>, vector<16xi32>,
        %get3A_90 = arith.index_cast %add3A_87 : i32 to index
        %get3A_91 = tpu.vector_load %arg10[%get3A_90] {strides = array<i32>} : memref<2048xi32, #tpu.memory_space<vmem>>, vector<16xi32>,
        %gather3A_92 = tpu.vector_load_idx %arg7[%get3A_89] : memref<40064xf32, #tpu.memory_space<vmem>>[vector<16xi32>], vector<16xf32>,
        %add3A_93 = arith.addi %get3A_89, %broadcast_in_dim3A_1 : vector<16xi32>
        %add3A_94 = arith.addi %get3A_91, %broadcast_in_dim3A_1 : vector<16xi32>
        %gather3A_95 = tpu.vector_load_idx %arg7[%add3A_93] : memref<40064xf32, #tpu.memory_space<vmem>>[vector<16xi32>], vector<16xf32>,
        %add3A_96 = arith.addi %add3A_93, %broadcast_in_dim3A_1 : vector<16xi32>
        %add3A_97 = arith.addi %add3A_94, %broadcast_in_dim3A_1 : vector<16xi32>
        %gather3A_98 = tpu.vector_load_idx %arg7[%add3A_96] : memref<40064xf32, #tpu.memory_space<vmem>>[vector<16xi32>], vector<16xf32>,
        %add3A_99 = arith.addi %add3A_96, %broadcast_in_dim3A_1 : vector<16xi32>
        %add3A_100 = arith.addi %add3A_97, %broadcast_in_dim3A_1 : vector<16xi32>
        %gather3A_101 = tpu.vector_load_idx %arg7[%add3A_99] : memref<40064xf32, #tpu.memory_space<vmem>>[vector<16xi32>], vector<16xf32>,
        tpu.vector_store_idx %arg8[%get3A_32], %gather3A {add = true} : memref<40064xf32, #tpu.memory_space<vmem>>[vector<16xi32>], vector<16xf32>,
        tpu.vector_store_idx %arg8[%add3A_34], %gather3A_35 {add = true} : memref<40064xf32, #tpu.memory_space<vmem>>[vector<16xi32>], vector<16xf32>,
        tpu.vector_store_idx %arg8[%add3A_37], %gather3A_38 {add = true} : memref<40064xf32, #tpu.memory_space<vmem>>[vector<16xi32>], vector<16xf32>,
        tpu.vector_store_idx %arg8[%add3A_40], %gather3A_41 {add = true} : memref<40064xf32, #tpu.memory_space<vmem>>[vector<16xi32>], vector<16xf32>,
        tpu.vector_store_idx %arg8[%get3A_51], %gather3A_52 {add = true} : memref<40064xf32, #tpu.memory_space<vmem>>[vector<16xi32>], vector<16xf32>,
        tpu.vector_store_idx %arg8[%add3A_54], %gather3A_55 {add = true} : memref<40064xf32, #tpu.memory_space<vmem>>[vector<16xi32>], vector<16xf32>,
        tpu.vector_store_idx %arg8[%add3A_57], %gather3A_58 {add = true} : memref<40064xf32, #tpu.memory_space<vmem>>[vector<16xi32>], vector<16xf32>,
        tpu.vector_store_idx %arg8[%add3A_60], %gather3A_61 {add = true} : memref<40064xf32, #tpu.memory_space<vmem>>[vector<16xi32>], vector<16xf32>,
        tpu.vector_store_idx %arg8[%get3A_71], %gather3A_72 {add = true} : memref<40064xf32, #tpu.memory_space<vmem>>[vector<16xi32>], vector<16xf32>,
        tpu.vector_store_idx %arg8[%add3A_74], %gather3A_75 {add = true} : memref<40064xf32, #tpu.memory_space<vmem>>[vector<16xi32>], vector<16xf32>,
        tpu.vector_store_idx %arg8[%add3A_77], %gather3A_78 {add = true} : memref<40064xf32, #tpu.memory_space<vmem>>[vector<16xi32>], vector<16xf32>,
        tpu.vector_store_idx %arg8[%add3A_80], %gather3A_81 {add = true} : memref<40064xf32, #tpu.memory_space<vmem>>[vector<16xi32>], vector<16xf32>,
        tpu.vector_store_idx %arg8[%get3A_91], %gather3A_92 {add = true} : memref<40064xf32, #tpu.memory_space<vmem>>[vector<16xi32>], vector<16xf32>,
        tpu.vector_store_idx %arg8[%add3A_94], %gather3A_95 {add = true} : memref<40064xf32, #tpu.memory_space<vmem>>[vector<16xi32>], vector<16xf32>,
        tpu.vector_store_idx %arg8[%add3A_97], %gather3A_98 {add = true} : memref<40064xf32, #tpu.memory_space<vmem>>[vector<16xi32>], vector<16xf32>,
        tpu.vector_store_idx %arg8[%add3A_100], %gather3A_101 {add = true} : memref<40064xf32, #tpu.memory_space<vmem>>[vector<16xi32>], vector<16xf32>,
        %scan3A_102 = arith.constant 0 : i32
        scf.yield %scan3A_102 : i32
      }
      %scan3A_20 = arith.constant 32 : i32
      %scan3A_21 = arith.constant 0 : i32
      scf.yield %scan3A_21 : i32
    }
    %scan3A_7 = arith.constant 80 : i32
    "tpu.region"() ({
      %run_scoped3A = tpu.sem_alloc : memref<!tpu.dma_semaphore, #tpu.memory_space<semaphore_mem>>
      %dma_start3A = arith.constant 0 : i32
      %dma_start3A_8 = tpu.memref_slice %arg6[%add3A, %dma_start3A] : memref<32x40064xf32, #tpu.memory_space<hbm>> -> memref<1x40064xf32, #tpu.memory_space<hbm>>
      %dma_start3A_9 = tpu.memref_squeeze %dma_start3A_8 : memref<1x40064xf32, #tpu.memory_space<hbm>> -> memref<40064xf32, #tpu.memory_space<hbm>>
      %dma_start3A_10 = arith.constant 0 : i32
      %dma_start3A_11 = tpu.memref_slice %arg6[%add3A, %dma_start3A_10] : memref<32x40064xf32, #tpu.memory_space<hbm>> -> memref<1x40064xf32, #tpu.memory_space<hbm>>
      %dma_start3A_12 = tpu.memref_squeeze %dma_start3A_11 : memref<1x40064xf32, #tpu.memory_space<hbm>> -> memref<40064xf32, #tpu.memory_space<hbm>>
      tpu.enqueue_dma source(%arg8 : memref<40064xf32, #tpu.memory_space<vmem>>) target(%dma_start3A_12 : memref<40064xf32, #tpu.memory_space<hbm>>) target_semaphore(%run_scoped3A : memref<!tpu.dma_semaphore, #tpu.memory_space<semaphore_mem>>)
      %dma_wait3A = arith.constant 0 : i32
      %dma_wait3A_13 = tpu.memref_slice %arg6[%add3A, %dma_wait3A] : memref<32x40064xf32, #tpu.memory_space<hbm>> -> memref<1x40064xf32, #tpu.memory_space<hbm>>
      %dma_wait3A_14 = tpu.memref_squeeze %dma_wait3A_13 : memref<1x40064xf32, #tpu.memory_space<hbm>> -> memref<40064xf32, #tpu.memory_space<hbm>>
      %dma_wait3A_15 = arith.constant 0 : i32
      %dma_wait3A_16 = tpu.memref_slice %arg6[%add3A, %dma_wait3A_15] : memref<32x40064xf32, #tpu.memory_space<hbm>> -> memref<1x40064xf32, #tpu.memory_space<hbm>>
      %dma_wait3A_17 = tpu.memref_squeeze %dma_wait3A_16 : memref<1x40064xf32, #tpu.memory_space<hbm>> -> memref<40064xf32, #tpu.memory_space<hbm>>
      tpu.wait_dma2 semaphore(%run_scoped3A : memref<!tpu.dma_semaphore, #tpu.memory_space<semaphore_mem>>) src(%arg8 : memref<40064xf32, #tpu.memory_space<vmem>>) dst(%dma_wait3A_17 : memref<40064xf32, #tpu.memory_space<hbm>>)
      tpu.yield
    }) : () -> ()
    return
  }
}

module attributes {stable_mosaic.version = 14 : i64} {
  func.func @_stage1_body(%arg0: i32, %arg1: memref<1000x1xf32, #tpu.memory_space<vmem>>, %arg2: memref<1000x64xf32, #tpu.memory_space<vmem>>, %arg3: memref<1x256xf32, #tpu.memory_space<vmem>>, %arg4: memref<1x256xf32, #tpu.memory_space<vmem>>, %arg5: memref<1x256xf32, #tpu.memory_space<vmem>>, %arg6: memref<1000x256xf32, #tpu.memory_space<vmem>>, %arg7: memref<1000x1xf32, #tpu.memory_space<vmem>>) attributes {dimension_semantics = [#tpu.dimension_semantics<arbitrary>], iteration_bounds = array<i64: 10>, scalar_prefetch = 0 : i64, scratch_operands = 0 : i64, tpu.core_type = #tpu.core_type<tc>, window_params = [{transform_indices = @transform_0, window_bounds = array<i64: 1000, 1>}, {transform_indices = @transform_1, window_bounds = array<i64: 1000, 64>}, {pipeline_mode = #tpu.pipeline_mode<synchronous>, transform_indices = @transform_2, window_bounds = array<i64: 1, 256>}, {pipeline_mode = #tpu.pipeline_mode<synchronous>, transform_indices = @transform_3, window_bounds = array<i64: 1, 256>}, {pipeline_mode = #tpu.pipeline_mode<synchronous>, transform_indices = @transform_4, window_bounds = array<i64: 1, 256>}, {transform_indices = @transform_5, window_bounds = array<i64: 1000, 256>}, {transform_indices = @transform_6, window_bounds = array<i64: 1000, 1>}]} {
    %get3A = arith.constant 0 : index
    %get3A_0 = arith.constant 0 : index
    %get3A_1 = vector.load %arg2[%get3A, %get3A_0] : memref<1000x64xf32, #tpu.memory_space<vmem>>, vector<1000x32xf32>
    %reduce_sum3A = arith.constant dense<0.000000e+00> : vector<1000xf32>
    %reduce_sum3A_2 = vector.multi_reduction <add>, %get3A_1, %reduce_sum3A [1] : vector<1000x32xf32> to vector<1000xf32>
    %broadcast_in_dim3A = vector.shape_cast %reduce_sum3A_2 : vector<1000xf32> to vector<1000x1xf32>
    %get3A_3 = arith.constant 0 : index
    %get3A_4 = arith.constant 32 : index
    %get3A_5 = vector.load %arg2[%get3A_3, %get3A_4] : memref<1000x64xf32, #tpu.memory_space<vmem>>, vector<1000x32xf32>
    %reduce_sum3A_6 = arith.constant dense<0.000000e+00> : vector<1000xf32>
    %reduce_sum3A_7 = vector.multi_reduction <add>, %get3A_5, %reduce_sum3A_6 [1] : vector<1000x32xf32> to vector<1000xf32>
    %broadcast_in_dim3A_8 = vector.shape_cast %reduce_sum3A_7 : vector<1000xf32> to vector<1000x1xf32>
    %swap3A = arith.constant 0 : index
    %swap3A_9 = arith.constant 0 : index
    %swap3A_10 = vector.load %arg7[%swap3A, %swap3A_9] : memref<1000x1xf32, #tpu.memory_space<vmem>>, vector<1000x1xf32>
    tpu.vector_store %arg7[%swap3A, %swap3A_9], %broadcast_in_dim3A_8 {strides = array<i32>} : memref<1000x1xf32, #tpu.memory_space<vmem>>, vector<1000x1xf32>,
    %get3A_11 = arith.constant 0 : index
    %get3A_12 = arith.constant 0 : index
    %get3A_13 = vector.load %arg3[%get3A_11, %get3A_12] : memref<1x256xf32, #tpu.memory_space<vmem>>, vector<1x256xf32>
    %mul3A = vector.broadcast %broadcast_in_dim3A : vector<1000x1xf32> to vector<1000x256xf32>
    %mul3A_14 = vector.broadcast %get3A_13 : vector<1x256xf32> to vector<1000x256xf32>
    %mul3A_15 = arith.mulf %mul3A, %mul3A_14 : vector<1000x256xf32>
    %get3A_16 = arith.constant 0 : index
    %get3A_17 = arith.constant 0 : index
    %get3A_18 = vector.load %arg1[%get3A_16, %get3A_17] : memref<1000x1xf32, #tpu.memory_space<vmem>>, vector<1000x1xf32>
    %get3A_19 = arith.constant 0 : index
    %get3A_20 = arith.constant 0 : index
    %get3A_21 = vector.load %arg4[%get3A_19, %get3A_20] : memref<1x256xf32, #tpu.memory_space<vmem>>, vector<1x256xf32>
    %mul3A_22 = vector.broadcast %get3A_18 : vector<1000x1xf32> to vector<1000x256xf32>
    %mul3A_23 = vector.broadcast %get3A_21 : vector<1x256xf32> to vector<1000x256xf32>
    %mul3A_24 = arith.mulf %mul3A_22, %mul3A_23 : vector<1000x256xf32>
    %add3A = arith.addf %mul3A_15, %mul3A_24 : vector<1000x256xf32>
    %get3A_25 = arith.constant 0 : index
    %get3A_26 = arith.constant 0 : index
    %get3A_27 = vector.load %arg5[%get3A_25, %get3A_26] : memref<1x256xf32, #tpu.memory_space<vmem>>, vector<1x256xf32>
    %add3A_28 = vector.broadcast %get3A_27 : vector<1x256xf32> to vector<1000x256xf32>
    %add3A_29 = arith.addf %add3A, %add3A_28 : vector<1000x256xf32>
    %ge3A = arith.constant 0.000000e+00 : f32
    %ge3A_30 = vector.broadcast %ge3A : f32 to vector<1000x256xf32>
    %ge3A_31 = arith.cmpf oge, %add3A_29, %ge3A_30 : vector<1000x256xf32>
    %mul3A_32 = arith.constant 0.00999999977 : f32
    %mul3A_33 = vector.broadcast %mul3A_32 : f32 to vector<1000x256xf32>
    %mul3A_34 = arith.mulf %mul3A_33, %add3A_29 : vector<1000x256xf32>
    %select_n3A = arith.select %ge3A_31, %add3A_29, %mul3A_34 : vector<1000x256xi1>, vector<1000x256xf32>
    %swap3A_35 = arith.constant 0 : index
    %swap3A_36 = arith.constant 0 : index
    %swap3A_37 = vector.load %arg6[%swap3A_35, %swap3A_36] : memref<1000x256xf32, #tpu.memory_space<vmem>>, vector<1000x256xf32>
    tpu.vector_store %arg6[%swap3A_35, %swap3A_36], %select_n3A {strides = array<i32>} : memref<1000x256xf32, #tpu.memory_space<vmem>>, vector<1000x256xf32>,
    return
  }
  func.func @transform_0(%arg0: i32) -> (i32, i32) {
    %c0_i32 = arith.constant 0 : i32
    %c0_i32_0 = arith.constant 0 : i32
    return %arg0, %c0_i32 : i32, i32
  }
  func.func @transform_1(%arg0: i32) -> (i32, i32) {
    %c0_i32 = arith.constant 0 : i32
    %c0_i32_0 = arith.constant 0 : i32
    return %arg0, %c0_i32 : i32, i32
  }
  func.func @transform_2(%arg0: i32) -> (i32, i32) {
    %c0_i32 = arith.constant 0 : i32
    %c0_i32_0 = arith.constant 0 : i32
    %c0_i32_1 = arith.constant 0 : i32
    return %c0_i32, %c0_i32_0 : i32, i32
  }
  func.func @transform_3(%arg0: i32) -> (i32, i32) {
    %c0_i32 = arith.constant 0 : i32
    %c0_i32_0 = arith.constant 0 : i32
    %c0_i32_1 = arith.constant 0 : i32
    return %c0_i32, %c0_i32_0 : i32, i32
  }
  func.func @transform_4(%arg0: i32) -> (i32, i32) {
    %c0_i32 = arith.constant 0 : i32
    %c0_i32_0 = arith.constant 0 : i32
    %c0_i32_1 = arith.constant 0 : i32
    return %c0_i32, %c0_i32_0 : i32, i32
  }
  func.func @transform_5(%arg0: i32) -> (i32, i32) {
    %c0_i32 = arith.constant 0 : i32
    %c0_i32_0 = arith.constant 0 : i32
    return %arg0, %c0_i32 : i32, i32
  }
  func.func @transform_6(%arg0: i32) -> (i32, i32) {
    %c0_i32 = arith.constant 0 : i32
    %c0_i32_0 = arith.constant 0 : i32
    return %arg0, %c0_i32 : i32, i32
  }
}

module attributes {stable_mosaic.version = 14 : i64} {
  func.func @_stage2_body(%arg0: i32, %arg1: memref<1000x256xf32, #tpu.memory_space<vmem>>, %arg2: memref<1000x256xf32, #tpu.memory_space<vmem>>, %arg3: memref<1x256xf32, #tpu.memory_space<vmem>>, %arg4: memref<256x256xf32, #tpu.memory_space<vmem>>, %arg5: memref<256x256xf32, #tpu.memory_space<vmem>>, %arg6: memref<1000x256xf32, #tpu.memory_space<vmem>>) attributes {dimension_semantics = [#tpu.dimension_semantics<arbitrary>], iteration_bounds = array<i64: 10>, scalar_prefetch = 0 : i64, scratch_operands = 0 : i64, tpu.core_type = #tpu.core_type<tc>, window_params = [{transform_indices = @transform_0, window_bounds = array<i64: 1000, 256>}, {transform_indices = @transform_1, window_bounds = array<i64: 1000, 256>}, {pipeline_mode = #tpu.pipeline_mode<synchronous>, transform_indices = @transform_2, window_bounds = array<i64: 1, 256>}, {pipeline_mode = #tpu.pipeline_mode<synchronous>, transform_indices = @transform_3, window_bounds = array<i64: 256, 256>}, {pipeline_mode = #tpu.pipeline_mode<synchronous>, transform_indices = @transform_4, window_bounds = array<i64: 256, 256>}, {transform_indices = @transform_5, window_bounds = array<i64: 1000, 256>}]} {
    %get3A = arith.constant 0 : index
    %get3A_0 = arith.constant 0 : index
    %get3A_1 = vector.load %arg1[%get3A, %get3A_0] : memref<1000x256xf32, #tpu.memory_space<vmem>>, vector<1000x256xf32>
    %get3A_2 = arith.constant 0 : index
    %get3A_3 = arith.constant 0 : index
    %get3A_4 = vector.load %arg4[%get3A_2, %get3A_3] : memref<256x256xf32, #tpu.memory_space<vmem>>, vector<256x256xf32>
    %dot_general3A = arith.constant dense<0.000000e+00> : vector<1000x256xf32>
    %dot_general3A_5 = tpu.matmul %get3A_1, %get3A_4, %dot_general3A {dimension_numbers = #tpu.dot_dimension_numbers<[1], [1], [0], [0], [0, 0, 1, 0], [], []>, precision = #tpu.contract_precision<fp32>, transpose_lhs_hint = false} : vector<1000x256xf32>, vector<256x256xf32>, vector<1000x256xf32> -> vector<1000x256xf32>
    %get3A_6 = arith.constant 0 : index
    %get3A_7 = arith.constant 0 : index
    %get3A_8 = vector.load %arg3[%get3A_6, %get3A_7] : memref<1x256xf32, #tpu.memory_space<vmem>>, vector<1x256xf32>
    %add3A = vector.broadcast %get3A_8 : vector<1x256xf32> to vector<1000x256xf32>
    %add3A_9 = arith.addf %dot_general3A_5, %add3A : vector<1000x256xf32>
    %get3A_10 = arith.constant 0 : index
    %get3A_11 = arith.constant 0 : index
    %get3A_12 = vector.load %arg2[%get3A_10, %get3A_11] : memref<1000x256xf32, #tpu.memory_space<vmem>>, vector<1000x256xf32>
    %get3A_13 = arith.constant 0 : index
    %get3A_14 = arith.constant 0 : index
    %get3A_15 = vector.load %arg5[%get3A_13, %get3A_14] : memref<256x256xf32, #tpu.memory_space<vmem>>, vector<256x256xf32>
    %dot_general3A_16 = arith.constant dense<0.000000e+00> : vector<1000x256xf32>
    %dot_general3A_17 = tpu.matmul %get3A_12, %get3A_15, %dot_general3A_16 {dimension_numbers = #tpu.dot_dimension_numbers<[1], [1], [0], [0], [0, 0, 1, 0], [], []>, precision = #tpu.contract_precision<fp32>, transpose_lhs_hint = false} : vector<1000x256xf32>, vector<256x256xf32>, vector<1000x256xf32> -> vector<1000x256xf32>
    %add3A_18 = arith.addf %add3A_9, %dot_general3A_17 : vector<1000x256xf32>
    %ge3A = arith.constant 0.000000e+00 : f32
    %ge3A_19 = vector.broadcast %ge3A : f32 to vector<1000x256xf32>
    %ge3A_20 = arith.cmpf oge, %add3A_18, %ge3A_19 : vector<1000x256xf32>
    %mul3A = arith.constant 0.00999999977 : f32
    %mul3A_21 = vector.broadcast %mul3A : f32 to vector<1000x256xf32>
    %mul3A_22 = arith.mulf %mul3A_21, %add3A_18 : vector<1000x256xf32>
    %select_n3A = arith.select %ge3A_20, %add3A_18, %mul3A_22 : vector<1000x256xi1>, vector<1000x256xf32>
    %swap3A = arith.constant 0 : index
    %swap3A_23 = arith.constant 0 : index
    %swap3A_24 = vector.load %arg6[%swap3A, %swap3A_23] : memref<1000x256xf32, #tpu.memory_space<vmem>>, vector<1000x256xf32>
    tpu.vector_store %arg6[%swap3A, %swap3A_23], %select_n3A {strides = array<i32>} : memref<1000x256xf32, #tpu.memory_space<vmem>>, vector<1000x256xf32>,
    return
  }
  func.func @transform_0(%arg0: i32) -> (i32, i32) {
    %c0_i32 = arith.constant 0 : i32
    %c0_i32_0 = arith.constant 0 : i32
    return %arg0, %c0_i32 : i32, i32
  }
  func.func @transform_1(%arg0: i32) -> (i32, i32) {
    %c0_i32 = arith.constant 0 : i32
    %c0_i32_0 = arith.constant 0 : i32
    return %arg0, %c0_i32 : i32, i32
  }
  func.func @transform_2(%arg0: i32) -> (i32, i32) {
    %c0_i32 = arith.constant 0 : i32
    %c0_i32_0 = arith.constant 0 : i32
    %c0_i32_1 = arith.constant 0 : i32
    return %c0_i32, %c0_i32_0 : i32, i32
  }
  func.func @transform_3(%arg0: i32) -> (i32, i32) {
    %c0_i32 = arith.constant 0 : i32
    %c0_i32_0 = arith.constant 0 : i32
    %c0_i32_1 = arith.constant 0 : i32
    return %c0_i32, %c0_i32_0 : i32, i32
  }
  func.func @transform_4(%arg0: i32) -> (i32, i32) {
    %c0_i32 = arith.constant 0 : i32
    %c0_i32_0 = arith.constant 0 : i32
    %c0_i32_1 = arith.constant 0 : i32
    return %c0_i32, %c0_i32_0 : i32, i32
  }
  func.func @transform_5(%arg0: i32) -> (i32, i32) {
    %c0_i32 = arith.constant 0 : i32
    %c0_i32_0 = arith.constant 0 : i32
    return %arg0, %c0_i32 : i32, i32
  }
}

module attributes {stable_mosaic.version = 14 : i64} {
  func.func @_stage3_body(%arg0: i32, %arg1: memref<1000x256xf32, #tpu.memory_space<vmem>>, %arg2: memref<1000x256xf32, #tpu.memory_space<vmem>>, %arg3: memref<1000x1xf32, #tpu.memory_space<vmem>>, %arg4: memref<1x256xf32, #tpu.memory_space<vmem>>, %arg5: memref<256x256xf32, #tpu.memory_space<vmem>>, %arg6: memref<256x256xf32, #tpu.memory_space<vmem>>, %arg7: memref<1x1x1000xi32, #tpu.memory_space<vmem>>, %arg8: memref<1x256xf32, #tpu.memory_space<vmem>>, %arg9: memref<1x256xf32, #tpu.memory_space<vmem>>, %arg10: memref<1x1xf32, #tpu.memory_space<vmem>>, %arg11: memref<64x1xf32, #tpu.memory_space<vmem>>, %arg12: memref<64x256xf32, #tpu.memory_space<vmem>>, %arg13: memref<64x128xf32, #tpu.memory_space<vmem>>) attributes {dimension_semantics = [#tpu.dimension_semantics<arbitrary>], iteration_bounds = array<i64: 10>, scalar_prefetch = 0 : i64, scratch_operands = 2 : i64, tpu.core_type = #tpu.core_type<tc>, window_params = [{transform_indices = @transform_0, window_bounds = array<i64: 1000, 256>}, {transform_indices = @transform_1, window_bounds = array<i64: 1000, 256>}, {transform_indices = @transform_2, window_bounds = array<i64: 1000, 1>}, {pipeline_mode = #tpu.pipeline_mode<synchronous>, transform_indices = @transform_3, window_bounds = array<i64: 1, 256>}, {pipeline_mode = #tpu.pipeline_mode<synchronous>, transform_indices = @transform_4, window_bounds = array<i64: 256, 256>}, {pipeline_mode = #tpu.pipeline_mode<synchronous>, transform_indices = @transform_5, window_bounds = array<i64: 256, 256>}, {transform_indices = @transform_6, window_bounds = array<i64: 1, 1, 1000>}, {pipeline_mode = #tpu.pipeline_mode<synchronous>, transform_indices = @transform_7, window_bounds = array<i64: 1, 256>}, {pipeline_mode = #tpu.pipeline_mode<synchronous>, transform_indices = @transform_8, window_bounds = array<i64: 1, 256>}, {pipeline_mode = #tpu.pipeline_mode<synchronous>, transform_indices = @transform_9, window_bounds = array<i64: 1, 1>}, {pipeline_mode = #tpu.pipeline_mode<synchronous>, transform_indices = @transform_10, window_bounds = array<i64: 64, 1>}]} {
    %get3A = arith.constant 0 : index
    %get3A_0 = arith.constant 0 : index
    %get3A_1 = vector.load %arg3[%get3A, %get3A_0] : memref<1000x1xf32, #tpu.memory_space<vmem>>, vector<1000x1xf32>
    %max3A = arith.constant 1.000000e+00 : f32
    %max3A_2 = vector.broadcast %max3A : f32 to vector<1000x1xf32>
    %max3A_3 = arith.maximumf %get3A_1, %max3A_2 : vector<1000x1xf32>
    %get3A_4 = arith.constant 0 : index
    %get3A_5 = arith.constant 0 : index
    %get3A_6 = vector.load %arg1[%get3A_4, %get3A_5] : memref<1000x256xf32, #tpu.memory_space<vmem>>, vector<1000x256xf32>
    %div3A = vector.broadcast %max3A_3 : vector<1000x1xf32> to vector<1000x256xf32>
    %div3A_7 = arith.divf %get3A_6, %div3A : vector<1000x256xf32>
    %get3A_8 = arith.constant 0 : index
    %get3A_9 = arith.constant 0 : index
    %get3A_10 = vector.load %arg5[%get3A_8, %get3A_9] : memref<256x256xf32, #tpu.memory_space<vmem>>, vector<256x256xf32>
    %dot_general3A = arith.constant dense<0.000000e+00> : vector<1000x256xf32>
    %dot_general3A_11 = tpu.matmul %div3A_7, %get3A_10, %dot_general3A {dimension_numbers = #tpu.dot_dimension_numbers<[1], [1], [0], [0], [0, 0, 1, 0], [], []>, precision = #tpu.contract_precision<fp32>, transpose_lhs_hint = false} : vector<1000x256xf32>, vector<256x256xf32>, vector<1000x256xf32> -> vector<1000x256xf32>
    %get3A_12 = arith.constant 0 : index
    %get3A_13 = arith.constant 0 : index
    %get3A_14 = vector.load %arg4[%get3A_12, %get3A_13] : memref<1x256xf32, #tpu.memory_space<vmem>>, vector<1x256xf32>
    %add3A = vector.broadcast %get3A_14 : vector<1x256xf32> to vector<1000x256xf32>
    %add3A_15 = arith.addf %dot_general3A_11, %add3A : vector<1000x256xf32>
    %get3A_16 = arith.constant 0 : index
    %get3A_17 = arith.constant 0 : index
    %get3A_18 = vector.load %arg2[%get3A_16, %get3A_17] : memref<1000x256xf32, #tpu.memory_space<vmem>>, vector<1000x256xf32>
    %get3A_19 = arith.constant 0 : index
    %get3A_20 = arith.constant 0 : index
    %get3A_21 = vector.load %arg6[%get3A_19, %get3A_20] : memref<256x256xf32, #tpu.memory_space<vmem>>, vector<256x256xf32>
    %dot_general3A_22 = arith.constant dense<0.000000e+00> : vector<1000x256xf32>
    %dot_general3A_23 = tpu.matmul %get3A_18, %get3A_21, %dot_general3A_22 {dimension_numbers = #tpu.dot_dimension_numbers<[1], [1], [0], [0], [0, 0, 1, 0], [], []>, precision = #tpu.contract_precision<fp32>, transpose_lhs_hint = false} : vector<1000x256xf32>, vector<256x256xf32>, vector<1000x256xf32> -> vector<1000x256xf32>
    %add3A_24 = arith.addf %add3A_15, %dot_general3A_23 : vector<1000x256xf32>
    %ge3A = arith.constant 0.000000e+00 : f32
    %ge3A_25 = vector.broadcast %ge3A : f32 to vector<1000x256xf32>
    %ge3A_26 = arith.cmpf oge, %add3A_24, %ge3A_25 : vector<1000x256xf32>
    %mul3A = arith.constant 0.00999999977 : f32
    %mul3A_27 = vector.broadcast %mul3A : f32 to vector<1000x256xf32>
    %mul3A_28 = arith.mulf %mul3A_27, %add3A_24 : vector<1000x256xf32>
    %select_n3A = arith.select %ge3A_26, %add3A_24, %mul3A_28 : vector<1000x256xi1>, vector<1000x256xf32>
    %get3A_29 = arith.constant 0 : index
    %get3A_30 = arith.constant 0 : index
    %get3A_31 = arith.constant 0 : index
    %get3A_32 = vector.load %arg7[%get3A_29, %get3A_30, %get3A_31] : memref<1x1x1000xi32, #tpu.memory_space<vmem>>, vector<1x1x1000xi32>
    %get3A_33 = vector.shape_cast %get3A_32 : vector<1x1x1000xi32> to vector<1x1000xi32>
    %iota3A = tpu.iota {dimensions = array<i32: 0>} : vector<64x1000xi32>
    %eq3A = vector.broadcast %get3A_33 : vector<1x1000xi32> to vector<64x1000xi32>
    %eq3A_34 = arith.cmpi eq, %eq3A, %iota3A : vector<64x1000xi32>
    %convert_element_type3A = arith.extui %eq3A_34 : vector<64x1000xi1> to vector<64x1000xi32>
    %convert_element_type3A_35 = arith.sitofp %convert_element_type3A : vector<64x1000xi32> to vector<64x1000xf32>
    %dot_general3A_36 = arith.constant dense<0.000000e+00> : vector<64x256xf32>
    %dot_general3A_37 = tpu.matmul %convert_element_type3A_35, %select_n3A, %dot_general3A_36 {dimension_numbers = #tpu.dot_dimension_numbers<[1], [0], [0], [1], [0, 0, 1, 1], [], []>, precision = #tpu.contract_precision<fp32>, transpose_lhs_hint = false} : vector<64x1000xf32>, vector<1000x256xf32>, vector<64x256xf32> -> vector<64x256xf32>
    %reduce_sum3A = arith.constant dense<0.000000e+00> : vector<64xf32>
    %reduce_sum3A_38 = vector.multi_reduction <add>, %convert_element_type3A_35, %reduce_sum3A [1] : vector<64x1000xf32> to vector<64xf32>
    %broadcast_in_dim3A = vector.shape_cast %reduce_sum3A_38 : vector<64xf32> to vector<64x1xf32>
    %eq3A_39 = arith.constant 0 : i32
    %eq3A_40 = arith.cmpi eq, %arg0, %eq3A_39 : i32
    %convert_element_type3A_41 = arith.extui %eq3A_40 : i1 to i32
    %cond3A = arith.constant 0 : i32
    %cond3A_42 = arith.cmpi ne, %convert_element_type3A_41, %cond3A : i32
    scf.if %cond3A_42 {
      %broadcast_in_dim3A_61 = arith.constant 0.000000e+00 : f32
      %broadcast_in_dim3A_62 = vector.broadcast %broadcast_in_dim3A_61 : f32 to vector<64x256xf32>
      %swap3A_63 = arith.constant 0 : index
      %swap3A_64 = arith.constant 0 : index
      %swap3A_65 = vector.load %arg12[%swap3A_63, %swap3A_64] : memref<64x256xf32, #tpu.memory_space<vmem>>, vector<64x256xf32>
      tpu.vector_store %arg12[%swap3A_63, %swap3A_64], %broadcast_in_dim3A_62 {strides = array<i32>} : memref<64x256xf32, #tpu.memory_space<vmem>>, vector<64x256xf32>,
      %broadcast_in_dim3A_66 = arith.constant 0.000000e+00 : f32
      %broadcast_in_dim3A_67 = vector.broadcast %broadcast_in_dim3A_66 : f32 to vector<64x128xf32>
      %swap3A_68 = arith.constant 0 : index
      %swap3A_69 = arith.constant 0 : index
      %swap3A_70 = vector.load %arg13[%swap3A_68, %swap3A_69] : memref<64x128xf32, #tpu.memory_space<vmem>>, vector<64x128xf32>
      tpu.vector_store %arg13[%swap3A_68, %swap3A_69], %broadcast_in_dim3A_67 {strides = array<i32>} : memref<64x128xf32, #tpu.memory_space<vmem>>, vector<64x128xf32>,
    } else {
    }
    %get3A_43 = arith.constant 0 : index
    %get3A_44 = arith.constant 0 : index
    %get3A_45 = vector.load %arg12[%get3A_43, %get3A_44] : memref<64x256xf32, #tpu.memory_space<vmem>>, vector<64x256xf32>
    %add3A_46 = arith.addf %get3A_45, %dot_general3A_37 : vector<64x256xf32>
    %swap3A = arith.constant 0 : index
    %swap3A_47 = arith.constant 0 : index
    %swap3A_48 = vector.load %arg12[%swap3A, %swap3A_47] : memref<64x256xf32, #tpu.memory_space<vmem>>, vector<64x256xf32>
    tpu.vector_store %arg12[%swap3A, %swap3A_47], %add3A_46 {strides = array<i32>} : memref<64x256xf32, #tpu.memory_space<vmem>>, vector<64x256xf32>,
    %get3A_49 = arith.constant 0 : index
    %get3A_50 = arith.constant 0 : index
    %get3A_51 = vector.load %arg13[%get3A_49, %get3A_50] : memref<64x128xf32, #tpu.memory_space<vmem>>, vector<64x1xf32>
    %add3A_52 = arith.addf %get3A_51, %broadcast_in_dim3A : vector<64x1xf32>
    %swap3A_53 = arith.constant 0 : index
    %swap3A_54 = arith.constant 0 : index
    %swap3A_55 = vector.load %arg13[%swap3A_53, %swap3A_54] : memref<64x128xf32, #tpu.memory_space<vmem>>, vector<64x1xf32>
    tpu.vector_store %arg13[%swap3A_53, %swap3A_54], %add3A_52 {strides = array<i32>} : memref<64x128xf32, #tpu.memory_space<vmem>>, vector<64x1xf32>,
    %eq3A_56 = arith.constant 9 : i32
    %eq3A_57 = arith.cmpi eq, %arg0, %eq3A_56 : i32
    %convert_element_type3A_58 = arith.extui %eq3A_57 : i1 to i32
    %cond3A_59 = arith.constant 0 : i32
    %cond3A_60 = arith.cmpi ne, %convert_element_type3A_58, %cond3A_59 : i32
    scf.if %cond3A_60 {
      %get3A_61 = arith.constant 0 : index
      %get3A_62 = arith.constant 0 : index
      %get3A_63 = vector.load %arg12[%get3A_61, %get3A_62] : memref<64x256xf32, #tpu.memory_space<vmem>>, vector<64x256xf32>
      %get3A_64 = arith.constant 0 : index
      %get3A_65 = arith.constant 0 : index
      %get3A_66 = vector.load %arg13[%get3A_64, %get3A_65] : memref<64x128xf32, #tpu.memory_space<vmem>>, vector<64x1xf32>
      %max3A_67 = arith.constant 1.000000e+00 : f32
      %max3A_68 = vector.broadcast %max3A_67 : f32 to vector<64x1xf32>
      %max3A_69 = arith.maximumf %get3A_66, %max3A_68 : vector<64x1xf32>
      %div3A_70 = vector.broadcast %max3A_69 : vector<64x1xf32> to vector<64x256xf32>
      %div3A_71 = arith.divf %get3A_63, %div3A_70 : vector<64x256xf32>
      %get3A_72 = arith.constant 0 : index
      %get3A_73 = arith.constant 0 : index
      %get3A_74 = vector.load %arg8[%get3A_72, %get3A_73] : memref<1x256xf32, #tpu.memory_space<vmem>>, vector<1x256xf32>
      %mul3A_75 = vector.broadcast %get3A_74 : vector<1x256xf32> to vector<64x256xf32>
      %mul3A_76 = arith.mulf %div3A_71, %mul3A_75 : vector<64x256xf32>
      %get3A_77 = arith.constant 0 : index
      %get3A_78 = arith.constant 0 : index
      %get3A_79 = vector.load %arg9[%get3A_77, %get3A_78] : memref<1x256xf32, #tpu.memory_space<vmem>>, vector<1x256xf32>
      %mul3A_80 = vector.broadcast %get3A_79 : vector<1x256xf32> to vector<64x256xf32>
      %mul3A_81 = arith.mulf %get3A_63, %mul3A_80 : vector<64x256xf32>
      %add3A_82 = arith.addf %mul3A_76, %mul3A_81 : vector<64x256xf32>
      %reduce_sum3A_83 = arith.constant dense<0.000000e+00> : vector<64xf32>
      %reduce_sum3A_84 = vector.multi_reduction <add>, %add3A_82, %reduce_sum3A_83 [1] : vector<64x256xf32> to vector<64xf32>
      %broadcast_in_dim3A_85 = vector.shape_cast %reduce_sum3A_84 : vector<64xf32> to vector<64x1xf32>
      %get3A_86 = arith.constant 0 : index
      %get3A_87 = arith.constant 0 : index
      %get3A_88 = vector.load %arg10[%get3A_86, %get3A_87] : memref<1x1xf32, #tpu.memory_space<vmem>>, vector<1x1xf32>
      %add3A_89 = vector.broadcast %get3A_88 : vector<1x1xf32> to vector<64x1xf32>
      %add3A_90 = arith.addf %broadcast_in_dim3A_85, %add3A_89 : vector<64x1xf32>
      %swap3A_91 = arith.constant 0 : index
      %swap3A_92 = arith.constant 0 : index
      %swap3A_93 = vector.load %arg11[%swap3A_91, %swap3A_92] : memref<64x1xf32, #tpu.memory_space<vmem>>, vector<64x1xf32>
      tpu.vector_store %arg11[%swap3A_91, %swap3A_92], %add3A_90 {strides = array<i32>} : memref<64x1xf32, #tpu.memory_space<vmem>>, vector<64x1xf32>,
    } else {
    }
    return
  }
  func.func @transform_0(%arg0: i32) -> (i32, i32) {
    %c0_i32 = arith.constant 0 : i32
    %c0_i32_0 = arith.constant 0 : i32
    return %arg0, %c0_i32 : i32, i32
  }
  func.func @transform_1(%arg0: i32) -> (i32, i32) {
    %c0_i32 = arith.constant 0 : i32
    %c0_i32_0 = arith.constant 0 : i32
    return %arg0, %c0_i32 : i32, i32
  }
  func.func @transform_2(%arg0: i32) -> (i32, i32) {
    %c0_i32 = arith.constant 0 : i32
    %c0_i32_0 = arith.constant 0 : i32
    return %arg0, %c0_i32 : i32, i32
  }
  func.func @transform_3(%arg0: i32) -> (i32, i32) {
    %c0_i32 = arith.constant 0 : i32
    %c0_i32_0 = arith.constant 0 : i32
    %c0_i32_1 = arith.constant 0 : i32
    return %c0_i32, %c0_i32_0 : i32, i32
  }
  func.func @transform_4(%arg0: i32) -> (i32, i32) {
    %c0_i32 = arith.constant 0 : i32
    %c0_i32_0 = arith.constant 0 : i32
    %c0_i32_1 = arith.constant 0 : i32
    return %c0_i32, %c0_i32_0 : i32, i32
  }
  func.func @transform_5(%arg0: i32) -> (i32, i32) {
    %c0_i32 = arith.constant 0 : i32
    %c0_i32_0 = arith.constant 0 : i32
    %c0_i32_1 = arith.constant 0 : i32
    return %c0_i32, %c0_i32_0 : i32, i32
  }
  func.func @transform_6(%arg0: i32) -> (i32, i32, i32) {
    %c0_i32 = arith.constant 0 : i32
    %c0_i32_0 = arith.constant 0 : i32
    %c0_i32_1 = arith.constant 0 : i32
    return %arg0, %c0_i32, %c0_i32_0 : i32, i32, i32
  }
  func.func @transform_7(%arg0: i32) -> (i32, i32) {
    %c0_i32 = arith.constant 0 : i32
    %c0_i32_0 = arith.constant 0 : i32
    %c0_i32_1 = arith.constant 0 : i32
    return %c0_i32, %c0_i32_0 : i32, i32
  }
  func.func @transform_8(%arg0: i32) -> (i32, i32) {
    %c0_i32 = arith.constant 0 : i32
    %c0_i32_0 = arith.constant 0 : i32
    %c0_i32_1 = arith.constant 0 : i32
    return %c0_i32, %c0_i32_0 : i32, i32
  }
  func.func @transform_9(%arg0: i32) -> (i32, i32) {
    %c0_i32 = arith.constant 0 : i32
    %c0_i32_0 = arith.constant 0 : i32
    %c0_i32_1 = arith.constant 0 : i32
    return %c0_i32, %c0_i32_0 : i32, i32
  }
  func.func @transform_10(%arg0: i32) -> (i32, i32) {
    %c0_i32 = arith.constant 0 : i32
    %c0_i32_0 = arith.constant 0 : i32
    %c0_i32_1 = arith.constant 0 : i32
    return %c0_i32, %c0_i32_0 : i32, i32
  }
}

</mosaic_0001>

<sc_bundles>
// kernel: kernel.10.cloned.1.call-start
scs
__scs_entry_jumppad:
0x0: {  	(pc) =	sbr.rel $0x88, $3  }
0x1: {  	(tag) =	ssettag $0x0;
	lr =	simm.s32 $0x1  }
0x2: {  	[smem:$0x3F93] =	sst lr;
	_ =	strace $0xD0000000  }
0x3: {  	_ = 	snop  }
0x4: {  	_ = 	snop  }
0x5: {  	_ = 	snop  }
0x6: {  	_ = 	snop  }
0x7: {  	_ = 	snop  }
__scs_overlays_trampoline_lowered:
0x8: {  	[smem:$0x3FA2] =	sst s0  }
0x9: {  	[smem:$0x3FA3] =	sst s1  }
0xa: {  	[smem:$0x3FA4] =	sst s2  }
0xb: {  	[smem:$0x3FA5] =	sst s3  }
0xc: {  	[smem:$0x3FA6] =	sst s4  }
0xd: {  	[smem:$0x3FA7] =	sst s5  }
0xe: {  	[smem:$0x3FA8] =	sst s6  }
0xf: {  	[smem:$0x3FA9] =	sst s7  }
0x10: {  	[smem:$0x3FAA] =	sst s8  }
0x11: {  	[smem:$0x3FAB] =	sst s9;
	s0 =	simm.s32 @!p0 $0x0  }
0x12: {  	s1 =	sld [smem:$0x3F91];
	s0 =	simm.s32 @p0 $0x1  }
0x13: {  	[smem:$0x3FAC] =	sst s0;
	s0 =	simm.s32 @!p1 $0x0  }
0x14: {  	s2 =	sld [smem:$0x3F90];
	s0 =	simm.s32 @p1 $0x1  }
0x15: {  	[smem:$0x3FAD] =	sst s0;
	s0 =	simm.s32 @!p2 $0x0  }
0x16: {  	s3 =	sld [smem:$0x3FDB];
	s0 =	simm.s32 @p2 $0x1  }
0x17: {  	s4 =	simm.s32 $0x1BF5;
	[smem:$0x3FAF] =	sst s0  }
0x18: {  	s0 =	sld [smem:$0x3F92];
	_ =	swait.ge [sflag:s4], $0x0  }
0x19: {  	s7 =	sld [smem:$0x3F93]  }
0x1a: {  	s8 =	sadd.s32 $0xFFFFE003, lr  }
0x1b: {  	s9 =	sadd.s32 $0xFFFFFEF7, lr;
	s5 =	simm.s32 $0xFFFFFFFF;
	p2 =	slt.u32 s8, $0xFFFFF086  }
0x1c: {  	p1 =	slt.u32 s9, $0xF7A;
	s5 =	simm.s32 @!p2 $0x0  }
0x1d: {  	s5 =	simm.s32 @p1 $0x1;
	p0 =	seq.s32 s7, s2  }
0x1e: {  	s7 =	smul.u32 @!p0 $0xF7A, s2;
	p2 =	seq.s32 @!p0 s5, $0x0  }
0x1f: {  	s9 =	smul.u32 $0xF7A, s1;
	s8 =	simm.s32 @!p0 $0x1BF5;
	p2 =	por !p2, p0  }
0x20: {  	[sflag:s8] =	ssyncset.s32 @!p0 $0xFFFFF086;
	s6 =	sadd.s32 @!p0 s3, s7;
	s7 =	simm.s32 @!p0 $0x108  }
0x21: {  	s3 =	sadd.s32 s3, s9;
	s6 =	sadd.s32 @!p0 $0x88, s6;
	s7 =	simm.s32 @p2 $0x1082  }
0x22: {  	[simem:s7], [sflag:s8] =	dma.local @!p0 [hbm:s6], $0xF7A  }
0x23: {  	s9 =	sor.u32 $0xD0000000, s2;
	s6 =	simm.s32 $0x108;
	_ =	swait.ge @!p0 [sflag:s8], $0x0  }
0x24: {  	s3 =	sadd.s32 $0x88, s3;
	s6 =	simm.s32 @!p1 $0x1082;
	[sflag:s4] =	ssyncset.s32 $0xFFFFF086  }
0x25: {  	[simem:s6], [sflag:s4] =	dma.local [hbm:s3], $0xF7A  }
0x26: {  	[smem:$0x3F93] =	sst s1;
	(tag) =	ssettag s2;
	_ =	strace s9  }
0x27: {  	s1 =	sld [smem:$0x3FA3]  }
0x28: {  	s2 =	sld [smem:$0x3FA4]  }
0x29: {  	s4 =	sld [smem:$0x3FA6]  }
0x2a: {  	p0 =	seq.s32 s5, $0x0;
	s5 =	sld [smem:$0x3FA7]  }
0x2b: {  	s6 =	sld [smem:$0x3FA8]  }
0x2c: {  	s7 =	sld [smem:$0x3FA9]  }
0x2d: {  	s3 =	simm.s32 $0x108;
	s8 =	sld [smem:$0x3FAA]  }
0x2e: {  	s3 =	simm.s32 @!p0 $0x1082;
	s9 =	sld [smem:$0x3FAB]  }
0x2f: {  	lr =	sadd.s32 s0, s3;
	s0 =	sld [smem:$0x3FA2]  }
0x30: {  	s3 =	sld [smem:$0x3FA5]  }
0x31: {  	[smem:$0x3FAE] =	sst s10  }
0x32: {  	s10 =	sld [smem:$0x3FAC];
	_ =	sdelay $0x3  }
0x33: {  	p0 =	seq.s32 s10, $0x1;
	s10 =	sld [smem:$0x3FAE];
	_ =	sdelay $0x3  }
0x34: {  	[smem:$0x3FAE] =	sst s10  }
0x35: {  	s10 =	sld [smem:$0x3FAD];
	_ =	sdelay $0x3  }
0x36: {  	p1 =	seq.s32 s10, $0x1;
	s10 =	sld [smem:$0x3FAE];
	_ =	sdelay $0x3  }
0x37: {  	[smem:$0x3FAE] =	sst s10  }
0x38: {  	s10 =	sld [smem:$0x3FAF]  }
0x39: {  	_ = 	snop;
	(pc) =	sbr.ind lr, $3  }
0x3a: {  	_ = 	snop  }
0x3b: {  	_ = 	snop  }
0x3c: {  	p2 =	seq.s32 s10, $0x1;
	s10 =	sld [smem:$0x3FAE]  }
0x3d: {  	_ =	shalt  }
0x3e: {  	_ =	shalt  }
0x3f: {  	_ =	shalt  }
0x40: {  	_ =	shalt  }
0x41: {  	_ =	shalt  }
0x42: {  	_ =	shalt  }
0x43: {  	_ =	shalt  }
0x44: {  	_ =	shalt  }
0x45: {  	_ =	shalt  }
0x46: {  	_ =	shalt  }
0x47: {  	_ =	shalt  }
0x48: {  	_ =	shalt  }
0x49: {  	_ =	shalt  }
0x4a: {  	_ =	shalt  }
0x4b: {  	_ =	shalt  }
0x4c: {  	_ =	shalt  }
0x4d: {  	_ =	shalt  }
0x4e: {  	_ =	shalt  }
0x4f: {  	_ =	shalt  }
0x50: {  	_ =	shalt  }
0x51: {  	_ =	shalt  }
0x52: {  	_ =	shalt  }
0x53: {  	_ =	shalt  }
0x54: {  	_ =	shalt  }
0x55: {  	_ =	shalt  }
0x56: {  	_ =	shalt  }
0x57: {  	_ =	shalt  }
0x58: {  	_ =	shalt  }
0x59: {  	_ =	shalt  }
0x5a: {  	_ =	shalt  }
0x5b: {  	_ =	shalt  }
0x5c: {  	_ =	shalt  }
0x5d: {  	_ =	shalt  }
0x5e: {  	_ =	shalt  }
0x5f: {  	_ =	shalt  }
0x60: {  	_ =	shalt  }
0x61: {  	_ =	shalt  }
0x62: {  	_ =	shalt  }
0x63: {  	_ =	shalt  }
0x64: {  	_ =	shalt  }
0x65: {  	_ =	shalt  }
0x66: {  	_ =	shalt  }
0x67: {  	_ =	shalt  }
0x68: {  	_ =	shalt  }
0x69: {  	_ =	shalt  }
0x6a: {  	_ =	shalt  }
0x6b: {  	_ =	shalt  }
0x6c: {  	_ =	shalt  }
0x6d: {  	_ =	shalt  }
0x6e: {  	_ =	shalt  }
0x6f: {  	_ =	shalt  }
0x70: {  	_ =	shalt  }
0x71: {  	_ =	shalt  }
0x72: {  	_ =	shalt  }
0x73: {  	_ =	shalt  }
0x74: {  	_ =	shalt  }
0x75: {  	_ =	shalt  }
0x76: {  	_ =	shalt  }
0x77: {  	_ =	shalt  }
0x78: {  	_ =	shalt  }
0x79: {  	_ =	shalt  }
0x7a: {  	_ =	shalt  }
0x7b: {  	_ =	shalt  }
0x7c: {  	_ =	shalt  }
0x7d: {  	_ =	shalt  }
0x7e: {  	_ =	shalt  }
0x7f: {  	_ =	shalt  }
0x80: {  	_ =	shalt  }
0x81: {  	_ =	shalt  }
0x82: {  	_ =	shalt  }
0x83: {  	_ =	shalt  }
0x84: {  	_ =	shalt  }
0x85: {  	_ =	shalt  }
0x86: {  	_ =	shalt  }
0x87: {  	_ =	shalt  }
.Lfunc_end0:
.L_simem_size_0:
called_computation_lowered:
.L_overlay_start_0:
0x88: {  	s2 =	sld [smem:$0x3FD9]  }
0x89: {  	s3 =	sld [smem:$0x3FFE];
	_ =	sdelay $0x1  }
0x8a: {  	s1 =	srdreg.scid  }
0x8b: {  	s0 =	sand.u32 $0x1, s1  }
0x8c: {  	s16 =	sshll.u32 s0, $0xA;
	s2 =	sadd.s32 s3, s2  }
0x8d: {  	s2 =	sadd.s32 s2, s16  }
0x8e: {  	[smem:$0x3FBA] =	sst s2  }
0x8f: {  	_ = 	snop  }
0x90: {  	(tm) =	ssettm $0x1  }
0x91: {  	s17 =	sld [smem:$0x3FFB];
	_ =	sdelay $0x3  }
0x92: {  	_ =	strace s17  }
0x93: {  	s2 =	sld [smem:$0x3FFC];
	_ =	sdelay $0x3  }
0x94: {  	_ =	strace s2  }
0x95: {  	s2 =	sld [smem:$0x3FFD];
	_ =	sdelay $0x3  }
0x96: {  	_ =	strace s2  }
0x97: {  	_ =	strace $0x8FFFFFFF  }
0x98: {  	s18 =	sld [smem:$0x3FDB];
	_ =	sdelay $0x1  }
0x99: {  	s19 =	simm.s32 $_scs_section_size  }
0x9a: {  	s4 =	simm.s32 $_size__tile_overlayer_lowered;
	s5 =	simm.s32 $_tile_overlayer_lowered  }
0x9b: {  	s22 =	simm.s32 $0x1BFF;
	s21 =	sshll.u32 s5, $0x1;
	s2 =	sadd.s32 s19, s18  }
0x9c: {  	s6 =	simm.s32 $0x0;
	s20 =	sshll.u32 s4, $0x1;
	s4 =	sadd.s32 s21, s2  }
0x9d: {  	[timem:s6], [sflag:s22] =	dma.local [hbm:s4], s20  }
0x9e: {  	_ =	swait.ge [sflag:s22], s20  }
0x9f: {  	s3 =	ssub.s32 $0x0, s20;
	[sflag:s22] =	ssyncset.done $0x0  }
0xa0: {  	[sflag:s22] =	ssyncadd.s32 s3;
	_ =	sdelay $0x1  }
0xa1: {  	s23 =	simm.s32 $0x1B8B  }
0xa2: {  	_ =	swait.ge [sflag:s23], $0x1  }
0xa3: {  	[sflag:s23] =	ssyncset.done $0x0  }
0xa4: {  	s25 =	simm.s32 $0x1B8E;
	s24 =	sld [smem:$0x3FFE];
	[sflag:s23] =	ssyncadd.s32 $0xFFFFFFFF  }
0xa5: {  	s26 =	simm.s32 $execute0_lowered;
	[smem:$0x3FD2] =	sst s25  }
0xa6: {  	s4 =	sshll.u32 s26, $0x1;
	_ =	strace $0x80000046;
	[dreg:$0x1] =	wrdreg $0xFFFFFFFF  }
0xa7: {  	s28 =	simm.s32 $_size_execute0_lowered;
	s2 =	sadd.s32 s2, s4;
	[dreg:$0x0] =	wrdreg $0x0  }
0xa8: {  	s4 =	sshll.u32 s28, $0x1;
	[dreg:$0x2] =	wrdreg s2  }
0xa9: {  	[dreg:$0x3] =	wrdreg s4  }
0xaa: {  	[dreg:$0x4] =	wrdreg $0xC0  }
0xab: {  	_ =	task [dreg:s6], $0x5FFFF  }
0xac: {  	[dreg:$0x1] =	wrdreg $0xFFFFFFFF  }
0xad: {  	[dreg:$0x0] =	wrdreg $0x60  }
0xae: {  	[dreg:$0x2] =	wrdreg s24  }
0xaf: {  	[dreg:$0x3] =	wrdreg $0x9  }
0xb0: {  	_ =	task.clear_ibuf [dreg:s6], $0x4FFFF;
	_ =	strace $0x90000046  }
0xb1: {  	s29 =	simm.s32 $0x9;
	_ =	strace $0x80000048  }
0xb2: {  	_ =	swait.ge [sflag:s29], $0x1  }
0xb3: {  	[sflag:s29] =	ssyncadd.s32 $0xFFFFFFFF  }
0xb4: {  	_ =	strace $0x90000048  }
0xb5: {  	_ =	sfence  }
0xb6: {  	s30 =	sld [smem:$0x0];
	_ =	sdelay $0x2  }
0xb7: {  	s31 =	sshll.u32 s1, $0xD;
	s1 =	sshrl.u32 s1, $0x2  }
0xb8: {  	s3 =	sand.u32 $0x4000, s31;
	s1 =	sadd.s32 s1, s30  }
0xb9: {  	s0 =	sor.u32 s3, s0;
	s1 =	sshll.u32 s1, $0x11  }
0xba: {  	s0 =	sor.u32 s1, s0  }
0xbb: {  	s0 =	sadd.s32 $0x8F2B, s0  }
0xbc: {  	[sflag:s0] =	ssyncadd.remote.s32 $0x1  }
0xbd: {  	_ =	sfence.sel $0xFFFF  }
0xbe: {  	[dreg:$0x0] =	wrdreg $0xFFFFFFFF;
	(pc) =	sbr.abs _section_cstart, $3  }
0xbf: {  	[dreg:$0x1] =	wrdreg $0xFFFFFFFF  }
0xc0: {  	_ =	task.clear_ibuf [dreg:s6], $0x2FFFF;
	_ =	strace $0x9FFFFFFF  }
0xc1: {  	(tm) =	ssettm $0x7FFFFFFF  }
tec
execute0_lowered:
.L_overlay_start_1:
0x0: {  	(tag) =	ssettag $0x1  }
0x1: {  	s1 =	srdreg.scid  }
0x2: {  	s0 =	stileid.u32;
	s5 =	rddreg [dreg:$0x0];
	s2 =	simm.s32 $0x0  }
0x3: {  	s10 =	simm.s32 $0x2780;
	s11 =	simm.s32 $0x7600;
	s12 =	simm.s32 $0x8A00  }
0x4: {  	s3 =	sand.u32 $0x1, s1;
	s4 =	sshll.u32 s0, $0x1;
	s1 =	rddreg [dreg:$0x1]  }
0x5: {  	s13 =	simm.s32 $0x0;
	[smem:$0x7FF] =	sst s2;
	s4 =	sor.u32 s3, s4  }
0x6: {  	_ =	strace $0x80000047;
	s8 =	ssub.s32 $0x2, s3;
	s6 =	smul.u32 $0x280, s4  }
0x7: {  	s3 =	sadd.s32 $0x17400, s5;
	s7 =	smul.u32 $0x9D0, s4;
	s9 =	sshrl.u32 s8, $0x1  }
0x8: {  	s4 =	sadd.s32 $0x17A00, s5;
	s8 =	ssub.s32 s8, s9;
	s9 =	simm.s32 $0x1  }
0x9: {  	s6 =	sadd.s32 s6, s5;
	s7 =	sadd.s32 s7, s5;
	s8 =	smax.u32 s8, $0x1  }
0xa: {  	v0 =	vimm.f32 $1.000000000e+00;
	s5 =	sadd.s32 $0x8400, s6;
	s6 =	sadd.s32 $0x3400, s6;
	s7 =	sadd.s32 $0x18400, s7  }
.LBB2_1:
0xb: {  	[tilespmem:s2], [sflag:$0x1] =	stream.linear.gather [hbm4b:s3+s2], $0x2780, $0x38;
	[tilespmem:$0x9E00] =	vst v63  }
0xc: {  	_ =	swait.ge [sflag:s9], $0x2780  }
0xd: {  	[sflag:s9] =	ssyncset.done $0x0  }
0xe: {  	[sflag:s9] =	ssyncadd.s32 $0xFFFFD880  }
0xf: {  	[tilespmem:s10], [sflag:$0x1] =	stream.linear.gather [hbm4b:s4+s2], $0x4E80, $0x38;
	[tilespmem:$0x9E00] =	vst v63  }
0x10: {  	_ =	swait.ge [sflag:s9], $0x4E80  }
0x11: {  	[sflag:s9] =	ssyncset.done $0x0  }
0x12: {  	[sflag:s9] =	ssyncadd.s32 $0xFFFFB180  }
0x13: {  	[tilespmem:s11], [sflag:$0x1] =	stream.linear.gather [hbm4b:s5+s2], $0x1400, $0x38;
	[tilespmem:$0x9E00] =	vst v63  }
0x14: {  	_ =	swait.ge [sflag:s9], $0x1400  }
0x15: {  	[sflag:s9] =	ssyncset.done $0x0  }
0x16: {  	[sflag:s9] =	ssyncadd.s32 $0xFFFFEC00  }
0x17: {  	[tilespmem:s12], [sflag:$0x1] =	stream.linear.gather [hbm4b:s6+s2], $0x1400, $0x38;
	[tilespmem:$0x9E00] =	vst v63  }
0x18: {  	_ =	swait.ge [sflag:s9], $0x1400  }
0x19: {  	[sflag:s9] =	ssyncset.done $0x0  }
0x1a: {  	s15 =	simm.s32 $0x0;
	[sflag:s9] =	ssyncadd.s32 $0xFFFFEC00  }
0x1b: {  	s14 =	simm.s32 $0x40;
	v1 =	vld [tilespmem:s15+$0x7600]  }
.LBB2_2:
0x1c: {  	p0 =	sne.s32 s14, $0x4FC0;
	_ =	sdelay $0x3  }
0x1d: {  	v2 =	vld [tilespmem:s15+$0x8A00];
	_ =	sdelay $0x2  }
0x1e: {  	v1 =	vld.idx.msk [tilespmem:v1+s2+$0x0], $0xffff;
	_ =	sdelay $0x1  }
0x1f: {  	v3 =	vadd.s32 $0x1, v2;
	_ =	sdelay $0x1  }
.Ltmp0:
0x20: {  	(pc) =	sbr.rel @p0 .LBB2_2-.Ltmp0, $4  }
0x21: {  	_ = 	snop  }
0x22: {  	[tilespmem:v2+s10+$0x0] =	vst.idx.add.f32.msk $0xffff, v1  }
0x23: {  	s15 =	sshra.s32 s14, $0x2;
	[tilespmem:v3+s10+$0x0] =	vst.idx.add.f32.msk $0xffff, v0  }
0x24: {  	s14 =	sadd.s32 $0x40, s14;
	v1 =	vld [tilespmem:s15+$0x7600]  }
0x25: {  	_ =	sdelay $0x3  }
0x26: {  	v2 =	vld [tilespmem:s15+$0x8A00];
	_ =	sdelay $0x3  }
0x27: {  	v1 =	vld.idx.msk [tilespmem:v1+s2+$0x0], $0xffff  }
0x28: {  	v3 =	vadd.s32 $0x1, v2;
	_ =	sdelay $0x2  }
0x29: {  	s13 =	sadd.s32 $0x1, s13  }
0x2a: {  	p0 =	sne.s32 s13, s8;
	[tilespmem:v2+s10+$0x0] =	vst.idx.add.f32.msk $0xffff, v1  }
.Ltmp1:
0x2b: {  	[tilespmem:v3+s10+$0x0] =	vst.idx.add.f32.msk $0xffff, v0;
	(pc) =	sbr.rel @p0 .LBB2_1-.Ltmp1, $4  }
0x2c: {  	[hbm4b:s7+s2] =	stream.linear.scatter [tilespmem:s10], [sflag:$0x1], $0x4E80, $0x38;
	[tilespmem:$0x9E00] =	vst v63  }
0x2d: {  	_ =	swait.ge [sflag:s9], $0x4E80  }
0x2e: {  	[sflag:s9] =	ssyncset.done $0x0  }
0x2f: {  	[sflag:s9] =	ssyncadd.s32 $0xFFFFB180  }
0x30: {  	_ =	sfence.sel $0x180000  }
0x31: {  	[bflag:$0x0] =	sbarrier.arrive $0xFFFF  }
0x32: {  	p0 =	sne.s32 s0, $0x0;
	_ =	strace $0x90000047  }
0x33: {  	s0 =	sadd.s32 @!p0 $0x100000, s1;
	[bflag:$0x2] =	sbarrier.arrive $0xFFFF  }
0x34: {  	[sflag:s0] =	ssyncadd.tile.s32 @!p0 $0x1;
	_ =	shalt  }
.Lfunc_end2:
_tile_overlayer_lowered:
.L_overlay_start_2:
0x35: {  	(tag) =	ssettag $0x2  }
0x36: {  	s0 =	rddreg [dreg:$0x0];
	s2 =	stileid.u32  }
0x37: {  	s1 =	rddreg [dreg:$0x1];
	p0 =	sne.s32 s2, $0x0  }
0x38: {  	s3 =	rddreg [dreg:$0x2];
	[bflag:$0x3] =	sbarrier.arrive $0xFFFF;
	s2 =	simm.s32 @!p0 $0x1C01  }
0x39: {  	[timem:s3], [sflag:s2] =	dma.local @!p0 [hbm:s0], s1  }
0x3a: {  	s0 =	simm.s32 @!p0 $0x1  }
0x3b: {  	_ =	swait.ge @!p0 [sflag:s0], s1  }
0x3c: {  	s1 =	ssub.s32 @!p0 $0x0, s1;
	[sflag:s0] =	ssyncset.done @!p0 $0x0  }
0x3d: {  	[sflag:s0] =	ssyncadd.s32 @!p0 s1  }
0x3e: {  	[bflag:$0x3] =	sbarrier.arrive $0xFFFF  }
0x3f: {  	_ =	shalt  }

// kernel: kernel.13.cloned.1.call-start
scs
__scs_entry_jumppad:
0x0: {  	(pc) =	sbr.rel $0x88, $3  }
0x1: {  	(tag) =	ssettag $0x0;
	lr =	simm.s32 $0x1  }
0x2: {  	[smem:$0x3F93] =	sst lr;
	_ =	strace $0xD0000000  }
0x3: {  	_ = 	snop  }
0x4: {  	_ = 	snop  }
0x5: {  	_ = 	snop  }
0x6: {  	_ = 	snop  }
0x7: {  	_ = 	snop  }
__scs_overlays_trampoline_lowered:
0x8: {  	[smem:$0x3FA2] =	sst s0  }
0x9: {  	[smem:$0x3FA3] =	sst s1  }
0xa: {  	[smem:$0x3FA4] =	sst s2  }
0xb: {  	[smem:$0x3FA5] =	sst s3  }
0xc: {  	[smem:$0x3FA6] =	sst s4  }
0xd: {  	[smem:$0x3FA7] =	sst s5  }
0xe: {  	[smem:$0x3FA8] =	sst s6  }
0xf: {  	[smem:$0x3FA9] =	sst s7  }
0x10: {  	[smem:$0x3FAA] =	sst s8  }
0x11: {  	[smem:$0x3FAB] =	sst s9;
	s0 =	simm.s32 @!p0 $0x0  }
0x12: {  	s1 =	sld [smem:$0x3F91];
	s0 =	simm.s32 @p0 $0x1  }
0x13: {  	[smem:$0x3FAC] =	sst s0;
	s0 =	simm.s32 @!p1 $0x0  }
0x14: {  	s2 =	sld [smem:$0x3F90];
	s0 =	simm.s32 @p1 $0x1  }
0x15: {  	[smem:$0x3FAD] =	sst s0;
	s0 =	simm.s32 @!p2 $0x0  }
0x16: {  	s3 =	sld [smem:$0x3FDB];
	s0 =	simm.s32 @p2 $0x1  }
0x17: {  	s4 =	simm.s32 $0x1BF5;
	[smem:$0x3FAF] =	sst s0  }
0x18: {  	s0 =	sld [smem:$0x3F92];
	_ =	swait.ge [sflag:s4], $0x0  }
0x19: {  	s7 =	sld [smem:$0x3F93]  }
0x1a: {  	s8 =	sadd.s32 $0xFFFFE003, lr  }
0x1b: {  	s9 =	sadd.s32 $0xFFFFFEF7, lr;
	s5 =	simm.s32 $0xFFFFFFFF;
	p2 =	slt.u32 s8, $0xFFFFF086  }
0x1c: {  	p1 =	slt.u32 s9, $0xF7A;
	s5 =	simm.s32 @!p2 $0x0  }
0x1d: {  	s5 =	simm.s32 @p1 $0x1;
	p0 =	seq.s32 s7, s2  }
0x1e: {  	s7 =	smul.u32 @!p0 $0xF7A, s2;
	p2 =	seq.s32 @!p0 s5, $0x0  }
0x1f: {  	s9 =	smul.u32 $0xF7A, s1;
	s8 =	simm.s32 @!p0 $0x1BF5;
	p2 =	por !p2, p0  }
0x20: {  	[sflag:s8] =	ssyncset.s32 @!p0 $0xFFFFF086;
	s6 =	sadd.s32 @!p0 s3, s7;
	s7 =	simm.s32 @!p0 $0x108  }
0x21: {  	s3 =	sadd.s32 s3, s9;
	s6 =	sadd.s32 @!p0 $0x88, s6;
	s7 =	simm.s32 @p2 $0x1082  }
0x22: {  	[simem:s7], [sflag:s8] =	dma.local @!p0 [hbm:s6], $0xF7A  }
0x23: {  	s9 =	sor.u32 $0xD0000000, s2;
	s6 =	simm.s32 $0x108;
	_ =	swait.ge @!p0 [sflag:s8], $0x0  }
0x24: {  	s3 =	sadd.s32 $0x88, s3;
	s6 =	simm.s32 @!p1 $0x1082;
	[sflag:s4] =	ssyncset.s32 $0xFFFFF086  }
0x25: {  	[simem:s6], [sflag:s4] =	dma.local [hbm:s3], $0xF7A  }
0x26: {  	[smem:$0x3F93] =	sst s1;
	(tag) =	ssettag s2;
	_ =	strace s9  }
0x27: {  	s1 =	sld [smem:$0x3FA3]  }
0x28: {  	s2 =	sld [smem:$0x3FA4]  }
0x29: {  	s4 =	sld [smem:$0x3FA6]  }
0x2a: {  	p0 =	seq.s32 s5, $0x0;
	s5 =	sld [smem:$0x3FA7]  }
0x2b: {  	s6 =	sld [smem:$0x3FA8]  }
0x2c: {  	s7 =	sld [smem:$0x3FA9]  }
0x2d: {  	s3 =	simm.s32 $0x108;
	s8 =	sld [smem:$0x3FAA]  }
0x2e: {  	s3 =	simm.s32 @!p0 $0x1082;
	s9 =	sld [smem:$0x3FAB]  }
0x2f: {  	lr =	sadd.s32 s0, s3;
	s0 =	sld [smem:$0x3FA2]  }
0x30: {  	s3 =	sld [smem:$0x3FA5]  }
0x31: {  	[smem:$0x3FAE] =	sst s10  }
0x32: {  	s10 =	sld [smem:$0x3FAC];
	_ =	sdelay $0x3  }
0x33: {  	p0 =	seq.s32 s10, $0x1;
	s10 =	sld [smem:$0x3FAE];
	_ =	sdelay $0x3  }
0x34: {  	[smem:$0x3FAE] =	sst s10  }
0x35: {  	s10 =	sld [smem:$0x3FAD];
	_ =	sdelay $0x3  }
0x36: {  	p1 =	seq.s32 s10, $0x1;
	s10 =	sld [smem:$0x3FAE];
	_ =	sdelay $0x3  }
0x37: {  	[smem:$0x3FAE] =	sst s10  }
0x38: {  	s10 =	sld [smem:$0x3FAF]  }
0x39: {  	_ = 	snop;
	(pc) =	sbr.ind lr, $3  }
0x3a: {  	_ = 	snop  }
0x3b: {  	_ = 	snop  }
0x3c: {  	p2 =	seq.s32 s10, $0x1;
	s10 =	sld [smem:$0x3FAE]  }
0x3d: {  	_ =	shalt  }
0x3e: {  	_ =	shalt  }
0x3f: {  	_ =	shalt  }
0x40: {  	_ =	shalt  }
0x41: {  	_ =	shalt  }
0x42: {  	_ =	shalt  }
0x43: {  	_ =	shalt  }
0x44: {  	_ =	shalt  }
0x45: {  	_ =	shalt  }
0x46: {  	_ =	shalt  }
0x47: {  	_ =	shalt  }
0x48: {  	_ =	shalt  }
0x49: {  	_ =	shalt  }
0x4a: {  	_ =	shalt  }
0x4b: {  	_ =	shalt  }
0x4c: {  	_ =	shalt  }
0x4d: {  	_ =	shalt  }
0x4e: {  	_ =	shalt  }
0x4f: {  	_ =	shalt  }
0x50: {  	_ =	shalt  }
0x51: {  	_ =	shalt  }
0x52: {  	_ =	shalt  }
0x53: {  	_ =	shalt  }
0x54: {  	_ =	shalt  }
0x55: {  	_ =	shalt  }
0x56: {  	_ =	shalt  }
0x57: {  	_ =	shalt  }
0x58: {  	_ =	shalt  }
0x59: {  	_ =	shalt  }
0x5a: {  	_ =	shalt  }
0x5b: {  	_ =	shalt  }
0x5c: {  	_ =	shalt  }
0x5d: {  	_ =	shalt  }
0x5e: {  	_ =	shalt  }
0x5f: {  	_ =	shalt  }
0x60: {  	_ =	shalt  }
0x61: {  	_ =	shalt  }
0x62: {  	_ =	shalt  }
0x63: {  	_ =	shalt  }
0x64: {  	_ =	shalt  }
0x65: {  	_ =	shalt  }
0x66: {  	_ =	shalt  }
0x67: {  	_ =	shalt  }
0x68: {  	_ =	shalt  }
0x69: {  	_ =	shalt  }
0x6a: {  	_ =	shalt  }
0x6b: {  	_ =	shalt  }
0x6c: {  	_ =	shalt  }
0x6d: {  	_ =	shalt  }
0x6e: {  	_ =	shalt  }
0x6f: {  	_ =	shalt  }
0x70: {  	_ =	shalt  }
0x71: {  	_ =	shalt  }
0x72: {  	_ =	shalt  }
0x73: {  	_ =	shalt  }
0x74: {  	_ =	shalt  }
0x75: {  	_ =	shalt  }
0x76: {  	_ =	shalt  }
0x77: {  	_ =	shalt  }
0x78: {  	_ =	shalt  }
0x79: {  	_ =	shalt  }
0x7a: {  	_ =	shalt  }
0x7b: {  	_ =	shalt  }
0x7c: {  	_ =	shalt  }
0x7d: {  	_ =	shalt  }
0x7e: {  	_ =	shalt  }
0x7f: {  	_ =	shalt  }
0x80: {  	_ =	shalt  }
0x81: {  	_ =	shalt  }
0x82: {  	_ =	shalt  }
0x83: {  	_ =	shalt  }
0x84: {  	_ =	shalt  }
0x85: {  	_ =	shalt  }
0x86: {  	_ =	shalt  }
0x87: {  	_ =	shalt  }
.Lfunc_end0:
.L_simem_size_0:
called_computation.1_lowered:
.L_overlay_start_0:
0x88: {  	s2 =	sld [smem:$0x3FD9]  }
0x89: {  	s3 =	sld [smem:$0x3FFE];
	_ =	sdelay $0x1  }
0x8a: {  	s1 =	srdreg.scid  }
0x8b: {  	s0 =	sand.u32 $0x1, s1  }
0x8c: {  	s16 =	sshll.u32 s0, $0xA;
	s2 =	sadd.s32 s3, s2  }
0x8d: {  	s2 =	sadd.s32 s2, s16  }
0x8e: {  	[smem:$0x3FBA] =	sst s2  }
0x8f: {  	_ = 	snop  }
0x90: {  	(tm) =	ssettm $0x1  }
0x91: {  	s17 =	sld [smem:$0x3FFB];
	_ =	sdelay $0x3  }
0x92: {  	_ =	strace s17  }
0x93: {  	s2 =	sld [smem:$0x3FFC];
	_ =	sdelay $0x3  }
0x94: {  	_ =	strace s2  }
0x95: {  	s2 =	sld [smem:$0x3FFD];
	_ =	sdelay $0x3  }
0x96: {  	_ =	strace s2  }
0x97: {  	_ =	strace $0x8FFFFFFF  }
0x98: {  	s18 =	sld [smem:$0x3FDB];
	_ =	sdelay $0x1  }
0x99: {  	s19 =	simm.s32 $_scs_section_size  }
0x9a: {  	s4 =	simm.s32 $_size__tile_overlayer_lowered;
	s5 =	simm.s32 $_tile_overlayer_lowered  }
0x9b: {  	s22 =	simm.s32 $0x1BFF;
	s21 =	sshll.u32 s5, $0x1;
	s2 =	sadd.s32 s19, s18  }
0x9c: {  	s6 =	simm.s32 $0x0;
	s20 =	sshll.u32 s4, $0x1;
	s4 =	sadd.s32 s21, s2  }
0x9d: {  	[timem:s6], [sflag:s22] =	dma.local [hbm:s4], s20  }
0x9e: {  	_ =	swait.ge [sflag:s22], s20  }
0x9f: {  	s3 =	ssub.s32 $0x0, s20;
	[sflag:s22] =	ssyncset.done $0x0  }
0xa0: {  	[sflag:s22] =	ssyncadd.s32 s3;
	_ =	sdelay $0x1  }
0xa1: {  	s23 =	simm.s32 $0x1B8B  }
0xa2: {  	_ =	swait.ge [sflag:s23], $0x1  }
0xa3: {  	[sflag:s23] =	ssyncset.done $0x0  }
0xa4: {  	s25 =	simm.s32 $0x1B8E;
	s24 =	sld [smem:$0x3FFE];
	[sflag:s23] =	ssyncadd.s32 $0xFFFFFFFF  }
0xa5: {  	s26 =	simm.s32 $execute0_lowered;
	[smem:$0x3FD2] =	sst s25  }
0xa6: {  	s4 =	sshll.u32 s26, $0x1;
	_ =	strace $0x80000049;
	[dreg:$0x1] =	wrdreg $0xFFFFFFFF  }
0xa7: {  	s28 =	simm.s32 $_size_execute0_lowered;
	s2 =	sadd.s32 s2, s4;
	[dreg:$0x0] =	wrdreg $0x0  }
0xa8: {  	s4 =	sshll.u32 s28, $0x1;
	[dreg:$0x2] =	wrdreg s2  }
0xa9: {  	[dreg:$0x3] =	wrdreg s4  }
0xaa: {  	[dreg:$0x4] =	wrdreg $0xC0  }
0xab: {  	_ =	task [dreg:s6], $0x5FFFF  }
0xac: {  	[dreg:$0x1] =	wrdreg $0xFFFFFFFF  }
0xad: {  	[dreg:$0x0] =	wrdreg $0x60  }
0xae: {  	[dreg:$0x2] =	wrdreg s24  }
0xaf: {  	[dreg:$0x3] =	wrdreg $0x9  }
0xb0: {  	_ =	task.clear_ibuf [dreg:s6], $0x4FFFF;
	_ =	strace $0x90000049  }
0xb1: {  	s29 =	simm.s32 $0x9;
	_ =	strace $0x8000004B  }
0xb2: {  	_ =	swait.ge [sflag:s29], $0x1  }
0xb3: {  	[sflag:s29] =	ssyncadd.s32 $0xFFFFFFFF  }
0xb4: {  	_ =	strace $0x9000004B  }
0xb5: {  	_ =	sfence  }
0xb6: {  	s30 =	sld [smem:$0x0];
	_ =	sdelay $0x2  }
0xb7: {  	s31 =	sshll.u32 s1, $0xD;
	s1 =	sshrl.u32 s1, $0x2  }
0xb8: {  	s3 =	sand.u32 $0x4000, s31;
	s1 =	sadd.s32 s1, s30  }
0xb9: {  	s0 =	sor.u32 s3, s0;
	s1 =	sshll.u32 s1, $0x11  }
0xba: {  	s0 =	sor.u32 s1, s0  }
0xbb: {  	s0 =	sadd.s32 $0x8F2B, s0  }
0xbc: {  	[sflag:s0] =	ssyncadd.remote.s32 $0x1  }
0xbd: {  	_ =	sfence.sel $0xFFFF  }
0xbe: {  	[dreg:$0x0] =	wrdreg $0xFFFFFFFF;
	(pc) =	sbr.abs _section_cstart, $3  }
0xbf: {  	[dreg:$0x1] =	wrdreg $0xFFFFFFFF  }
0xc0: {  	_ =	task.clear_ibuf [dreg:s6], $0x2FFFF;
	_ =	strace $0x9FFFFFFF  }
0xc1: {  	(tm) =	ssettm $0x7FFFFFFF  }
tec
execute0_lowered:
.L_overlay_start_1:
0x0: {  	(tag) =	ssettag $0x1  }
0x1: {  	s6 =	rddreg [dreg:$0x0]  }
0x2: {  	s0 =	rddreg [dreg:$0x1];
	s3 =	srdreg.scid  }
0x3: {  	s1 =	stileid.u32;
	s2 =	simm.s32 $0x0;
	s9 =	simm.s32 $0x1  }
0x4: {  	s10 =	simm.s32 $0x9C80;
	s11 =	simm.s32 $0x13900;
	s12 =	simm.s32 $0x14100  }
0x5: {  	s13 =	simm.s32 $0x0;
	s5 =	sand.u32 $0x1, s3;
	s30 =	sshll.u32 s1, $0x1  }
0x6: {  	s17 =	simm.s32 $0x0;
	[smem:$0x7FF] =	sst s2;
	s3 =	sor.u32 s5, s30  }
0x7: {  	s4 =	sadd.s32 $0x12400, s6;
	s8 =	ssub.s32 $0x2, s5;
	s7 =	smul.u32 $0x1390, s3  }
0x8: {  	_ =	strace $0x8000004A;
	s5 =	sadd.s32 $0xD400, s6;
	s31 =	sshrl.u32 s8, $0x1  }
0x9: {  	s3 =	sadd.s32 $0x3400, s6;
	s8 =	ssub.s32 s8, s31;
	s7 =	sadd.s32 s7, s6  }
0xa: {  	s8 =	smax.u32 s8, $0x1;
	s6 =	sadd.s32 $0x8C800, s7;
	s7 =	sadd.s32 $0xB3A00, s7  }
.LBB2_1:
0xb: {  	[tilespmem:s2], [sflag:$0x1] =	stream.linear.gather [hbm4b:s6+s2], $0x9C80, $0x38;
	[tilespmem:$0x14900] =	vst v63  }
0xc: {  	_ =	swait.ge [sflag:s9], $0x9C80  }
0xd: {  	[sflag:s9] =	ssyncset.done $0x0  }
0xe: {  	[sflag:s9] =	ssyncadd.s32 $0xFFFF6380  }
0xf: {  	[tilespmem:s10], [sflag:$0x1] =	stream.linear.gather [hbm4b:s3+s2], $0x9C80, $0x38;
	[tilespmem:$0x14900] =	vst v63  }
0x10: {  	_ =	swait.ge [sflag:s9], $0x9C80  }
0x11: {  	[sflag:s9] =	ssyncset.done $0x0  }
0x12: {  	s14 =	simm.s32 $0x0;
	[sflag:s9] =	ssyncadd.s32 $0xFFFF6380  }
.LBB2_2:
0x13: {  	s15 =	sshll.u32 s14, $0x8  }
0x14: {  	s16 =	sadd.s32 s4, s15  }
0x15: {  	[tilespmem:s11], [sflag:$0x1] =	stream.linear.gather [hbm4b:s16+s17], $0x800, $0x38;
	[tilespmem:$0x14900] =	vst v63  }
0x16: {  	_ =	swait.ge [sflag:s9], $0x800  }
0x17: {  	[sflag:s9] =	ssyncset.done $0x0  }
0x18: {  	s15 =	sadd.s32 s5, s15;
	[sflag:s9] =	ssyncadd.s32 $0xFFFFF800  }
0x19: {  	[tilespmem:s12], [sflag:$0x1] =	stream.linear.gather [hbm4b:s15+s17], $0x800, $0x38;
	[tilespmem:$0x14900] =	vst v63  }
0x1a: {  	_ =	swait.ge [sflag:s9], $0x800  }
0x1b: {  	[sflag:s9] =	ssyncset.done $0x0  }
0x1c: {  	s31 =	simm.s32 $0x0;
	[sflag:s9] =	ssyncadd.s32 $0xFFFFF800  }
0x1d: {  	v0 =	vld [tilespmem:s31+$0x13910]  }
0x1e: {  	v1 =	vld [tilespmem:s31+$0x13900]  }
0x1f: {  	v4 =	vld [tilespmem:s31+$0x13920]  }
0x20: {  	v10 =	vld [tilespmem:s31+$0x13930]  }
0x21: {  	v2 =	vld [tilespmem:s31+$0x14130]  }
0x22: {  	v3 =	vld [tilespmem:s31+$0x14120]  }
0x23: {  	v5 =	vld [tilespmem:s31+$0x14110]  }
0x24: {  	v8 =	vld [tilespmem:s31+$0x14100];
	v6 =	vadd.s32 $0x2, v0  }
0x25: {  	v7 =	vadd.s32 $0x3, v0;
	v12 =	vld.idx.msk [tilespmem:v0+s2+$0x0], $0xffff  }
0x26: {  	v9 =	vadd.s32 $0x1, v1;
	v13 =	vld.idx.msk [tilespmem:v1+s2+$0x0], $0xffff  }
0x27: {  	v11 =	vadd.s32 $0x3, v1;
	v16 =	vld.idx.msk [tilespmem:v4+s2+$0x0], $0xffff  }
0x28: {  	v14 =	vadd.s32 $0x3, v4;
	v20 =	vld.idx.msk [tilespmem:v10+s2+$0x0], $0xffff  }
0x29: {  	v15 =	vadd.s32 $0x2, v4;
	v6 =	vld.idx.msk [tilespmem:v6+s2+$0x0], $0xffff  }
0x2a: {  	v19 =	vadd.s32 $0x1, v10;
	v7 =	vld.idx.msk [tilespmem:v7+s2+$0x0], $0xffff  }
0x2b: {  	v0 =	vadd.s32 $0x1, v0;
	v9 =	vld.idx.msk [tilespmem:v9+s2+$0x0], $0xffff  }
0x2c: {  	v1 =	vadd.s32 $0x2, v1;
	v11 =	vld.idx.msk [tilespmem:v11+s2+$0x0], $0xffff  }
0x2d: {  	v17 =	vadd.s32 $0x3, v10;
	v14 =	vld.idx.msk [tilespmem:v14+s2+$0x0], $0xffff  }
0x2e: {  	v4 =	vadd.s32 $0x1, v4;
	v15 =	vld.idx.msk [tilespmem:v15+s2+$0x0], $0xffff  }
0x2f: {  	v10 =	vadd.s32 $0x2, v10;
	v19 =	vld.idx.msk [tilespmem:v19+s2+$0x0], $0xffff  }
0x30: {  	v18 =	vld.idx.msk [tilespmem:v0+s2+$0x0], $0xffff  }
0x31: {  	v21 =	vadd.s32 $0x1, v8;
	v1 =	vld.idx.msk [tilespmem:v1+s2+$0x0], $0xffff  }
0x32: {  	v58 =	vadd.s32 $0x2, v8;
	v0 =	vld.idx.msk [tilespmem:v17+s2+$0x0], $0xffff  }
0x33: {  	v22 =	vadd.s32 $0x3, v8;
	v4 =	vld.idx.msk [tilespmem:v4+s2+$0x0], $0xffff  }
0x34: {  	v10 =	vld.idx.msk [tilespmem:v10+s2+$0x0], $0xffff  }
0x35: {  	v23 =	vadd.s32 $0x1, v5;
	[tilespmem:v8+s10+$0x0] =	vst.idx.add.f32.msk $0xffff, v13  }
0x36: {  	v59 =	vadd.s32 $0x2, v5;
	[tilespmem:v21+s10+$0x0] =	vst.idx.add.f32.msk $0xffff, v9  }
0x37: {  	v60 =	vadd.s32 $0x3, v5;
	[tilespmem:v58+s10+$0x0] =	vst.idx.add.f32.msk $0xffff, v1  }
0x38: {  	[tilespmem:v22+s10+$0x0] =	vst.idx.add.f32.msk $0xffff, v11  }
0x39: {  	v1 =	vadd.s32 $0x1, v3;
	[tilespmem:v5+s10+$0x0] =	vst.idx.add.f32.msk $0xffff, v12  }
0x3a: {  	v61 =	vadd.s32 $0x2, v3;
	[tilespmem:v23+s10+$0x0] =	vst.idx.add.f32.msk $0xffff, v18  }
0x3b: {  	v62 =	vadd.s32 $0x3, v3;
	[tilespmem:v59+s10+$0x0] =	vst.idx.add.f32.msk $0xffff, v6  }
0x3c: {  	[tilespmem:v60+s10+$0x0] =	vst.idx.add.f32.msk $0xffff, v7  }
0x3d: {  	v63 =	vadd.s32 $0x1, v2;
	[tilespmem:v3+s10+$0x0] =	vst.idx.add.f32.msk $0xffff, v16  }
0x3e: {  	v3 =	vadd.s32 $0x2, v2;
	[tilespmem:v1+s10+$0x0] =	vst.idx.add.f32.msk $0xffff, v4  }
0x3f: {  	v1 =	vadd.s32 $0x3, v2;
	[tilespmem:v61+s10+$0x0] =	vst.idx.add.f32.msk $0xffff, v15  }
0x40: {  	[tilespmem:v62+s10+$0x0] =	vst.idx.add.f32.msk $0xffff, v14  }
0x41: {  	[tilespmem:v2+s10+$0x0] =	vst.idx.add.f32.msk $0xffff, v20  }
0x42: {  	[tilespmem:v63+s10+$0x0] =	vst.idx.add.f32.msk $0xffff, v19  }
0x43: {  	s15 =	simm.s32 $0x100;
	[tilespmem:v3+s10+$0x0] =	vst.idx.add.f32.msk $0xffff, v10  }
.LBB2_3:
0x44: {  	s16 =	sshra.s32 s15, $0x2;
	p0 =	sne.s32 s15, $0x1F00;
	s15 =	sadd.s32 $0x100, s15;
	[tilespmem:v1+s10+$0x0] =	vst.idx.add.f32.msk $0xffff, v0  }
0x45: {  	v0 =	vld [tilespmem:s16+$0x13910]  }
0x46: {  	v1 =	vld [tilespmem:s16+$0x13900]  }
0x47: {  	v2 =	vld [tilespmem:s16+$0x14130]  }
0x48: {  	v3 =	vld [tilespmem:s16+$0x14120]  }
0x49: {  	v4 =	vld [tilespmem:s16+$0x13920]  }
0x4a: {  	v5 =	vld [tilespmem:s16+$0x14110];
	v6 =	vadd.s32 $0x2, v0;
	v7 =	vadd.s32 $0x3, v0  }
0x4b: {  	v8 =	vld [tilespmem:s16+$0x14100];
	v9 =	vadd.s32 $0x1, v1;
	v10 =	vadd.s32 $0x3, v1  }
0x4c: {  	v11 =	vadd.s32 $0x2, v1;
	v12 =	vld [tilespmem:s16+$0x13930]  }
0x4d: {  	v13 =	vld.idx.msk [tilespmem:v0+s2+$0x0], $0xffff;
	v0 =	vadd.s32 $0x1, v0  }
0x4e: {  	v1 =	vld.idx.msk [tilespmem:v1+s2+$0x0], $0xffff;
	v14 =	vadd.s32 $0x1, v4;
	v15 =	vadd.s32 $0x2, v4;
	v16 =	vadd.s32 $0x3, v4  }
0x4f: {  	v6 =	vld.idx.msk [tilespmem:v6+s2+$0x0], $0xffff  }
0x50: {  	v7 =	vld.idx.msk [tilespmem:v7+s2+$0x0], $0xffff  }
0x51: {  	v9 =	vld.idx.msk [tilespmem:v9+s2+$0x0], $0xffff  }
0x52: {  	v17 =	vadd.s32 $0x1, v12;
	v18 =	vadd.s32 $0x2, v12;
	v19 =	vadd.s32 $0x3, v12;
	v10 =	vld.idx.msk [tilespmem:v10+s2+$0x0], $0xffff  }
0x53: {  	v4 =	vld.idx.msk [tilespmem:v4+s2+$0x0], $0xffff  }
0x54: {  	v20 =	vld.idx.msk [tilespmem:v0+s2+$0x0], $0xffff  }
0x55: {  	v16 =	vld.idx.msk [tilespmem:v16+s2+$0x0], $0xffff  }
0x56: {  	v12 =	vld.idx.msk [tilespmem:v12+s2+$0x0], $0xffff  }
0x57: {  	v11 =	vld.idx.msk [tilespmem:v11+s2+$0x0], $0xffff  }
0x58: {  	v15 =	vld.idx.msk [tilespmem:v15+s2+$0x0], $0xffff  }
0x59: {  	v21 =	vadd.s32 $0x1, v8;
	v0 =	vld.idx.msk [tilespmem:v19+s2+$0x0], $0xffff  }
0x5a: {  	v19 =	vadd.s32 $0x2, v8;
	v17 =	vld.idx.msk [tilespmem:v17+s2+$0x0], $0xffff  }
0x5b: {  	v22 =	vadd.s32 $0x3, v8;
	v14 =	vld.idx.msk [tilespmem:v14+s2+$0x0], $0xffff  }
0x5c: {  	v18 =	vld.idx.msk [tilespmem:v18+s2+$0x0], $0xffff  }
0x5d: {  	v23 =	vadd.s32 $0x1, v5;
	[tilespmem:v8+s10+$0x0] =	vst.idx.add.f32.msk $0xffff, v1  }
0x5e: {  	v1 =	vadd.s32 $0x2, v5;
	[tilespmem:v21+s10+$0x0] =	vst.idx.add.f32.msk $0xffff, v9  }
0x5f: {  	v8 =	vadd.s32 $0x3, v5;
	[tilespmem:v19+s10+$0x0] =	vst.idx.add.f32.msk $0xffff, v11  }
0x60: {  	[tilespmem:v22+s10+$0x0] =	vst.idx.add.f32.msk $0xffff, v10  }
0x61: {  	v9 =	vadd.s32 $0x1, v3;
	[tilespmem:v5+s10+$0x0] =	vst.idx.add.f32.msk $0xffff, v13  }
0x62: {  	v5 =	vadd.s32 $0x2, v3;
	[tilespmem:v23+s10+$0x0] =	vst.idx.add.f32.msk $0xffff, v20  }
0x63: {  	v10 =	vadd.s32 $0x3, v3;
	[tilespmem:v1+s10+$0x0] =	vst.idx.add.f32.msk $0xffff, v6  }
0x64: {  	[tilespmem:v8+s10+$0x0] =	vst.idx.add.f32.msk $0xffff, v7  }
0x65: {  	v6 =	vadd.s32 $0x1, v2;
	[tilespmem:v3+s10+$0x0] =	vst.idx.add.f32.msk $0xffff, v4  }
0x66: {  	v3 =	vadd.s32 $0x2, v2;
	[tilespmem:v9+s10+$0x0] =	vst.idx.add.f32.msk $0xffff, v14  }
.Ltmp0:
0x67: {  	v1 =	vadd.s32 $0x3, v2;
	[tilespmem:v5+s10+$0x0] =	vst.idx.add.f32.msk $0xffff, v15;
	(pc) =	sbr.rel @p0 .LBB2_3-.Ltmp0, $4  }
0x68: {  	[tilespmem:v10+s10+$0x0] =	vst.idx.add.f32.msk $0xffff, v16  }
0x69: {  	[tilespmem:v2+s10+$0x0] =	vst.idx.add.f32.msk $0xffff, v12  }
0x6a: {  	[tilespmem:v6+s10+$0x0] =	vst.idx.add.f32.msk $0xffff, v17  }
0x6b: {  	[tilespmem:v3+s10+$0x0] =	vst.idx.add.f32.msk $0xffff, v18  }
0x6c: {  	s14 =	sadd.s32 $0x1, s14  }
0x6d: {  	p0 =	sne.s32 s14, $0x50  }
.Ltmp1:
0x6e: {  	_ = 	snop;
	(pc) =	sbr.rel @p0 .LBB2_2-.Ltmp1, $2  }
0x6f: {  	_ =	sdelay $0x2  }
0x70: {  	[tilespmem:v1+s10+$0x0] =	vst.idx.add.f32.msk $0xffff, v0  }
0x71: {  	s13 =	sadd.s32 $0x1, s13  }
0x72: {  	p0 =	sne.s32 s13, s8  }
.Ltmp2:
0x73: {  	_ = 	snop;
	(pc) =	sbr.rel @p0 .LBB2_1-.Ltmp2, $4  }
0x74: {  	[hbm4b:s7+s2] =	stream.linear.scatter [tilespmem:s10], [sflag:$0x1], $0x9C80, $0x38;
	[tilespmem:$0x14900] =	vst v63  }
0x75: {  	_ =	swait.ge [sflag:s9], $0x9C80  }
0x76: {  	[sflag:s9] =	ssyncset.done $0x0  }
0x77: {  	[sflag:s9] =	ssyncadd.s32 $0xFFFF6380  }
0x78: {  	_ =	sfence.sel $0x180000  }
0x79: {  	[bflag:$0x0] =	sbarrier.arrive $0xFFFF  }
0x7a: {  	p0 =	sne.s32 s1, $0x0;
	_ =	strace $0x9000004A  }
0x7b: {  	s0 =	sadd.s32 @!p0 $0x100000, s0;
	[bflag:$0x2] =	sbarrier.arrive $0xFFFF  }
0x7c: {  	[sflag:s0] =	ssyncadd.tile.s32 @!p0 $0x1;
	_ =	shalt  }
.Lfunc_end2:
_tile_overlayer_lowered:
.L_overlay_start_2:
0x7d: {  	(tag) =	ssettag $0x2  }
0x7e: {  	s0 =	rddreg [dreg:$0x0];
	s2 =	stileid.u32  }
0x7f: {  	s1 =	rddreg [dreg:$0x1];
	p0 =	sne.s32 s2, $0x0  }
0x80: {  	s3 =	rddreg [dreg:$0x2];
	[bflag:$0x3] =	sbarrier.arrive $0xFFFF;
	s2 =	simm.s32 @!p0 $0x1C01  }
0x81: {  	[timem:s3], [sflag:s2] =	dma.local @!p0 [hbm:s0], s1  }
0x82: {  	s0 =	simm.s32 @!p0 $0x1  }
0x83: {  	_ =	swait.ge @!p0 [sflag:s0], s1  }
0x84: {  	s1 =	ssub.s32 @!p0 $0x0, s1;
	[sflag:s0] =	ssyncset.done @!p0 $0x0  }
0x85: {  	[sflag:s0] =	ssyncadd.s32 @!p0 s1  }
0x86: {  	[bflag:$0x3] =	sbarrier.arrive $0xFFFF  }
0x87: {  	_ =	shalt  }

// kernel: kernel.16.cloned.1.call-start
scs
__scs_entry_jumppad:
0x0: {  	(pc) =	sbr.rel $0x88, $3  }
0x1: {  	(tag) =	ssettag $0x0;
	lr =	simm.s32 $0x1  }
0x2: {  	[smem:$0x3F93] =	sst lr;
	_ =	strace $0xD0000000  }
0x3: {  	_ = 	snop  }
0x4: {  	_ = 	snop  }
0x5: {  	_ = 	snop  }
0x6: {  	_ = 	snop  }
0x7: {  	_ = 	snop  }
__scs_overlays_trampoline_lowered:
0x8: {  	[smem:$0x3FA2] =	sst s0  }
0x9: {  	[smem:$0x3FA3] =	sst s1  }
0xa: {  	[smem:$0x3FA4] =	sst s2  }
0xb: {  	[smem:$0x3FA5] =	sst s3  }
0xc: {  	[smem:$0x3FA6] =	sst s4  }
0xd: {  	[smem:$0x3FA7] =	sst s5  }
0xe: {  	[smem:$0x3FA8] =	sst s6  }
0xf: {  	[smem:$0x3FA9] =	sst s7  }
0x10: {  	[smem:$0x3FAA] =	sst s8  }
0x11: {  	[smem:$0x3FAB] =	sst s9;
	s0 =	simm.s32 @!p0 $0x0  }
0x12: {  	s1 =	sld [smem:$0x3F91];
	s0 =	simm.s32 @p0 $0x1  }
0x13: {  	[smem:$0x3FAC] =	sst s0;
	s0 =	simm.s32 @!p1 $0x0  }
0x14: {  	s2 =	sld [smem:$0x3F90];
	s0 =	simm.s32 @p1 $0x1  }
0x15: {  	[smem:$0x3FAD] =	sst s0;
	s0 =	simm.s32 @!p2 $0x0  }
0x16: {  	s3 =	sld [smem:$0x3FDB];
	s0 =	simm.s32 @p2 $0x1  }
0x17: {  	s4 =	simm.s32 $0x1BF5;
	[smem:$0x3FAF] =	sst s0  }
0x18: {  	s0 =	sld [smem:$0x3F92];
	_ =	swait.ge [sflag:s4], $0x0  }
0x19: {  	s7 =	sld [smem:$0x3F93]  }
0x1a: {  	s8 =	sadd.s32 $0xFFFFE003, lr  }
0x1b: {  	s9 =	sadd.s32 $0xFFFFFEF7, lr;
	s5 =	simm.s32 $0xFFFFFFFF;
	p2 =	slt.u32 s8, $0xFFFFF086  }
0x1c: {  	p1 =	slt.u32 s9, $0xF7A;
	s5 =	simm.s32 @!p2 $0x0  }
0x1d: {  	s5 =	simm.s32 @p1 $0x1;
	p0 =	seq.s32 s7, s2  }
0x1e: {  	s7 =	smul.u32 @!p0 $0xF7A, s2;
	p2 =	seq.s32 @!p0 s5, $0x0  }
0x1f: {  	s9 =	smul.u32 $0xF7A, s1;
	s8 =	simm.s32 @!p0 $0x1BF5;
	p2 =	por !p2, p0  }
0x20: {  	[sflag:s8] =	ssyncset.s32 @!p0 $0xFFFFF086;
	s6 =	sadd.s32 @!p0 s3, s7;
	s7 =	simm.s32 @!p0 $0x108  }
0x21: {  	s3 =	sadd.s32 s3, s9;
	s6 =	sadd.s32 @!p0 $0x88, s6;
	s7 =	simm.s32 @p2 $0x1082  }
0x22: {  	[simem:s7], [sflag:s8] =	dma.local @!p0 [hbm:s6], $0xF7A  }
0x23: {  	s9 =	sor.u32 $0xD0000000, s2;
	s6 =	simm.s32 $0x108;
	_ =	swait.ge @!p0 [sflag:s8], $0x0  }
0x24: {  	s3 =	sadd.s32 $0x88, s3;
	s6 =	simm.s32 @!p1 $0x1082;
	[sflag:s4] =	ssyncset.s32 $0xFFFFF086  }
0x25: {  	[simem:s6], [sflag:s4] =	dma.local [hbm:s3], $0xF7A  }
0x26: {  	[smem:$0x3F93] =	sst s1;
	(tag) =	ssettag s2;
	_ =	strace s9  }
0x27: {  	s1 =	sld [smem:$0x3FA3]  }
0x28: {  	s2 =	sld [smem:$0x3FA4]  }
0x29: {  	s4 =	sld [smem:$0x3FA6]  }
0x2a: {  	p0 =	seq.s32 s5, $0x0;
	s5 =	sld [smem:$0x3FA7]  }
0x2b: {  	s6 =	sld [smem:$0x3FA8]  }
0x2c: {  	s7 =	sld [smem:$0x3FA9]  }
0x2d: {  	s3 =	simm.s32 $0x108;
	s8 =	sld [smem:$0x3FAA]  }
0x2e: {  	s3 =	simm.s32 @!p0 $0x1082;
	s9 =	sld [smem:$0x3FAB]  }
0x2f: {  	lr =	sadd.s32 s0, s3;
	s0 =	sld [smem:$0x3FA2]  }
0x30: {  	s3 =	sld [smem:$0x3FA5]  }
0x31: {  	[smem:$0x3FAE] =	sst s10  }
0x32: {  	s10 =	sld [smem:$0x3FAC];
	_ =	sdelay $0x3  }
0x33: {  	p0 =	seq.s32 s10, $0x1;
	s10 =	sld [smem:$0x3FAE];
	_ =	sdelay $0x3  }
0x34: {  	[smem:$0x3FAE] =	sst s10  }
0x35: {  	s10 =	sld [smem:$0x3FAD];
	_ =	sdelay $0x3  }
0x36: {  	p1 =	seq.s32 s10, $0x1;
	s10 =	sld [smem:$0x3FAE];
	_ =	sdelay $0x3  }
0x37: {  	[smem:$0x3FAE] =	sst s10  }
0x38: {  	s10 =	sld [smem:$0x3FAF]  }
0x39: {  	_ = 	snop;
	(pc) =	sbr.ind lr, $3  }
0x3a: {  	_ = 	snop  }
0x3b: {  	_ = 	snop  }
0x3c: {  	p2 =	seq.s32 s10, $0x1;
	s10 =	sld [smem:$0x3FAE]  }
0x3d: {  	_ =	shalt  }
0x3e: {  	_ =	shalt  }
0x3f: {  	_ =	shalt  }
0x40: {  	_ =	shalt  }
0x41: {  	_ =	shalt  }
0x42: {  	_ =	shalt  }
0x43: {  	_ =	shalt  }
0x44: {  	_ =	shalt  }
0x45: {  	_ =	shalt  }
0x46: {  	_ =	shalt  }
0x47: {  	_ =	shalt  }
0x48: {  	_ =	shalt  }
0x49: {  	_ =	shalt  }
0x4a: {  	_ =	shalt  }
0x4b: {  	_ =	shalt  }
0x4c: {  	_ =	shalt  }
0x4d: {  	_ =	shalt  }
0x4e: {  	_ =	shalt  }
0x4f: {  	_ =	shalt  }
0x50: {  	_ =	shalt  }
0x51: {  	_ =	shalt  }
0x52: {  	_ =	shalt  }
0x53: {  	_ =	shalt  }
0x54: {  	_ =	shalt  }
0x55: {  	_ =	shalt  }
0x56: {  	_ =	shalt  }
0x57: {  	_ =	shalt  }
0x58: {  	_ =	shalt  }
0x59: {  	_ =	shalt  }
0x5a: {  	_ =	shalt  }
0x5b: {  	_ =	shalt  }
0x5c: {  	_ =	shalt  }
0x5d: {  	_ =	shalt  }
0x5e: {  	_ =	shalt  }
0x5f: {  	_ =	shalt  }
0x60: {  	_ =	shalt  }
0x61: {  	_ =	shalt  }
0x62: {  	_ =	shalt  }
0x63: {  	_ =	shalt  }
0x64: {  	_ =	shalt  }
0x65: {  	_ =	shalt  }
0x66: {  	_ =	shalt  }
0x67: {  	_ =	shalt  }
0x68: {  	_ =	shalt  }
0x69: {  	_ =	shalt  }
0x6a: {  	_ =	shalt  }
0x6b: {  	_ =	shalt  }
0x6c: {  	_ =	shalt  }
0x6d: {  	_ =	shalt  }
0x6e: {  	_ =	shalt  }
0x6f: {  	_ =	shalt  }
0x70: {  	_ =	shalt  }
0x71: {  	_ =	shalt  }
0x72: {  	_ =	shalt  }
0x73: {  	_ =	shalt  }
0x74: {  	_ =	shalt  }
0x75: {  	_ =	shalt  }
0x76: {  	_ =	shalt  }
0x77: {  	_ =	shalt  }
0x78: {  	_ =	shalt  }
0x79: {  	_ =	shalt  }
0x7a: {  	_ =	shalt  }
0x7b: {  	_ =	shalt  }
0x7c: {  	_ =	shalt  }
0x7d: {  	_ =	shalt  }
0x7e: {  	_ =	shalt  }
0x7f: {  	_ =	shalt  }
0x80: {  	_ =	shalt  }
0x81: {  	_ =	shalt  }
0x82: {  	_ =	shalt  }
0x83: {  	_ =	shalt  }
0x84: {  	_ =	shalt  }
0x85: {  	_ =	shalt  }
0x86: {  	_ =	shalt  }
0x87: {  	_ =	shalt  }
.Lfunc_end0:
.L_simem_size_0:
called_computation.2_lowered:
.L_overlay_start_0:
0x88: {  	s2 =	sld [smem:$0x3FD9]  }
0x89: {  	s3 =	sld [smem:$0x3FFE];
	_ =	sdelay $0x1  }
0x8a: {  	s1 =	srdreg.scid  }
0x8b: {  	s0 =	sand.u32 $0x1, s1  }
0x8c: {  	s17 =	sshll.u32 s0, $0xA;
	s2 =	sadd.s32 s3, s2  }
0x8d: {  	s2 =	sadd.s32 s2, s17  }
0x8e: {  	[smem:$0x3FBA] =	sst s2  }
0x8f: {  	_ = 	snop  }
0x90: {  	(tm) =	ssettm $0x1  }
0x91: {  	s18 =	sld [smem:$0x3FFB];
	_ =	sdelay $0x3  }
0x92: {  	_ =	strace s18  }
0x93: {  	s2 =	sld [smem:$0x3FFC];
	_ =	sdelay $0x3  }
0x94: {  	_ =	strace s2  }
0x95: {  	s2 =	sld [smem:$0x3FFD];
	_ =	sdelay $0x3  }
0x96: {  	_ =	strace s2  }
0x97: {  	_ =	strace $0x8FFFFFFF  }
0x98: {  	s19 =	sld [smem:$0x3FDB];
	_ =	sdelay $0x1  }
0x99: {  	s20 =	simm.s32 $_scs_section_size  }
0x9a: {  	s4 =	simm.s32 $_size__tile_overlayer_lowered;
	s5 =	simm.s32 $_tile_overlayer_lowered  }
0x9b: {  	s6 =	simm.s32 $0x1BFF;
	s21 =	sshll.u32 s5, $0x1;
	s3 =	sadd.s32 s20, s19  }
0x9c: {  	s22 =	simm.s32 $0x0;
	s4 =	sshll.u32 s4, $0x1;
	s5 =	sadd.s32 s21, s3  }
0x9d: {  	[timem:s22], [sflag:s6] =	dma.local [hbm:s5], s4  }
0x9e: {  	_ =	swait.ge [sflag:s6], s4  }
0x9f: {  	s4 =	ssub.s32 $0x0, s4;
	[sflag:s6] =	ssyncset.done $0x0  }
0xa0: {  	[sflag:s6] =	ssyncadd.s32 s4;
	_ =	sdelay $0x1  }
0xa1: {  	s23 =	simm.s32 $0x1B8B  }
0xa2: {  	_ =	swait.ge [sflag:s23], $0x1  }
0xa3: {  	[sflag:s23] =	ssyncset.done $0x0  }
0xa4: {  	[sflag:s23] =	ssyncadd.s32 $0xFFFFFFFF  }
0xa5: {  	s4 =	sld [smem:$0x0]  }
0xa6: {  	s5 =	sand.u32 $0xFFFFFFFE, s1  }
0xa7: {  	p0 =	sne.s32 s1, s5  }
0xa8: {  	s5 =	sshll.u32 @p0 s5, $0xE  }
0xa9: {  	s5 =	sadd.s32 @p0 $0x11B8D, s5;
	s6 =	sshll.u32 @p0 s4, $0x11  }
0xaa: {  	s5 =	sor.u32 @p0 s6, s5  }
0xab: {  	[sflag:s5] =	ssyncadd.remote.s32 @p0 $0x1;
	_ =	sdelay $0x1  }
0xac: {  	s5 =	simm.s32 @p0 $0x1B8D  }
0xad: {  	_ =	swait.eq @p0 [sflag:s5], $0x1  }
0xae: {  	[sflag:s5] =	ssyncadd.s32 @p0 $0xFFFFFFFF  }
0xaf: {  	s6 =	sshll.u32 @!p0 s1, $0xE  }
0xb0: {  	s6 =	sor.u32 @!p0 $0x4000, s6;
	s5 =	simm.s32 @!p0 $0x1B8D  }
0xb1: {  	s4 =	sshll.u32 @!p0 s4, $0x11;
	s6 =	sadd.s32 @!p0 $0x11B8D, s6;
	_ =	swait.eq @!p0 [sflag:s5], $0x1  }
0xb2: {  	s4 =	sor.u32 @!p0 s4, s6;
	[sflag:s5] =	ssyncadd.s32 @!p0 $0xFFFFFFFF  }
0xb3: {  	s25 =	simm.s32 $0x1B8E;
	s24 =	sld [smem:$0x3FFE];
	[sflag:s4] =	ssyncadd.remote.s32 @!p0 $0x1  }
0xb4: {  	s26 =	simm.s32 $execute0_lowered;
	[smem:$0x3FD2] =	sst s25  }
0xb5: {  	s5 =	sshll.u32 s26, $0x1;
	_ =	strace $0x8000004C;
	[dreg:$0x1] =	wrdreg $0xFFFFFFFF  }
0xb6: {  	s28 =	simm.s32 $_size_execute0_lowered;
	s3 =	sadd.s32 s3, s5;
	[dreg:$0x0] =	wrdreg $0x0  }
0xb7: {  	s5 =	sshll.u32 s28, $0x1;
	[dreg:$0x2] =	wrdreg s3  }
0xb8: {  	[dreg:$0x3] =	wrdreg s5  }
0xb9: {  	[dreg:$0x4] =	wrdreg $0xC0  }
0xba: {  	_ =	task [dreg:s22], $0x5FFFF  }
0xbb: {  	[dreg:$0x1] =	wrdreg $0xFFFFFFFF  }
0xbc: {  	[dreg:$0x0] =	wrdreg $0x60  }
0xbd: {  	[dreg:$0x2] =	wrdreg s24  }
0xbe: {  	[dreg:$0x3] =	wrdreg $0xA  }
0xbf: {  	_ =	task.clear_ibuf [dreg:s22], $0x4FFFF;
	_ =	strace $0x9000004C  }
0xc0: {  	s29 =	simm.s32 $0xA;
	_ =	strace $0x8000004E  }
0xc1: {  	_ =	swait.ge [sflag:s29], $0x1  }
0xc2: {  	[sflag:s29] =	ssyncadd.s32 $0xFFFFFFFF  }
0xc3: {  	_ =	strace $0x9000004E  }
0xc4: {  	_ =	sfence  }
0xc5: {  	s30 =	sld [smem:$0x0];
	_ =	sdelay $0x2  }
0xc6: {  	s31 =	sshll.u32 s1, $0xD;
	s1 =	sshrl.u32 s1, $0x2  }
0xc7: {  	s4 =	sand.u32 $0x4000, s31;
	s1 =	sadd.s32 s1, s30  }
0xc8: {  	s0 =	sor.u32 s4, s0;
	s1 =	sshll.u32 s1, $0x11  }
0xc9: {  	s0 =	sor.u32 s1, s0  }
0xca: {  	s0 =	sadd.s32 $0x8F2B, s0  }
0xcb: {  	[sflag:s0] =	ssyncadd.remote.s32 $0x1  }
0xcc: {  	_ =	sfence.sel $0xFFFF  }
0xcd: {  	[dreg:$0x0] =	wrdreg $0xFFFFFFFF;
	(pc) =	sbr.abs _section_cstart, $3  }
0xce: {  	[dreg:$0x1] =	wrdreg $0xFFFFFFFF  }
0xcf: {  	_ =	task.clear_ibuf [dreg:s22], $0x2FFFF;
	_ =	strace $0x9FFFFFFF  }
0xd0: {  	(tm) =	ssettm $0x7FFFFFFF  }
0xd1: {  	_ =	shalt  }
tec
execute0_lowered:
.L_overlay_start_1:
0x0: {  	(tag) =	ssettag $0x1  }
0x1: {  	s6 =	rddreg [dreg:$0x0]  }
0x2: {  	s0 =	rddreg [dreg:$0x1];
	s3 =	srdreg.scid  }
0x3: {  	s1 =	stileid.u32;
	s2 =	simm.s32 $0x0;
	s9 =	simm.s32 $0x1  }
0x4: {  	s10 =	simm.s32 $0x9C80;
	s11 =	simm.s32 $0x13900;
	s12 =	simm.s32 $0x14100  }
0x5: {  	s13 =	simm.s32 $0x0;
	s5 =	sand.u32 $0x1, s3;
	s30 =	sshll.u32 s1, $0x1  }
0x6: {  	s17 =	simm.s32 $0x0;
	[smem:$0x7FF] =	sst s2;
	s3 =	sor.u32 s5, s30  }
0x7: {  	s4 =	sadd.s32 $0x12400, s6;
	s8 =	ssub.s32 $0x2, s5;
	s7 =	smul.u32 $0x1390, s3  }
0x8: {  	_ =	strace $0x8000004D;
	s5 =	sadd.s32 $0xD400, s6;
	s31 =	sshrl.u32 s8, $0x1  }
0x9: {  	s3 =	sadd.s32 $0x3400, s6;
	s8 =	ssub.s32 s8, s31;
	s7 =	sadd.s32 s7, s6  }
0xa: {  	s8 =	smax.u32 s8, $0x1;
	s6 =	sadd.s32 $0xDAC00, s7;
	s7 =	sadd.s32 $0x101E00, s7  }
.LBB2_1:
0xb: {  	[tilespmem:s2], [sflag:$0x1] =	stream.linear.gather [hbm4b:s6+s2], $0x9C80, $0x38;
	[tilespmem:$0x14900] =	vst v63  }
0xc: {  	_ =	swait.ge [sflag:s9], $0x9C80  }
0xd: {  	[sflag:s9] =	ssyncset.done $0x0  }
0xe: {  	[sflag:s9] =	ssyncadd.s32 $0xFFFF6380  }
0xf: {  	[tilespmem:s10], [sflag:$0x1] =	stream.linear.gather [hbm4b:s3+s2], $0x9C80, $0x38;
	[tilespmem:$0x14900] =	vst v63  }
0x10: {  	_ =	swait.ge [sflag:s9], $0x9C80  }
0x11: {  	[sflag:s9] =	ssyncset.done $0x0  }
0x12: {  	s14 =	simm.s32 $0x0;
	[sflag:s9] =	ssyncadd.s32 $0xFFFF6380  }
.LBB2_2:
0x13: {  	s15 =	sshll.u32 s14, $0x8  }
0x14: {  	s16 =	sadd.s32 s4, s15  }
0x15: {  	[tilespmem:s11], [sflag:$0x1] =	stream.linear.gather [hbm4b:s16+s17], $0x800, $0x38;
	[tilespmem:$0x14900] =	vst v63  }
0x16: {  	_ =	swait.ge [sflag:s9], $0x800  }
0x17: {  	[sflag:s9] =	ssyncset.done $0x0  }
0x18: {  	s15 =	sadd.s32 s5, s15;
	[sflag:s9] =	ssyncadd.s32 $0xFFFFF800  }
0x19: {  	[tilespmem:s12], [sflag:$0x1] =	stream.linear.gather [hbm4b:s15+s17], $0x800, $0x38;
	[tilespmem:$0x14900] =	vst v63  }
0x1a: {  	_ =	swait.ge [sflag:s9], $0x800  }
0x1b: {  	[sflag:s9] =	ssyncset.done $0x0  }
0x1c: {  	s31 =	simm.s32 $0x0;
	[sflag:s9] =	ssyncadd.s32 $0xFFFFF800  }
0x1d: {  	v0 =	vld [tilespmem:s31+$0x13910]  }
0x1e: {  	v1 =	vld [tilespmem:s31+$0x13900]  }
0x1f: {  	v4 =	vld [tilespmem:s31+$0x13920]  }
0x20: {  	v10 =	vld [tilespmem:s31+$0x13930]  }
0x21: {  	v2 =	vld [tilespmem:s31+$0x14130]  }
0x22: {  	v3 =	vld [tilespmem:s31+$0x14120]  }
0x23: {  	v5 =	vld [tilespmem:s31+$0x14110]  }
0x24: {  	v8 =	vld [tilespmem:s31+$0x14100];
	v6 =	vadd.s32 $0x2, v0  }
0x25: {  	v7 =	vadd.s32 $0x3, v0;
	v12 =	vld.idx.msk [tilespmem:v0+s2+$0x0], $0xffff  }
0x26: {  	v9 =	vadd.s32 $0x1, v1;
	v13 =	vld.idx.msk [tilespmem:v1+s2+$0x0], $0xffff  }
0x27: {  	v11 =	vadd.s32 $0x3, v1;
	v16 =	vld.idx.msk [tilespmem:v4+s2+$0x0], $0xffff  }
0x28: {  	v14 =	vadd.s32 $0x3, v4;
	v20 =	vld.idx.msk [tilespmem:v10+s2+$0x0], $0xffff  }
0x29: {  	v15 =	vadd.s32 $0x2, v4;
	v6 =	vld.idx.msk [tilespmem:v6+s2+$0x0], $0xffff  }
0x2a: {  	v19 =	vadd.s32 $0x1, v10;
	v7 =	vld.idx.msk [tilespmem:v7+s2+$0x0], $0xffff  }
0x2b: {  	v0 =	vadd.s32 $0x1, v0;
	v9 =	vld.idx.msk [tilespmem:v9+s2+$0x0], $0xffff  }
0x2c: {  	v1 =	vadd.s32 $0x2, v1;
	v11 =	vld.idx.msk [tilespmem:v11+s2+$0x0], $0xffff  }
0x2d: {  	v17 =	vadd.s32 $0x3, v10;
	v14 =	vld.idx.msk [tilespmem:v14+s2+$0x0], $0xffff  }
0x2e: {  	v4 =	vadd.s32 $0x1, v4;
	v15 =	vld.idx.msk [tilespmem:v15+s2+$0x0], $0xffff  }
0x2f: {  	v10 =	vadd.s32 $0x2, v10;
	v19 =	vld.idx.msk [tilespmem:v19+s2+$0x0], $0xffff  }
0x30: {  	v18 =	vld.idx.msk [tilespmem:v0+s2+$0x0], $0xffff  }
0x31: {  	v21 =	vadd.s32 $0x1, v8;
	v1 =	vld.idx.msk [tilespmem:v1+s2+$0x0], $0xffff  }
0x32: {  	v58 =	vadd.s32 $0x2, v8;
	v0 =	vld.idx.msk [tilespmem:v17+s2+$0x0], $0xffff  }
0x33: {  	v22 =	vadd.s32 $0x3, v8;
	v4 =	vld.idx.msk [tilespmem:v4+s2+$0x0], $0xffff  }
0x34: {  	v10 =	vld.idx.msk [tilespmem:v10+s2+$0x0], $0xffff  }
0x35: {  	v23 =	vadd.s32 $0x1, v5;
	[tilespmem:v8+s10+$0x0] =	vst.idx.add.f32.msk $0xffff, v13  }
0x36: {  	v59 =	vadd.s32 $0x2, v5;
	[tilespmem:v21+s10+$0x0] =	vst.idx.add.f32.msk $0xffff, v9  }
0x37: {  	v60 =	vadd.s32 $0x3, v5;
	[tilespmem:v58+s10+$0x0] =	vst.idx.add.f32.msk $0xffff, v1  }
0x38: {  	[tilespmem:v22+s10+$0x0] =	vst.idx.add.f32.msk $0xffff, v11  }
0x39: {  	v1 =	vadd.s32 $0x1, v3;
	[tilespmem:v5+s10+$0x0] =	vst.idx.add.f32.msk $0xffff, v12  }
0x3a: {  	v61 =	vadd.s32 $0x2, v3;
	[tilespmem:v23+s10+$0x0] =	vst.idx.add.f32.msk $0xffff, v18  }
0x3b: {  	v62 =	vadd.s32 $0x3, v3;
	[tilespmem:v59+s10+$0x0] =	vst.idx.add.f32.msk $0xffff, v6  }
0x3c: {  	[tilespmem:v60+s10+$0x0] =	vst.idx.add.f32.msk $0xffff, v7  }
0x3d: {  	v63 =	vadd.s32 $0x1, v2;
	[tilespmem:v3+s10+$0x0] =	vst.idx.add.f32.msk $0xffff, v16  }
0x3e: {  	v3 =	vadd.s32 $0x2, v2;
	[tilespmem:v1+s10+$0x0] =	vst.idx.add.f32.msk $0xffff, v4  }
0x3f: {  	v1 =	vadd.s32 $0x3, v2;
	[tilespmem:v61+s10+$0x0] =	vst.idx.add.f32.msk $0xffff, v15  }
0x40: {  	[tilespmem:v62+s10+$0x0] =	vst.idx.add.f32.msk $0xffff, v14  }
0x41: {  	[tilespmem:v2+s10+$0x0] =	vst.idx.add.f32.msk $0xffff, v20  }
0x42: {  	[tilespmem:v63+s10+$0x0] =	vst.idx.add.f32.msk $0xffff, v19  }
0x43: {  	s15 =	simm.s32 $0x100;
	[tilespmem:v3+s10+$0x0] =	vst.idx.add.f32.msk $0xffff, v10  }
.LBB2_3:
0x44: {  	s16 =	sshra.s32 s15, $0x2;
	p0 =	sne.s32 s15, $0x1F00;
	s15 =	sadd.s32 $0x100, s15;
	[tilespmem:v1+s10+$0x0] =	vst.idx.add.f32.msk $0xffff, v0  }
0x45: {  	v0 =	vld [tilespmem:s16+$0x13910]  }
0x46: {  	v1 =	vld [tilespmem:s16+$0x13900]  }
0x47: {  	v2 =	vld [tilespmem:s16+$0x14130]  }
0x48: {  	v3 =	vld [tilespmem:s16+$0x14120]  }
0x49: {  	v4 =	vld [tilespmem:s16+$0x13920]  }
0x4a: {  	v5 =	vld [tilespmem:s16+$0x14110];
	v6 =	vadd.s32 $0x2, v0;
	v7 =	vadd.s32 $0x3, v0  }
0x4b: {  	v8 =	vld [tilespmem:s16+$0x14100];
	v9 =	vadd.s32 $0x1, v1;
	v10 =	vadd.s32 $0x3, v1  }
0x4c: {  	v11 =	vadd.s32 $0x2, v1;
	v12 =	vld [tilespmem:s16+$0x13930]  }
0x4d: {  	v13 =	vld.idx.msk [tilespmem:v0+s2+$0x0], $0xffff;
	v0 =	vadd.s32 $0x1, v0  }
0x4e: {  	v1 =	vld.idx.msk [tilespmem:v1+s2+$0x0], $0xffff;
	v14 =	vadd.s32 $0x1, v4;
	v15 =	vadd.s32 $0x2, v4;
	v16 =	vadd.s32 $0x3, v4  }
0x4f: {  	v6 =	vld.idx.msk [tilespmem:v6+s2+$0x0], $0xffff  }
0x50: {  	v7 =	vld.idx.msk [tilespmem:v7+s2+$0x0], $0xffff  }
0x51: {  	v9 =	vld.idx.msk [tilespmem:v9+s2+$0x0], $0xffff  }
0x52: {  	v17 =	vadd.s32 $0x1, v12;
	v18 =	vadd.s32 $0x2, v12;
	v19 =	vadd.s32 $0x3, v12;
	v10 =	vld.idx.msk [tilespmem:v10+s2+$0x0], $0xffff  }
0x53: {  	v4 =	vld.idx.msk [tilespmem:v4+s2+$0x0], $0xffff  }
0x54: {  	v20 =	vld.idx.msk [tilespmem:v0+s2+$0x0], $0xffff  }
0x55: {  	v16 =	vld.idx.msk [tilespmem:v16+s2+$0x0], $0xffff  }
0x56: {  	v12 =	vld.idx.msk [tilespmem:v12+s2+$0x0], $0xffff  }
0x57: {  	v11 =	vld.idx.msk [tilespmem:v11+s2+$0x0], $0xffff  }
0x58: {  	v15 =	vld.idx.msk [tilespmem:v15+s2+$0x0], $0xffff  }
0x59: {  	v21 =	vadd.s32 $0x1, v8;
	v0 =	vld.idx.msk [tilespmem:v19+s2+$0x0], $0xffff  }
0x5a: {  	v19 =	vadd.s32 $0x2, v8;
	v17 =	vld.idx.msk [tilespmem:v17+s2+$0x0], $0xffff  }
0x5b: {  	v22 =	vadd.s32 $0x3, v8;
	v14 =	vld.idx.msk [tilespmem:v14+s2+$0x0], $0xffff  }
0x5c: {  	v18 =	vld.idx.msk [tilespmem:v18+s2+$0x0], $0xffff  }
0x5d: {  	v23 =	vadd.s32 $0x1, v5;
	[tilespmem:v8+s10+$0x0] =	vst.idx.add.f32.msk $0xffff, v1  }
0x5e: {  	v1 =	vadd.s32 $0x2, v5;
	[tilespmem:v21+s10+$0x0] =	vst.idx.add.f32.msk $0xffff, v9  }
0x5f: {  	v8 =	vadd.s32 $0x3, v5;
	[tilespmem:v19+s10+$0x0] =	vst.idx.add.f32.msk $0xffff, v11  }
0x60: {  	[tilespmem:v22+s10+$0x0] =	vst.idx.add.f32.msk $0xffff, v10  }
0x61: {  	v9 =	vadd.s32 $0x1, v3;
	[tilespmem:v5+s10+$0x0] =	vst.idx.add.f32.msk $0xffff, v13  }
0x62: {  	v5 =	vadd.s32 $0x2, v3;
	[tilespmem:v23+s10+$0x0] =	vst.idx.add.f32.msk $0xffff, v20  }
0x63: {  	v10 =	vadd.s32 $0x3, v3;
	[tilespmem:v1+s10+$0x0] =	vst.idx.add.f32.msk $0xffff, v6  }
0x64: {  	[tilespmem:v8+s10+$0x0] =	vst.idx.add.f32.msk $0xffff, v7  }
0x65: {  	v6 =	vadd.s32 $0x1, v2;
	[tilespmem:v3+s10+$0x0] =	vst.idx.add.f32.msk $0xffff, v4  }
0x66: {  	v3 =	vadd.s32 $0x2, v2;
	[tilespmem:v9+s10+$0x0] =	vst.idx.add.f32.msk $0xffff, v14  }
.Ltmp0:
0x67: {  	v1 =	vadd.s32 $0x3, v2;
	[tilespmem:v5+s10+$0x0] =	vst.idx.add.f32.msk $0xffff, v15;
	(pc) =	sbr.rel @p0 .LBB2_3-.Ltmp0, $4  }
0x68: {  	[tilespmem:v10+s10+$0x0] =	vst.idx.add.f32.msk $0xffff, v16  }
0x69: {  	[tilespmem:v2+s10+$0x0] =	vst.idx.add.f32.msk $0xffff, v12  }
0x6a: {  	[tilespmem:v6+s10+$0x0] =	vst.idx.add.f32.msk $0xffff, v17  }
0x6b: {  	[tilespmem:v3+s10+$0x0] =	vst.idx.add.f32.msk $0xffff, v18  }
0x6c: {  	s14 =	sadd.s32 $0x1, s14  }
0x6d: {  	p0 =	sne.s32 s14, $0x50  }
.Ltmp1:
0x6e: {  	_ = 	snop;
	(pc) =	sbr.rel @p0 .LBB2_2-.Ltmp1, $2  }
0x6f: {  	_ =	sdelay $0x2  }
0x70: {  	[tilespmem:v1+s10+$0x0] =	vst.idx.add.f32.msk $0xffff, v0  }
0x71: {  	s13 =	sadd.s32 $0x1, s13  }
0x72: {  	p0 =	sne.s32 s13, s8  }
.Ltmp2:
0x73: {  	_ = 	snop;
	(pc) =	sbr.rel @p0 .LBB2_1-.Ltmp2, $4  }
0x74: {  	[hbm4b:s7+s2] =	stream.linear.scatter [tilespmem:s10], [sflag:$0x1], $0x9C80, $0x38;
	[tilespmem:$0x14900] =	vst v63  }
0x75: {  	_ =	swait.ge [sflag:s9], $0x9C80  }
0x76: {  	[sflag:s9] =	ssyncset.done $0x0  }
0x77: {  	[sflag:s9] =	ssyncadd.s32 $0xFFFF6380  }
0x78: {  	_ =	sfence.sel $0x180000  }
0x79: {  	[bflag:$0x0] =	sbarrier.arrive $0xFFFF  }
0x7a: {  	p0 =	sne.s32 s1, $0x0;
	_ =	strace $0x9000004D  }
0x7b: {  	s0 =	sadd.s32 @!p0 $0x100000, s0;
	[bflag:$0x2] =	sbarrier.arrive $0xFFFF  }
0x7c: {  	[sflag:s0] =	ssyncadd.tile.s32 @!p0 $0x1;
	_ =	shalt  }
.Lfunc_end2:
_tile_overlayer_lowered:
.L_overlay_start_2:
0x7d: {  	(tag) =	ssettag $0x2  }
0x7e: {  	s0 =	rddreg [dreg:$0x0];
	s2 =	stileid.u32  }
0x7f: {  	s1 =	rddreg [dreg:$0x1];
	p0 =	sne.s32 s2, $0x0  }
0x80: {  	s3 =	rddreg [dreg:$0x2];
	[bflag:$0x3] =	sbarrier.arrive $0xFFFF;
	s2 =	simm.s32 @!p0 $0x1C01  }
0x81: {  	[timem:s3], [sflag:s2] =	dma.local @!p0 [hbm:s0], s1  }
0x82: {  	s0 =	simm.s32 @!p0 $0x1  }
0x83: {  	_ =	swait.ge @!p0 [sflag:s0], s1  }
0x84: {  	s1 =	ssub.s32 @!p0 $0x0, s1;
	[sflag:s0] =	ssyncset.done @!p0 $0x0  }
0x85: {  	[sflag:s0] =	ssyncadd.s32 @!p0 s1  }
0x86: {  	[bflag:$0x3] =	sbarrier.arrive $0xFFFF  }
0x87: {  	_ =	shalt  }

// kernel: kernel.19.cloned.1.call-start
scs
__scs_entry_jumppad:
0x0: {  	(pc) =	sbr.rel $0x88, $3  }
0x1: {  	(tag) =	ssettag $0x0;
	lr =	simm.s32 $0x1  }
0x2: {  	[smem:$0x3F93] =	sst lr;
	_ =	strace $0xD0000000  }
0x3: {  	_ = 	snop  }
0x4: {  	_ = 	snop  }
0x5: {  	_ = 	snop  }
0x6: {  	_ = 	snop  }
0x7: {  	_ = 	snop  }
__scs_overlays_trampoline_lowered:
0x8: {  	[smem:$0x3FA2] =	sst s0  }
0x9: {  	[smem:$0x3FA3] =	sst s1  }
0xa: {  	[smem:$0x3FA4] =	sst s2  }
0xb: {  	[smem:$0x3FA5] =	sst s3  }
0xc: {  	[smem:$0x3FA6] =	sst s4  }
0xd: {  	[smem:$0x3FA7] =	sst s5  }
0xe: {  	[smem:$0x3FA8] =	sst s6  }
0xf: {  	[smem:$0x3FA9] =	sst s7  }
0x10: {  	[smem:$0x3FAA] =	sst s8  }
0x11: {  	[smem:$0x3FAB] =	sst s9;
	s0 =	simm.s32 @!p0 $0x0  }
0x12: {  	s1 =	sld [smem:$0x3F91];
	s0 =	simm.s32 @p0 $0x1  }
0x13: {  	[smem:$0x3FAC] =	sst s0;
	s0 =	simm.s32 @!p1 $0x0  }
0x14: {  	s2 =	sld [smem:$0x3F90];
	s0 =	simm.s32 @p1 $0x1  }
0x15: {  	[smem:$0x3FAD] =	sst s0;
	s0 =	simm.s32 @!p2 $0x0  }
0x16: {  	s3 =	sld [smem:$0x3FDB];
	s0 =	simm.s32 @p2 $0x1  }
0x17: {  	s4 =	simm.s32 $0x1BF5;
	[smem:$0x3FAF] =	sst s0  }
0x18: {  	s0 =	sld [smem:$0x3F92];
	_ =	swait.ge [sflag:s4], $0x0  }
0x19: {  	s7 =	sld [smem:$0x3F93]  }
0x1a: {  	s8 =	sadd.s32 $0xFFFFE003, lr  }
0x1b: {  	s9 =	sadd.s32 $0xFFFFFEF7, lr;
	s5 =	simm.s32 $0xFFFFFFFF;
	p2 =	slt.u32 s8, $0xFFFFF086  }
0x1c: {  	p1 =	slt.u32 s9, $0xF7A;
	s5 =	simm.s32 @!p2 $0x0  }
0x1d: {  	s5 =	simm.s32 @p1 $0x1;
	p0 =	seq.s32 s7, s2  }
0x1e: {  	s7 =	smul.u32 @!p0 $0xF7A, s2;
	p2 =	seq.s32 @!p0 s5, $0x0  }
0x1f: {  	s9 =	smul.u32 $0xF7A, s1;
	s8 =	simm.s32 @!p0 $0x1BF5;
	p2 =	por !p2, p0  }
0x20: {  	[sflag:s8] =	ssyncset.s32 @!p0 $0xFFFFF086;
	s6 =	sadd.s32 @!p0 s3, s7;
	s7 =	simm.s32 @!p0 $0x108  }
0x21: {  	s3 =	sadd.s32 s3, s9;
	s6 =	sadd.s32 @!p0 $0x88, s6;
	s7 =	simm.s32 @p2 $0x1082  }
0x22: {  	[simem:s7], [sflag:s8] =	dma.local @!p0 [hbm:s6], $0xF7A  }
0x23: {  	s9 =	sor.u32 $0xD0000000, s2;
	s6 =	simm.s32 $0x108;
	_ =	swait.ge @!p0 [sflag:s8], $0x0  }
0x24: {  	s3 =	sadd.s32 $0x88, s3;
	s6 =	simm.s32 @!p1 $0x1082;
	[sflag:s4] =	ssyncset.s32 $0xFFFFF086  }
0x25: {  	[simem:s6], [sflag:s4] =	dma.local [hbm:s3], $0xF7A  }
0x26: {  	[smem:$0x3F93] =	sst s1;
	(tag) =	ssettag s2;
	_ =	strace s9  }
0x27: {  	s1 =	sld [smem:$0x3FA3]  }
0x28: {  	s2 =	sld [smem:$0x3FA4]  }
0x29: {  	s4 =	sld [smem:$0x3FA6]  }
0x2a: {  	p0 =	seq.s32 s5, $0x0;
	s5 =	sld [smem:$0x3FA7]  }
0x2b: {  	s6 =	sld [smem:$0x3FA8]  }
0x2c: {  	s7 =	sld [smem:$0x3FA9]  }
0x2d: {  	s3 =	simm.s32 $0x108;
	s8 =	sld [smem:$0x3FAA]  }
0x2e: {  	s3 =	simm.s32 @!p0 $0x1082;
	s9 =	sld [smem:$0x3FAB]  }
0x2f: {  	lr =	sadd.s32 s0, s3;
	s0 =	sld [smem:$0x3FA2]  }
0x30: {  	s3 =	sld [smem:$0x3FA5]  }
0x31: {  	[smem:$0x3FAE] =	sst s10  }
0x32: {  	s10 =	sld [smem:$0x3FAC];
	_ =	sdelay $0x3  }
0x33: {  	p0 =	seq.s32 s10, $0x1;
	s10 =	sld [smem:$0x3FAE];
	_ =	sdelay $0x3  }
0x34: {  	[smem:$0x3FAE] =	sst s10  }
0x35: {  	s10 =	sld [smem:$0x3FAD];
	_ =	sdelay $0x3  }
0x36: {  	p1 =	seq.s32 s10, $0x1;
	s10 =	sld [smem:$0x3FAE];
	_ =	sdelay $0x3  }
0x37: {  	[smem:$0x3FAE] =	sst s10  }
0x38: {  	s10 =	sld [smem:$0x3FAF]  }
0x39: {  	_ = 	snop;
	(pc) =	sbr.ind lr, $3  }
0x3a: {  	_ = 	snop  }
0x3b: {  	_ = 	snop  }
0x3c: {  	p2 =	seq.s32 s10, $0x1;
	s10 =	sld [smem:$0x3FAE]  }
0x3d: {  	_ =	shalt  }
0x3e: {  	_ =	shalt  }
0x3f: {  	_ =	shalt  }
0x40: {  	_ =	shalt  }
0x41: {  	_ =	shalt  }
0x42: {  	_ =	shalt  }
0x43: {  	_ =	shalt  }
0x44: {  	_ =	shalt  }
0x45: {  	_ =	shalt  }
0x46: {  	_ =	shalt  }
0x47: {  	_ =	shalt  }
0x48: {  	_ =	shalt  }
0x49: {  	_ =	shalt  }
0x4a: {  	_ =	shalt  }
0x4b: {  	_ =	shalt  }
0x4c: {  	_ =	shalt  }
0x4d: {  	_ =	shalt  }
0x4e: {  	_ =	shalt  }
0x4f: {  	_ =	shalt  }
0x50: {  	_ =	shalt  }
0x51: {  	_ =	shalt  }
0x52: {  	_ =	shalt  }
0x53: {  	_ =	shalt  }
0x54: {  	_ =	shalt  }
0x55: {  	_ =	shalt  }
0x56: {  	_ =	shalt  }
0x57: {  	_ =	shalt  }
0x58: {  	_ =	shalt  }
0x59: {  	_ =	shalt  }
0x5a: {  	_ =	shalt  }
0x5b: {  	_ =	shalt  }
0x5c: {  	_ =	shalt  }
0x5d: {  	_ =	shalt  }
0x5e: {  	_ =	shalt  }
0x5f: {  	_ =	shalt  }
0x60: {  	_ =	shalt  }
0x61: {  	_ =	shalt  }
0x62: {  	_ =	shalt  }
0x63: {  	_ =	shalt  }
0x64: {  	_ =	shalt  }
0x65: {  	_ =	shalt  }
0x66: {  	_ =	shalt  }
0x67: {  	_ =	shalt  }
0x68: {  	_ =	shalt  }
0x69: {  	_ =	shalt  }
0x6a: {  	_ =	shalt  }
0x6b: {  	_ =	shalt  }
0x6c: {  	_ =	shalt  }
0x6d: {  	_ =	shalt  }
0x6e: {  	_ =	shalt  }
0x6f: {  	_ =	shalt  }
0x70: {  	_ =	shalt  }
0x71: {  	_ =	shalt  }
0x72: {  	_ =	shalt  }
0x73: {  	_ =	shalt  }
0x74: {  	_ =	shalt  }
0x75: {  	_ =	shalt  }
0x76: {  	_ =	shalt  }
0x77: {  	_ =	shalt  }
0x78: {  	_ =	shalt  }
0x79: {  	_ =	shalt  }
0x7a: {  	_ =	shalt  }
0x7b: {  	_ =	shalt  }
0x7c: {  	_ =	shalt  }
0x7d: {  	_ =	shalt  }
0x7e: {  	_ =	shalt  }
0x7f: {  	_ =	shalt  }
0x80: {  	_ =	shalt  }
0x81: {  	_ =	shalt  }
0x82: {  	_ =	shalt  }
0x83: {  	_ =	shalt  }
0x84: {  	_ =	shalt  }
0x85: {  	_ =	shalt  }
0x86: {  	_ =	shalt  }
0x87: {  	_ =	shalt  }
.Lfunc_end0:
.L_simem_size_0:
called_computation.3_lowered:
.L_overlay_start_0:
0x88: {  	s2 =	sld [smem:$0x3FD9]  }
0x89: {  	s3 =	sld [smem:$0x3FFE];
	_ =	sdelay $0x1  }
0x8a: {  	s1 =	srdreg.scid  }
0x8b: {  	s0 =	sand.u32 $0x1, s1  }
0x8c: {  	s16 =	sshll.u32 s0, $0xA;
	s2 =	sadd.s32 s3, s2  }
0x8d: {  	s2 =	sadd.s32 s2, s16  }
0x8e: {  	[smem:$0x3FBA] =	sst s2  }
0x8f: {  	_ = 	snop  }
0x90: {  	(tm) =	ssettm $0x1  }
0x91: {  	s17 =	sld [smem:$0x3FFB];
	_ =	sdelay $0x3  }
0x92: {  	_ =	strace s17  }
0x93: {  	s2 =	sld [smem:$0x3FFC];
	_ =	sdelay $0x3  }
0x94: {  	_ =	strace s2  }
0x95: {  	s2 =	sld [smem:$0x3FFD];
	_ =	sdelay $0x3  }
0x96: {  	_ =	strace s2  }
0x97: {  	_ =	strace $0x8FFFFFFF  }
0x98: {  	s18 =	sld [smem:$0x3FDB];
	_ =	sdelay $0x1  }
0x99: {  	s19 =	simm.s32 $_scs_section_size  }
0x9a: {  	s4 =	simm.s32 $_size__tile_overlayer_lowered;
	s5 =	simm.s32 $_tile_overlayer_lowered  }
0x9b: {  	s22 =	simm.s32 $0x1BFF;
	s21 =	sshll.u32 s5, $0x1;
	s2 =	sadd.s32 s19, s18  }
0x9c: {  	s6 =	simm.s32 $0x0;
	s20 =	sshll.u32 s4, $0x1;
	s4 =	sadd.s32 s21, s2  }
0x9d: {  	[timem:s6], [sflag:s22] =	dma.local [hbm:s4], s20  }
0x9e: {  	_ =	swait.ge [sflag:s22], s20  }
0x9f: {  	s3 =	ssub.s32 $0x0, s20;
	[sflag:s22] =	ssyncset.done $0x0  }
0xa0: {  	[sflag:s22] =	ssyncadd.s32 s3;
	_ =	sdelay $0x1  }
0xa1: {  	s23 =	simm.s32 $0x1B8B  }
0xa2: {  	_ =	swait.ge [sflag:s23], $0x1  }
0xa3: {  	[sflag:s23] =	ssyncset.done $0x0  }
0xa4: {  	s25 =	simm.s32 $0x1B8E;
	s24 =	sld [smem:$0x3FFE];
	[sflag:s23] =	ssyncadd.s32 $0xFFFFFFFF  }
0xa5: {  	s26 =	simm.s32 $execute0_lowered;
	[smem:$0x3FD2] =	sst s25  }
0xa6: {  	s4 =	sshll.u32 s26, $0x1;
	_ =	strace $0x8000004F;
	[dreg:$0x1] =	wrdreg $0xFFFFFFFF  }
0xa7: {  	s28 =	simm.s32 $_size_execute0_lowered;
	s2 =	sadd.s32 s2, s4;
	[dreg:$0x0] =	wrdreg $0x0  }
0xa8: {  	s4 =	sshll.u32 s28, $0x1;
	[dreg:$0x2] =	wrdreg s2  }
0xa9: {  	[dreg:$0x3] =	wrdreg s4  }
0xaa: {  	[dreg:$0x4] =	wrdreg $0xC0  }
0xab: {  	_ =	task [dreg:s6], $0x5FFFF  }
0xac: {  	[dreg:$0x1] =	wrdreg $0xFFFFFFFF  }
0xad: {  	[dreg:$0x0] =	wrdreg $0x60  }
0xae: {  	[dreg:$0x2] =	wrdreg s24  }
0xaf: {  	[dreg:$0x3] =	wrdreg $0x9  }
0xb0: {  	_ =	task.clear_ibuf [dreg:s6], $0x4FFFF;
	_ =	strace $0x9000004F  }
0xb1: {  	s29 =	simm.s32 $0x9;
	_ =	strace $0x80000051  }
0xb2: {  	_ =	swait.ge [sflag:s29], $0x1  }
0xb3: {  	[sflag:s29] =	ssyncadd.s32 $0xFFFFFFFF  }
0xb4: {  	_ =	strace $0x90000051  }
0xb5: {  	_ =	sfence  }
0xb6: {  	s30 =	sld [smem:$0x0];
	_ =	sdelay $0x2  }
0xb7: {  	s31 =	sshll.u32 s1, $0xD;
	s1 =	sshrl.u32 s1, $0x2  }
0xb8: {  	s3 =	sand.u32 $0x4000, s31;
	s1 =	sadd.s32 s1, s30  }
0xb9: {  	s0 =	sor.u32 s3, s0;
	s1 =	sshll.u32 s1, $0x11  }
0xba: {  	s0 =	sor.u32 s1, s0  }
0xbb: {  	s0 =	sadd.s32 $0x8F2B, s0  }
0xbc: {  	[sflag:s0] =	ssyncadd.remote.s32 $0x1  }
0xbd: {  	_ =	sfence.sel $0xFFFF  }
0xbe: {  	[dreg:$0x0] =	wrdreg $0xFFFFFFFF;
	(pc) =	sbr.abs _section_cstart, $3  }
0xbf: {  	[dreg:$0x1] =	wrdreg $0xFFFFFFFF  }
0xc0: {  	_ =	task.clear_ibuf [dreg:s6], $0x2FFFF;
	_ =	strace $0x9FFFFFFF  }
0xc1: {  	(tm) =	ssettm $0x7FFFFFFF  }
tec
execute0_lowered:
.L_overlay_start_1:
0x0: {  	(tag) =	ssettag $0x1  }
0x1: {  	s6 =	rddreg [dreg:$0x0]  }
0x2: {  	s0 =	rddreg [dreg:$0x1];
	s3 =	srdreg.scid  }
0x3: {  	s1 =	stileid.u32;
	s2 =	simm.s32 $0x0;
	s9 =	simm.s32 $0x1  }
0x4: {  	s10 =	simm.s32 $0x9C80;
	s11 =	simm.s32 $0x13900;
	s12 =	simm.s32 $0x14100  }
0x5: {  	s13 =	simm.s32 $0x0;
	s5 =	sand.u32 $0x1, s3;
	s30 =	sshll.u32 s1, $0x1  }
0x6: {  	s17 =	simm.s32 $0x0;
	[smem:$0x7FF] =	sst s2;
	s3 =	sor.u32 s5, s30  }
0x7: {  	s4 =	sadd.s32 $0x12400, s6;
	s8 =	ssub.s32 $0x2, s5;
	s7 =	smul.u32 $0x1390, s3  }
0x8: {  	_ =	strace $0x80000050;
	s5 =	sadd.s32 $0xD400, s6;
	s31 =	sshrl.u32 s8, $0x1  }
0x9: {  	s3 =	sadd.s32 $0x3400, s6;
	s8 =	ssub.s32 s8, s31;
	s7 =	sadd.s32 s7, s6  }
0xa: {  	s8 =	smax.u32 s8, $0x1;
	s6 =	sadd.s32 $0x8C800, s7;
	s7 =	sadd.s32 $0xB3A00, s7  }
.LBB2_1:
0xb: {  	[tilespmem:s2], [sflag:$0x1] =	stream.linear.gather [hbm4b:s6+s2], $0x9C80, $0x38;
	[tilespmem:$0x14900] =	vst v63  }
0xc: {  	_ =	swait.ge [sflag:s9], $0x9C80  }
0xd: {  	[sflag:s9] =	ssyncset.done $0x0  }
0xe: {  	[sflag:s9] =	ssyncadd.s32 $0xFFFF6380  }
0xf: {  	[tilespmem:s10], [sflag:$0x1] =	stream.linear.gather [hbm4b:s3+s2], $0x9C80, $0x38;
	[tilespmem:$0x14900] =	vst v63  }
0x10: {  	_ =	swait.ge [sflag:s9], $0x9C80  }
0x11: {  	[sflag:s9] =	ssyncset.done $0x0  }
0x12: {  	s14 =	simm.s32 $0x0;
	[sflag:s9] =	ssyncadd.s32 $0xFFFF6380  }
.LBB2_2:
0x13: {  	s15 =	sshll.u32 s14, $0x8  }
0x14: {  	s16 =	sadd.s32 s4, s15  }
0x15: {  	[tilespmem:s11], [sflag:$0x1] =	stream.linear.gather [hbm4b:s16+s17], $0x800, $0x38;
	[tilespmem:$0x14900] =	vst v63  }
0x16: {  	_ =	swait.ge [sflag:s9], $0x800  }
0x17: {  	[sflag:s9] =	ssyncset.done $0x0  }
0x18: {  	s15 =	sadd.s32 s5, s15;
	[sflag:s9] =	ssyncadd.s32 $0xFFFFF800  }
0x19: {  	[tilespmem:s12], [sflag:$0x1] =	stream.linear.gather [hbm4b:s15+s17], $0x800, $0x38;
	[tilespmem:$0x14900] =	vst v63  }
0x1a: {  	_ =	swait.ge [sflag:s9], $0x800  }
0x1b: {  	[sflag:s9] =	ssyncset.done $0x0  }
0x1c: {  	s31 =	simm.s32 $0x0;
	[sflag:s9] =	ssyncadd.s32 $0xFFFFF800  }
0x1d: {  	v0 =	vld [tilespmem:s31+$0x13910]  }
0x1e: {  	v1 =	vld [tilespmem:s31+$0x13900]  }
0x1f: {  	v4 =	vld [tilespmem:s31+$0x13920]  }
0x20: {  	v10 =	vld [tilespmem:s31+$0x13930]  }
0x21: {  	v2 =	vld [tilespmem:s31+$0x14130]  }
0x22: {  	v3 =	vld [tilespmem:s31+$0x14120]  }
0x23: {  	v5 =	vld [tilespmem:s31+$0x14110]  }
0x24: {  	v8 =	vld [tilespmem:s31+$0x14100];
	v6 =	vadd.s32 $0x2, v0  }
0x25: {  	v7 =	vadd.s32 $0x3, v0;
	v12 =	vld.idx.msk [tilespmem:v0+s2+$0x0], $0xffff  }
0x26: {  	v9 =	vadd.s32 $0x1, v1;
	v13 =	vld.idx.msk [tilespmem:v1+s2+$0x0], $0xffff  }
0x27: {  	v11 =	vadd.s32 $0x3, v1;
	v16 =	vld.idx.msk [tilespmem:v4+s2+$0x0], $0xffff  }
0x28: {  	v14 =	vadd.s32 $0x3, v4;
	v20 =	vld.idx.msk [tilespmem:v10+s2+$0x0], $0xffff  }
0x29: {  	v15 =	vadd.s32 $0x2, v4;
	v6 =	vld.idx.msk [tilespmem:v6+s2+$0x0], $0xffff  }
0x2a: {  	v19 =	vadd.s32 $0x1, v10;
	v7 =	vld.idx.msk [tilespmem:v7+s2+$0x0], $0xffff  }
0x2b: {  	v0 =	vadd.s32 $0x1, v0;
	v9 =	vld.idx.msk [tilespmem:v9+s2+$0x0], $0xffff  }
0x2c: {  	v1 =	vadd.s32 $0x2, v1;
	v11 =	vld.idx.msk [tilespmem:v11+s2+$0x0], $0xffff  }
0x2d: {  	v17 =	vadd.s32 $0x3, v10;
	v14 =	vld.idx.msk [tilespmem:v14+s2+$0x0], $0xffff  }
0x2e: {  	v4 =	vadd.s32 $0x1, v4;
	v15 =	vld.idx.msk [tilespmem:v15+s2+$0x0], $0xffff  }
0x2f: {  	v10 =	vadd.s32 $0x2, v10;
	v19 =	vld.idx.msk [tilespmem:v19+s2+$0x0], $0xffff  }
0x30: {  	v18 =	vld.idx.msk [tilespmem:v0+s2+$0x0], $0xffff  }
0x31: {  	v21 =	vadd.s32 $0x1, v8;
	v1 =	vld.idx.msk [tilespmem:v1+s2+$0x0], $0xffff  }
0x32: {  	v58 =	vadd.s32 $0x2, v8;
	v0 =	vld.idx.msk [tilespmem:v17+s2+$0x0], $0xffff  }
0x33: {  	v22 =	vadd.s32 $0x3, v8;
	v4 =	vld.idx.msk [tilespmem:v4+s2+$0x0], $0xffff  }
0x34: {  	v10 =	vld.idx.msk [tilespmem:v10+s2+$0x0], $0xffff  }
0x35: {  	v23 =	vadd.s32 $0x1, v5;
	[tilespmem:v8+s10+$0x0] =	vst.idx.add.f32.msk $0xffff, v13  }
0x36: {  	v59 =	vadd.s32 $0x2, v5;
	[tilespmem:v21+s10+$0x0] =	vst.idx.add.f32.msk $0xffff, v9  }
0x37: {  	v60 =	vadd.s32 $0x3, v5;
	[tilespmem:v58+s10+$0x0] =	vst.idx.add.f32.msk $0xffff, v1  }
0x38: {  	[tilespmem:v22+s10+$0x0] =	vst.idx.add.f32.msk $0xffff, v11  }
0x39: {  	v1 =	vadd.s32 $0x1, v3;
	[tilespmem:v5+s10+$0x0] =	vst.idx.add.f32.msk $0xffff, v12  }
0x3a: {  	v61 =	vadd.s32 $0x2, v3;
	[tilespmem:v23+s10+$0x0] =	vst.idx.add.f32.msk $0xffff, v18  }
0x3b: {  	v62 =	vadd.s32 $0x3, v3;
	[tilespmem:v59+s10+$0x0] =	vst.idx.add.f32.msk $0xffff, v6  }
0x3c: {  	[tilespmem:v60+s10+$0x0] =	vst.idx.add.f32.msk $0xffff, v7  }
0x3d: {  	v63 =	vadd.s32 $0x1, v2;
	[tilespmem:v3+s10+$0x0] =	vst.idx.add.f32.msk $0xffff, v16  }
0x3e: {  	v3 =	vadd.s32 $0x2, v2;
	[tilespmem:v1+s10+$0x0] =	vst.idx.add.f32.msk $0xffff, v4  }
0x3f: {  	v1 =	vadd.s32 $0x3, v2;
	[tilespmem:v61+s10+$0x0] =	vst.idx.add.f32.msk $0xffff, v15  }
0x40: {  	[tilespmem:v62+s10+$0x0] =	vst.idx.add.f32.msk $0xffff, v14  }
0x41: {  	[tilespmem:v2+s10+$0x0] =	vst.idx.add.f32.msk $0xffff, v20  }
0x42: {  	[tilespmem:v63+s10+$0x0] =	vst.idx.add.f32.msk $0xffff, v19  }
0x43: {  	s15 =	simm.s32 $0x100;
	[tilespmem:v3+s10+$0x0] =	vst.idx.add.f32.msk $0xffff, v10  }
.LBB2_3:
0x44: {  	s16 =	sshra.s32 s15, $0x2;
	p0 =	sne.s32 s15, $0x1F00;
	s15 =	sadd.s32 $0x100, s15;
	[tilespmem:v1+s10+$0x0] =	vst.idx.add.f32.msk $0xffff, v0  }
0x45: {  	v0 =	vld [tilespmem:s16+$0x13910]  }
0x46: {  	v1 =	vld [tilespmem:s16+$0x13900]  }
0x47: {  	v2 =	vld [tilespmem:s16+$0x14130]  }
0x48: {  	v3 =	vld [tilespmem:s16+$0x14120]  }
0x49: {  	v4 =	vld [tilespmem:s16+$0x13920]  }
0x4a: {  	v5 =	vld [tilespmem:s16+$0x14110];
	v6 =	vadd.s32 $0x2, v0;
	v7 =	vadd.s32 $0x3, v0  }
0x4b: {  	v8 =	vld [tilespmem:s16+$0x14100];
	v9 =	vadd.s32 $0x1, v1;
	v10 =	vadd.s32 $0x3, v1  }
0x4c: {  	v11 =	vadd.s32 $0x2, v1;
	v12 =	vld [tilespmem:s16+$0x13930]  }
0x4d: {  	v13 =	vld.idx.msk [tilespmem:v0+s2+$0x0], $0xffff;
	v0 =	vadd.s32 $0x1, v0  }
0x4e: {  	v1 =	vld.idx.msk [tilespmem:v1+s2+$0x0], $0xffff;
	v14 =	vadd.s32 $0x1, v4;
	v15 =	vadd.s32 $0x2, v4;
	v16 =	vadd.s32 $0x3, v4  }
0x4f: {  	v6 =	vld.idx.msk [tilespmem:v6+s2+$0x0], $0xffff  }
0x50: {  	v7 =	vld.idx.msk [tilespmem:v7+s2+$0x0], $0xffff  }
0x51: {  	v9 =	vld.idx.msk [tilespmem:v9+s2+$0x0], $0xffff  }
0x52: {  	v17 =	vadd.s32 $0x1, v12;
	v18 =	vadd.s32 $0x2, v12;
	v19 =	vadd.s32 $0x3, v12;
	v10 =	vld.idx.msk [tilespmem:v10+s2+$0x0], $0xffff  }
0x53: {  	v4 =	vld.idx.msk [tilespmem:v4+s2+$0x0], $0xffff  }
0x54: {  	v20 =	vld.idx.msk [tilespmem:v0+s2+$0x0], $0xffff  }
0x55: {  	v16 =	vld.idx.msk [tilespmem:v16+s2+$0x0], $0xffff  }
0x56: {  	v12 =	vld.idx.msk [tilespmem:v12+s2+$0x0], $0xffff  }
0x57: {  	v11 =	vld.idx.msk [tilespmem:v11+s2+$0x0], $0xffff  }
0x58: {  	v15 =	vld.idx.msk [tilespmem:v15+s2+$0x0], $0xffff  }
0x59: {  	v21 =	vadd.s32 $0x1, v8;
	v0 =	vld.idx.msk [tilespmem:v19+s2+$0x0], $0xffff  }
0x5a: {  	v19 =	vadd.s32 $0x2, v8;
	v17 =	vld.idx.msk [tilespmem:v17+s2+$0x0], $0xffff  }
0x5b: {  	v22 =	vadd.s32 $0x3, v8;
	v14 =	vld.idx.msk [tilespmem:v14+s2+$0x0], $0xffff  }
0x5c: {  	v18 =	vld.idx.msk [tilespmem:v18+s2+$0x0], $0xffff  }
0x5d: {  	v23 =	vadd.s32 $0x1, v5;
	[tilespmem:v8+s10+$0x0] =	vst.idx.add.f32.msk $0xffff, v1  }
0x5e: {  	v1 =	vadd.s32 $0x2, v5;
	[tilespmem:v21+s10+$0x0] =	vst.idx.add.f32.msk $0xffff, v9  }
0x5f: {  	v8 =	vadd.s32 $0x3, v5;
	[tilespmem:v19+s10+$0x0] =	vst.idx.add.f32.msk $0xffff, v11  }
0x60: {  	[tilespmem:v22+s10+$0x0] =	vst.idx.add.f32.msk $0xffff, v10  }
0x61: {  	v9 =	vadd.s32 $0x1, v3;
	[tilespmem:v5+s10+$0x0] =	vst.idx.add.f32.msk $0xffff, v13  }
0x62: {  	v5 =	vadd.s32 $0x2, v3;
	[tilespmem:v23+s10+$0x0] =	vst.idx.add.f32.msk $0xffff, v20  }
0x63: {  	v10 =	vadd.s32 $0x3, v3;
	[tilespmem:v1+s10+$0x0] =	vst.idx.add.f32.msk $0xffff, v6  }
0x64: {  	[tilespmem:v8+s10+$0x0] =	vst.idx.add.f32.msk $0xffff, v7  }
0x65: {  	v6 =	vadd.s32 $0x1, v2;
	[tilespmem:v3+s10+$0x0] =	vst.idx.add.f32.msk $0xffff, v4  }
0x66: {  	v3 =	vadd.s32 $0x2, v2;
	[tilespmem:v9+s10+$0x0] =	vst.idx.add.f32.msk $0xffff, v14  }
.Ltmp0:
0x67: {  	v1 =	vadd.s32 $0x3, v2;
	[tilespmem:v5+s10+$0x0] =	vst.idx.add.f32.msk $0xffff, v15;
	(pc) =	sbr.rel @p0 .LBB2_3-.Ltmp0, $4  }
0x68: {  	[tilespmem:v10+s10+$0x0] =	vst.idx.add.f32.msk $0xffff, v16  }
0x69: {  	[tilespmem:v2+s10+$0x0] =	vst.idx.add.f32.msk $0xffff, v12  }
0x6a: {  	[tilespmem:v6+s10+$0x0] =	vst.idx.add.f32.msk $0xffff, v17  }
0x6b: {  	[tilespmem:v3+s10+$0x0] =	vst.idx.add.f32.msk $0xffff, v18  }
0x6c: {  	s14 =	sadd.s32 $0x1, s14  }
0x6d: {  	p0 =	sne.s32 s14, $0x50  }
.Ltmp1:
0x6e: {  	_ = 	snop;
	(pc) =	sbr.rel @p0 .LBB2_2-.Ltmp1, $2  }
0x6f: {  	_ =	sdelay $0x2  }
0x70: {  	[tilespmem:v1+s10+$0x0] =	vst.idx.add.f32.msk $0xffff, v0  }
0x71: {  	s13 =	sadd.s32 $0x1, s13  }
0x72: {  	p0 =	sne.s32 s13, s8  }
.Ltmp2:
0x73: {  	_ = 	snop;
	(pc) =	sbr.rel @p0 .LBB2_1-.Ltmp2, $4  }
0x74: {  	[hbm4b:s7+s2] =	stream.linear.scatter [tilespmem:s10], [sflag:$0x1], $0x9C80, $0x38;
	[tilespmem:$0x14900] =	vst v63  }
0x75: {  	_ =	swait.ge [sflag:s9], $0x9C80  }
0x76: {  	[sflag:s9] =	ssyncset.done $0x0  }
0x77: {  	[sflag:s9] =	ssyncadd.s32 $0xFFFF6380  }
0x78: {  	_ =	sfence.sel $0x180000  }
0x79: {  	[bflag:$0x0] =	sbarrier.arrive $0xFFFF  }
0x7a: {  	p0 =	sne.s32 s1, $0x0;
	_ =	strace $0x90000050  }
0x7b: {  	s0 =	sadd.s32 @!p0 $0x100000, s0;
	[bflag:$0x2] =	sbarrier.arrive $0xFFFF  }
0x7c: {  	[sflag:s0] =	ssyncadd.tile.s32 @!p0 $0x1;
	_ =	shalt  }
.Lfunc_end2:
_tile_overlayer_lowered:
.L_overlay_start_2:
0x7d: {  	(tag) =	ssettag $0x2  }
0x7e: {  	s0 =	rddreg [dreg:$0x0];
	s2 =	stileid.u32  }
0x7f: {  	s1 =	rddreg [dreg:$0x1];
	p0 =	sne.s32 s2, $0x0  }
0x80: {  	s3 =	rddreg [dreg:$0x2];
	[bflag:$0x3] =	sbarrier.arrive $0xFFFF;
	s2 =	simm.s32 @!p0 $0x1C01  }
0x81: {  	[timem:s3], [sflag:s2] =	dma.local @!p0 [hbm:s0], s1  }
0x82: {  	s0 =	simm.s32 @!p0 $0x1  }
0x83: {  	_ =	swait.ge @!p0 [sflag:s0], s1  }
0x84: {  	s1 =	ssub.s32 @!p0 $0x0, s1;
	[sflag:s0] =	ssyncset.done @!p0 $0x0  }
0x85: {  	[sflag:s0] =	ssyncadd.s32 @!p0 s1  }
0x86: {  	[bflag:$0x3] =	sbarrier.arrive $0xFFFF  }
0x87: {  	_ =	shalt  }

// kernel: kernel.22.cloned.1.call-start
scs
__scs_entry_jumppad:
0x0: {  	(pc) =	sbr.rel $0x88, $3  }
0x1: {  	(tag) =	ssettag $0x0;
	lr =	simm.s32 $0x1  }
0x2: {  	[smem:$0x3F93] =	sst lr;
	_ =	strace $0xD0000000  }
0x3: {  	_ = 	snop  }
0x4: {  	_ = 	snop  }
0x5: {  	_ = 	snop  }
0x6: {  	_ = 	snop  }
0x7: {  	_ = 	snop  }
__scs_overlays_trampoline_lowered:
0x8: {  	[smem:$0x3FA2] =	sst s0  }
0x9: {  	[smem:$0x3FA3] =	sst s1  }
0xa: {  	[smem:$0x3FA4] =	sst s2  }
0xb: {  	[smem:$0x3FA5] =	sst s3  }
0xc: {  	[smem:$0x3FA6] =	sst s4  }
0xd: {  	[smem:$0x3FA7] =	sst s5  }
0xe: {  	[smem:$0x3FA8] =	sst s6  }
0xf: {  	[smem:$0x3FA9] =	sst s7  }
0x10: {  	[smem:$0x3FAA] =	sst s8  }
0x11: {  	[smem:$0x3FAB] =	sst s9;
	s0 =	simm.s32 @!p0 $0x0  }
0x12: {  	s1 =	sld [smem:$0x3F91];
	s0 =	simm.s32 @p0 $0x1  }
0x13: {  	[smem:$0x3FAC] =	sst s0;
	s0 =	simm.s32 @!p1 $0x0  }
0x14: {  	s2 =	sld [smem:$0x3F90];
	s0 =	simm.s32 @p1 $0x1  }
0x15: {  	[smem:$0x3FAD] =	sst s0;
	s0 =	simm.s32 @!p2 $0x0  }
0x16: {  	s3 =	sld [smem:$0x3FDB];
	s0 =	simm.s32 @p2 $0x1  }
0x17: {  	s4 =	simm.s32 $0x1BF5;
	[smem:$0x3FAF] =	sst s0  }
0x18: {  	s0 =	sld [smem:$0x3F92];
	_ =	swait.ge [sflag:s4], $0x0  }
0x19: {  	s7 =	sld [smem:$0x3F93]  }
0x1a: {  	s8 =	sadd.s32 $0xFFFFE003, lr  }
0x1b: {  	s9 =	sadd.s32 $0xFFFFFEF7, lr;
	s5 =	simm.s32 $0xFFFFFFFF;
	p2 =	slt.u32 s8, $0xFFFFF086  }
0x1c: {  	p1 =	slt.u32 s9, $0xF7A;
	s5 =	simm.s32 @!p2 $0x0  }
0x1d: {  	s5 =	simm.s32 @p1 $0x1;
	p0 =	seq.s32 s7, s2  }
0x1e: {  	s7 =	smul.u32 @!p0 $0xF7A, s2;
	p2 =	seq.s32 @!p0 s5, $0x0  }
0x1f: {  	s9 =	smul.u32 $0xF7A, s1;
	s8 =	simm.s32 @!p0 $0x1BF5;
	p2 =	por !p2, p0  }
0x20: {  	[sflag:s8] =	ssyncset.s32 @!p0 $0xFFFFF086;
	s6 =	sadd.s32 @!p0 s3, s7;
	s7 =	simm.s32 @!p0 $0x108  }
0x21: {  	s3 =	sadd.s32 s3, s9;
	s6 =	sadd.s32 @!p0 $0x88, s6;
	s7 =	simm.s32 @p2 $0x1082  }
0x22: {  	[simem:s7], [sflag:s8] =	dma.local @!p0 [hbm:s6], $0xF7A  }
0x23: {  	s9 =	sor.u32 $0xD0000000, s2;
	s6 =	simm.s32 $0x108;
	_ =	swait.ge @!p0 [sflag:s8], $0x0  }
0x24: {  	s3 =	sadd.s32 $0x88, s3;
	s6 =	simm.s32 @!p1 $0x1082;
	[sflag:s4] =	ssyncset.s32 $0xFFFFF086  }
0x25: {  	[simem:s6], [sflag:s4] =	dma.local [hbm:s3], $0xF7A  }
0x26: {  	[smem:$0x3F93] =	sst s1;
	(tag) =	ssettag s2;
	_ =	strace s9  }
0x27: {  	s1 =	sld [smem:$0x3FA3]  }
0x28: {  	s2 =	sld [smem:$0x3FA4]  }
0x29: {  	s4 =	sld [smem:$0x3FA6]  }
0x2a: {  	p0 =	seq.s32 s5, $0x0;
	s5 =	sld [smem:$0x3FA7]  }
0x2b: {  	s6 =	sld [smem:$0x3FA8]  }
0x2c: {  	s7 =	sld [smem:$0x3FA9]  }
0x2d: {  	s3 =	simm.s32 $0x108;
	s8 =	sld [smem:$0x3FAA]  }
0x2e: {  	s3 =	simm.s32 @!p0 $0x1082;
	s9 =	sld [smem:$0x3FAB]  }
0x2f: {  	lr =	sadd.s32 s0, s3;
	s0 =	sld [smem:$0x3FA2]  }
0x30: {  	s3 =	sld [smem:$0x3FA5]  }
0x31: {  	[smem:$0x3FAE] =	sst s10  }
0x32: {  	s10 =	sld [smem:$0x3FAC];
	_ =	sdelay $0x3  }
0x33: {  	p0 =	seq.s32 s10, $0x1;
	s10 =	sld [smem:$0x3FAE];
	_ =	sdelay $0x3  }
0x34: {  	[smem:$0x3FAE] =	sst s10  }
0x35: {  	s10 =	sld [smem:$0x3FAD];
	_ =	sdelay $0x3  }
0x36: {  	p1 =	seq.s32 s10, $0x1;
	s10 =	sld [smem:$0x3FAE];
	_ =	sdelay $0x3  }
0x37: {  	[smem:$0x3FAE] =	sst s10  }
0x38: {  	s10 =	sld [smem:$0x3FAF]  }
0x39: {  	_ = 	snop;
	(pc) =	sbr.ind lr, $3  }
0x3a: {  	_ = 	snop  }
0x3b: {  	_ = 	snop  }
0x3c: {  	p2 =	seq.s32 s10, $0x1;
	s10 =	sld [smem:$0x3FAE]  }
0x3d: {  	_ =	shalt  }
0x3e: {  	_ =	shalt  }
0x3f: {  	_ =	shalt  }
0x40: {  	_ =	shalt  }
0x41: {  	_ =	shalt  }
0x42: {  	_ =	shalt  }
0x43: {  	_ =	shalt  }
0x44: {  	_ =	shalt  }
0x45: {  	_ =	shalt  }
0x46: {  	_ =	shalt  }
0x47: {  	_ =	shalt  }
0x48: {  	_ =	shalt  }
0x49: {  	_ =	shalt  }
0x4a: {  	_ =	shalt  }
0x4b: {  	_ =	shalt  }
0x4c: {  	_ =	shalt  }
0x4d: {  	_ =	shalt  }
0x4e: {  	_ =	shalt  }
0x4f: {  	_ =	shalt  }
0x50: {  	_ =	shalt  }
0x51: {  	_ =	shalt  }
0x52: {  	_ =	shalt  }
0x53: {  	_ =	shalt  }
0x54: {  	_ =	shalt  }
0x55: {  	_ =	shalt  }
0x56: {  	_ =	shalt  }
0x57: {  	_ =	shalt  }
0x58: {  	_ =	shalt  }
0x59: {  	_ =	shalt  }
0x5a: {  	_ =	shalt  }
0x5b: {  	_ =	shalt  }
0x5c: {  	_ =	shalt  }
0x5d: {  	_ =	shalt  }
0x5e: {  	_ =	shalt  }
0x5f: {  	_ =	shalt  }
0x60: {  	_ =	shalt  }
0x61: {  	_ =	shalt  }
0x62: {  	_ =	shalt  }
0x63: {  	_ =	shalt  }
0x64: {  	_ =	shalt  }
0x65: {  	_ =	shalt  }
0x66: {  	_ =	shalt  }
0x67: {  	_ =	shalt  }
0x68: {  	_ =	shalt  }
0x69: {  	_ =	shalt  }
0x6a: {  	_ =	shalt  }
0x6b: {  	_ =	shalt  }
0x6c: {  	_ =	shalt  }
0x6d: {  	_ =	shalt  }
0x6e: {  	_ =	shalt  }
0x6f: {  	_ =	shalt  }
0x70: {  	_ =	shalt  }
0x71: {  	_ =	shalt  }
0x72: {  	_ =	shalt  }
0x73: {  	_ =	shalt  }
0x74: {  	_ =	shalt  }
0x75: {  	_ =	shalt  }
0x76: {  	_ =	shalt  }
0x77: {  	_ =	shalt  }
0x78: {  	_ =	shalt  }
0x79: {  	_ =	shalt  }
0x7a: {  	_ =	shalt  }
0x7b: {  	_ =	shalt  }
0x7c: {  	_ =	shalt  }
0x7d: {  	_ =	shalt  }
0x7e: {  	_ =	shalt  }
0x7f: {  	_ =	shalt  }
0x80: {  	_ =	shalt  }
0x81: {  	_ =	shalt  }
0x82: {  	_ =	shalt  }
0x83: {  	_ =	shalt  }
0x84: {  	_ =	shalt  }
0x85: {  	_ =	shalt  }
0x86: {  	_ =	shalt  }
0x87: {  	_ =	shalt  }
.Lfunc_end0:
.L_simem_size_0:
called_computation.4_lowered:
.L_overlay_start_0:
0x88: {  	s2 =	sld [smem:$0x3FD9]  }
0x89: {  	s3 =	sld [smem:$0x3FFE];
	_ =	sdelay $0x1  }
0x8a: {  	s1 =	srdreg.scid  }
0x8b: {  	s0 =	sand.u32 $0x1, s1  }
0x8c: {  	s17 =	sshll.u32 s0, $0xA;
	s2 =	sadd.s32 s3, s2  }
0x8d: {  	s2 =	sadd.s32 s2, s17  }
0x8e: {  	[smem:$0x3FBA] =	sst s2  }
0x8f: {  	_ = 	snop  }
0x90: {  	(tm) =	ssettm $0x1  }
0x91: {  	s18 =	sld [smem:$0x3FFB];
	_ =	sdelay $0x3  }
0x92: {  	_ =	strace s18  }
0x93: {  	s2 =	sld [smem:$0x3FFC];
	_ =	sdelay $0x3  }
0x94: {  	_ =	strace s2  }
0x95: {  	s2 =	sld [smem:$0x3FFD];
	_ =	sdelay $0x3  }
0x96: {  	_ =	strace s2  }
0x97: {  	_ =	strace $0x8FFFFFFF  }
0x98: {  	s19 =	sld [smem:$0x3FDB];
	_ =	sdelay $0x1  }
0x99: {  	s20 =	simm.s32 $_scs_section_size  }
0x9a: {  	s4 =	simm.s32 $_size__tile_overlayer_lowered;
	s5 =	simm.s32 $_tile_overlayer_lowered  }
0x9b: {  	s6 =	simm.s32 $0x1BFF;
	s21 =	sshll.u32 s5, $0x1;
	s3 =	sadd.s32 s20, s19  }
0x9c: {  	s22 =	simm.s32 $0x0;
	s4 =	sshll.u32 s4, $0x1;
	s5 =	sadd.s32 s21, s3  }
0x9d: {  	[timem:s22], [sflag:s6] =	dma.local [hbm:s5], s4  }
0x9e: {  	_ =	swait.ge [sflag:s6], s4  }
0x9f: {  	s4 =	ssub.s32 $0x0, s4;
	[sflag:s6] =	ssyncset.done $0x0  }
0xa0: {  	[sflag:s6] =	ssyncadd.s32 s4;
	_ =	sdelay $0x1  }
0xa1: {  	s23 =	simm.s32 $0x1B8B  }
0xa2: {  	_ =	swait.ge [sflag:s23], $0x1  }
0xa3: {  	[sflag:s23] =	ssyncset.done $0x0  }
0xa4: {  	[sflag:s23] =	ssyncadd.s32 $0xFFFFFFFF  }
0xa5: {  	s4 =	sld [smem:$0x0]  }
0xa6: {  	s5 =	sand.u32 $0xFFFFFFFE, s1  }
0xa7: {  	p0 =	sne.s32 s1, s5  }
0xa8: {  	s5 =	sshll.u32 @p0 s5, $0xE  }
0xa9: {  	s5 =	sadd.s32 @p0 $0x11B8D, s5;
	s6 =	sshll.u32 @p0 s4, $0x11  }
0xaa: {  	s5 =	sor.u32 @p0 s6, s5  }
0xab: {  	[sflag:s5] =	ssyncadd.remote.s32 @p0 $0x1;
	_ =	sdelay $0x1  }
0xac: {  	s5 =	simm.s32 @p0 $0x1B8D  }
0xad: {  	_ =	swait.eq @p0 [sflag:s5], $0x1  }
0xae: {  	[sflag:s5] =	ssyncadd.s32 @p0 $0xFFFFFFFF  }
0xaf: {  	s6 =	sshll.u32 @!p0 s1, $0xE  }
0xb0: {  	s6 =	sor.u32 @!p0 $0x4000, s6;
	s5 =	simm.s32 @!p0 $0x1B8D  }
0xb1: {  	s4 =	sshll.u32 @!p0 s4, $0x11;
	s6 =	sadd.s32 @!p0 $0x11B8D, s6;
	_ =	swait.eq @!p0 [sflag:s5], $0x1  }
0xb2: {  	s4 =	sor.u32 @!p0 s4, s6;
	[sflag:s5] =	ssyncadd.s32 @!p0 $0xFFFFFFFF  }
0xb3: {  	s25 =	simm.s32 $0x1B8E;
	s24 =	sld [smem:$0x3FFE];
	[sflag:s4] =	ssyncadd.remote.s32 @!p0 $0x1  }
0xb4: {  	s26 =	simm.s32 $execute0_lowered;
	[smem:$0x3FD2] =	sst s25  }
0xb5: {  	s5 =	sshll.u32 s26, $0x1;
	_ =	strace $0x80000052;
	[dreg:$0x1] =	wrdreg $0xFFFFFFFF  }
0xb6: {  	s28 =	simm.s32 $_size_execute0_lowered;
	s3 =	sadd.s32 s3, s5;
	[dreg:$0x0] =	wrdreg $0x0  }
0xb7: {  	s5 =	sshll.u32 s28, $0x1;
	[dreg:$0x2] =	wrdreg s3  }
0xb8: {  	[dreg:$0x3] =	wrdreg s5  }
0xb9: {  	[dreg:$0x4] =	wrdreg $0xC0  }
0xba: {  	_ =	task [dreg:s22], $0x5FFFF  }
0xbb: {  	[dreg:$0x1] =	wrdreg $0xFFFFFFFF  }
0xbc: {  	[dreg:$0x0] =	wrdreg $0x60  }
0xbd: {  	[dreg:$0x2] =	wrdreg s24  }
0xbe: {  	[dreg:$0x3] =	wrdreg $0xA  }
0xbf: {  	_ =	task.clear_ibuf [dreg:s22], $0x4FFFF;
	_ =	strace $0x90000052  }
0xc0: {  	s29 =	simm.s32 $0xA;
	_ =	strace $0x80000054  }
0xc1: {  	_ =	swait.ge [sflag:s29], $0x1  }
0xc2: {  	[sflag:s29] =	ssyncadd.s32 $0xFFFFFFFF  }
0xc3: {  	_ =	strace $0x90000054  }
0xc4: {  	_ =	sfence  }
0xc5: {  	s30 =	sld [smem:$0x0];
	_ =	sdelay $0x2  }
0xc6: {  	s31 =	sshll.u32 s1, $0xD;
	s1 =	sshrl.u32 s1, $0x2  }
0xc7: {  	s4 =	sand.u32 $0x4000, s31;
	s1 =	sadd.s32 s1, s30  }
0xc8: {  	s0 =	sor.u32 s4, s0;
	s1 =	sshll.u32 s1, $0x11  }
0xc9: {  	s0 =	sor.u32 s1, s0  }
0xca: {  	s0 =	sadd.s32 $0x8F2B, s0  }
0xcb: {  	[sflag:s0] =	ssyncadd.remote.s32 $0x1  }
0xcc: {  	_ =	sfence.sel $0xFFFF  }
0xcd: {  	[dreg:$0x0] =	wrdreg $0xFFFFFFFF;
	(pc) =	sbr.abs _section_cstart, $3  }
0xce: {  	[dreg:$0x1] =	wrdreg $0xFFFFFFFF  }
0xcf: {  	_ =	task.clear_ibuf [dreg:s22], $0x2FFFF;
	_ =	strace $0x9FFFFFFF  }
0xd0: {  	(tm) =	ssettm $0x7FFFFFFF  }
0xd1: {  	_ =	shalt  }
tec
execute0_lowered:
.L_overlay_start_1:
0x0: {  	(tag) =	ssettag $0x1  }
0x1: {  	s6 =	rddreg [dreg:$0x0]  }
0x2: {  	s0 =	rddreg [dreg:$0x1];
	s3 =	srdreg.scid  }
0x3: {  	s1 =	stileid.u32;
	s2 =	simm.s32 $0x0;
	s9 =	simm.s32 $0x1  }
0x4: {  	s10 =	simm.s32 $0x9C80;
	s11 =	simm.s32 $0x13900;
	s12 =	simm.s32 $0x14100  }
0x5: {  	s13 =	simm.s32 $0x0;
	s5 =	sand.u32 $0x1, s3;
	s30 =	sshll.u32 s1, $0x1  }
0x6: {  	s17 =	simm.s32 $0x0;
	[smem:$0x7FF] =	sst s2;
	s3 =	sor.u32 s5, s30  }
0x7: {  	s4 =	sadd.s32 $0x12400, s6;
	s8 =	ssub.s32 $0x2, s5;
	s7 =	smul.u32 $0x1390, s3  }
0x8: {  	_ =	strace $0x80000053;
	s5 =	sadd.s32 $0xD400, s6;
	s31 =	sshrl.u32 s8, $0x1  }
0x9: {  	s3 =	sadd.s32 $0x3400, s6;
	s8 =	ssub.s32 s8, s31;
	s7 =	sadd.s32 s7, s6  }
0xa: {  	s8 =	smax.u32 s8, $0x1;
	s6 =	sadd.s32 $0xDAC00, s7;
	s7 =	sadd.s32 $0x101E00, s7  }
.LBB2_1:
0xb: {  	[tilespmem:s2], [sflag:$0x1] =	stream.linear.gather [hbm4b:s6+s2], $0x9C80, $0x38;
	[tilespmem:$0x14900] =	vst v63  }
0xc: {  	_ =	swait.ge [sflag:s9], $0x9C80  }
0xd: {  	[sflag:s9] =	ssyncset.done $0x0  }
0xe: {  	[sflag:s9] =	ssyncadd.s32 $0xFFFF6380  }
0xf: {  	[tilespmem:s10], [sflag:$0x1] =	stream.linear.gather [hbm4b:s3+s2], $0x9C80, $0x38;
	[tilespmem:$0x14900] =	vst v63  }
0x10: {  	_ =	swait.ge [sflag:s9], $0x9C80  }
0x11: {  	[sflag:s9] =	ssyncset.done $0x0  }
0x12: {  	s14 =	simm.s32 $0x0;
	[sflag:s9] =	ssyncadd.s32 $0xFFFF6380  }
.LBB2_2:
0x13: {  	s15 =	sshll.u32 s14, $0x8  }
0x14: {  	s16 =	sadd.s32 s4, s15  }
0x15: {  	[tilespmem:s11], [sflag:$0x1] =	stream.linear.gather [hbm4b:s16+s17], $0x800, $0x38;
	[tilespmem:$0x14900] =	vst v63  }
0x16: {  	_ =	swait.ge [sflag:s9], $0x800  }
0x17: {  	[sflag:s9] =	ssyncset.done $0x0  }
0x18: {  	s15 =	sadd.s32 s5, s15;
	[sflag:s9] =	ssyncadd.s32 $0xFFFFF800  }
0x19: {  	[tilespmem:s12], [sflag:$0x1] =	stream.linear.gather [hbm4b:s15+s17], $0x800, $0x38;
	[tilespmem:$0x14900] =	vst v63  }
0x1a: {  	_ =	swait.ge [sflag:s9], $0x800  }
0x1b: {  	[sflag:s9] =	ssyncset.done $0x0  }
0x1c: {  	s31 =	simm.s32 $0x0;
	[sflag:s9] =	ssyncadd.s32 $0xFFFFF800  }
0x1d: {  	v0 =	vld [tilespmem:s31+$0x13910]  }
0x1e: {  	v1 =	vld [tilespmem:s31+$0x13900]  }
0x1f: {  	v4 =	vld [tilespmem:s31+$0x13920]  }
0x20: {  	v10 =	vld [tilespmem:s31+$0x13930]  }
0x21: {  	v2 =	vld [tilespmem:s31+$0x14130]  }
0x22: {  	v3 =	vld [tilespmem:s31+$0x14120]  }
0x23: {  	v5 =	vld [tilespmem:s31+$0x14110]  }
0x24: {  	v8 =	vld [tilespmem:s31+$0x14100];
	v6 =	vadd.s32 $0x2, v0  }
0x25: {  	v7 =	vadd.s32 $0x3, v0;
	v12 =	vld.idx.msk [tilespmem:v0+s2+$0x0], $0xffff  }
0x26: {  	v9 =	vadd.s32 $0x1, v1;
	v13 =	vld.idx.msk [tilespmem:v1+s2+$0x0], $0xffff  }
0x27: {  	v11 =	vadd.s32 $0x3, v1;
	v16 =	vld.idx.msk [tilespmem:v4+s2+$0x0], $0xffff  }
0x28: {  	v14 =	vadd.s32 $0x3, v4;
	v20 =	vld.idx.msk [tilespmem:v10+s2+$0x0], $0xffff  }
0x29: {  	v15 =	vadd.s32 $0x2, v4;
	v6 =	vld.idx.msk [tilespmem:v6+s2+$0x0], $0xffff  }
0x2a: {  	v19 =	vadd.s32 $0x1, v10;
	v7 =	vld.idx.msk [tilespmem:v7+s2+$0x0], $0xffff  }
0x2b: {  	v0 =	vadd.s32 $0x1, v0;
	v9 =	vld.idx.msk [tilespmem:v9+s2+$0x0], $0xffff  }
0x2c: {  	v1 =	vadd.s32 $0x2, v1;
	v11 =	vld.idx.msk [tilespmem:v11+s2+$0x0], $0xffff  }
0x2d: {  	v17 =	vadd.s32 $0x3, v10;
	v14 =	vld.idx.msk [tilespmem:v14+s2+$0x0], $0xffff  }
0x2e: {  	v4 =	vadd.s32 $0x1, v4;
	v15 =	vld.idx.msk [tilespmem:v15+s2+$0x0], $0xffff  }
0x2f: {  	v10 =	vadd.s32 $0x2, v10;
	v19 =	vld.idx.msk [tilespmem:v19+s2+$0x0], $0xffff  }
0x30: {  	v18 =	vld.idx.msk [tilespmem:v0+s2+$0x0], $0xffff  }
0x31: {  	v21 =	vadd.s32 $0x1, v8;
	v1 =	vld.idx.msk [tilespmem:v1+s2+$0x0], $0xffff  }
0x32: {  	v58 =	vadd.s32 $0x2, v8;
	v0 =	vld.idx.msk [tilespmem:v17+s2+$0x0], $0xffff  }
0x33: {  	v22 =	vadd.s32 $0x3, v8;
	v4 =	vld.idx.msk [tilespmem:v4+s2+$0x0], $0xffff  }
0x34: {  	v10 =	vld.idx.msk [tilespmem:v10+s2+$0x0], $0xffff  }
0x35: {  	v23 =	vadd.s32 $0x1, v5;
	[tilespmem:v8+s10+$0x0] =	vst.idx.add.f32.msk $0xffff, v13  }
0x36: {  	v59 =	vadd.s32 $0x2, v5;
	[tilespmem:v21+s10+$0x0] =	vst.idx.add.f32.msk $0xffff, v9  }
0x37: {  	v60 =	vadd.s32 $0x3, v5;
	[tilespmem:v58+s10+$0x0] =	vst.idx.add.f32.msk $0xffff, v1  }
0x38: {  	[tilespmem:v22+s10+$0x0] =	vst.idx.add.f32.msk $0xffff, v11  }
0x39: {  	v1 =	vadd.s32 $0x1, v3;
	[tilespmem:v5+s10+$0x0] =	vst.idx.add.f32.msk $0xffff, v12  }
0x3a: {  	v61 =	vadd.s32 $0x2, v3;
	[tilespmem:v23+s10+$0x0] =	vst.idx.add.f32.msk $0xffff, v18  }
0x3b: {  	v62 =	vadd.s32 $0x3, v3;
	[tilespmem:v59+s10+$0x0] =	vst.idx.add.f32.msk $0xffff, v6  }
0x3c: {  	[tilespmem:v60+s10+$0x0] =	vst.idx.add.f32.msk $0xffff, v7  }
0x3d: {  	v63 =	vadd.s32 $0x1, v2;
	[tilespmem:v3+s10+$0x0] =	vst.idx.add.f32.msk $0xffff, v16  }
0x3e: {  	v3 =	vadd.s32 $0x2, v2;
	[tilespmem:v1+s10+$0x0] =	vst.idx.add.f32.msk $0xffff, v4  }
0x3f: {  	v1 =	vadd.s32 $0x3, v2;
	[tilespmem:v61+s10+$0x0] =	vst.idx.add.f32.msk $0xffff, v15  }
0x40: {  	[tilespmem:v62+s10+$0x0] =	vst.idx.add.f32.msk $0xffff, v14  }
0x41: {  	[tilespmem:v2+s10+$0x0] =	vst.idx.add.f32.msk $0xffff, v20  }
0x42: {  	[tilespmem:v63+s10+$0x0] =	vst.idx.add.f32.msk $0xffff, v19  }
0x43: {  	s15 =	simm.s32 $0x100;
	[tilespmem:v3+s10+$0x0] =	vst.idx.add.f32.msk $0xffff, v10  }
.LBB2_3:
0x44: {  	s16 =	sshra.s32 s15, $0x2;
	p0 =	sne.s32 s15, $0x1F00;
	s15 =	sadd.s32 $0x100, s15;
	[tilespmem:v1+s10+$0x0] =	vst.idx.add.f32.msk $0xffff, v0  }
0x45: {  	v0 =	vld [tilespmem:s16+$0x13910]  }
0x46: {  	v1 =	vld [tilespmem:s16+$0x13900]  }
0x47: {  	v2 =	vld [tilespmem:s16+$0x14130]  }
0x48: {  	v3 =	vld [tilespmem:s16+$0x14120]  }
0x49: {  	v4 =	vld [tilespmem:s16+$0x13920]  }
0x4a: {  	v5 =	vld [tilespmem:s16+$0x14110];
	v6 =	vadd.s32 $0x2, v0;
	v7 =	vadd.s32 $0x3, v0  }
0x4b: {  	v8 =	vld [tilespmem:s16+$0x14100];
	v9 =	vadd.s32 $0x1, v1;
	v10 =	vadd.s32 $0x3, v1  }
0x4c: {  	v11 =	vadd.s32 $0x2, v1;
	v12 =	vld [tilespmem:s16+$0x13930]  }
0x4d: {  	v13 =	vld.idx.msk [tilespmem:v0+s2+$0x0], $0xffff;
	v0 =	vadd.s32 $0x1, v0  }
0x4e: {  	v1 =	vld.idx.msk [tilespmem:v1+s2+$0x0], $0xffff;
	v14 =	vadd.s32 $0x1, v4;
	v15 =	vadd.s32 $0x2, v4;
	v16 =	vadd.s32 $0x3, v4  }
0x4f: {  	v6 =	vld.idx.msk [tilespmem:v6+s2+$0x0], $0xffff  }
0x50: {  	v7 =	vld.idx.msk [tilespmem:v7+s2+$0x0], $0xffff  }
0x51: {  	v9 =	vld.idx.msk [tilespmem:v9+s2+$0x0], $0xffff  }
0x52: {  	v17 =	vadd.s32 $0x1, v12;
	v18 =	vadd.s32 $0x2, v12;
	v19 =	vadd.s32 $0x3, v12;
	v10 =	vld.idx.msk [tilespmem:v10+s2+$0x0], $0xffff  }
0x53: {  	v4 =	vld.idx.msk [tilespmem:v4+s2+$0x0], $0xffff  }
0x54: {  	v20 =	vld.idx.msk [tilespmem:v0+s2+$0x0], $0xffff  }
0x55: {  	v16 =	vld.idx.msk [tilespmem:v16+s2+$0x0], $0xffff  }
0x56: {  	v12 =	vld.idx.msk [tilespmem:v12+s2+$0x0], $0xffff  }
0x57: {  	v11 =	vld.idx.msk [tilespmem:v11+s2+$0x0], $0xffff  }
0x58: {  	v15 =	vld.idx.msk [tilespmem:v15+s2+$0x0], $0xffff  }
0x59: {  	v21 =	vadd.s32 $0x1, v8;
	v0 =	vld.idx.msk [tilespmem:v19+s2+$0x0], $0xffff  }
0x5a: {  	v19 =	vadd.s32 $0x2, v8;
	v17 =	vld.idx.msk [tilespmem:v17+s2+$0x0], $0xffff  }
0x5b: {  	v22 =	vadd.s32 $0x3, v8;
	v14 =	vld.idx.msk [tilespmem:v14+s2+$0x0], $0xffff  }
0x5c: {  	v18 =	vld.idx.msk [tilespmem:v18+s2+$0x0], $0xffff  }
0x5d: {  	v23 =	vadd.s32 $0x1, v5;
	[tilespmem:v8+s10+$0x0] =	vst.idx.add.f32.msk $0xffff, v1  }
0x5e: {  	v1 =	vadd.s32 $0x2, v5;
	[tilespmem:v21+s10+$0x0] =	vst.idx.add.f32.msk $0xffff, v9  }
0x5f: {  	v8 =	vadd.s32 $0x3, v5;
	[tilespmem:v19+s10+$0x0] =	vst.idx.add.f32.msk $0xffff, v11  }
0x60: {  	[tilespmem:v22+s10+$0x0] =	vst.idx.add.f32.msk $0xffff, v10  }
0x61: {  	v9 =	vadd.s32 $0x1, v3;
	[tilespmem:v5+s10+$0x0] =	vst.idx.add.f32.msk $0xffff, v13  }
0x62: {  	v5 =	vadd.s32 $0x2, v3;
	[tilespmem:v23+s10+$0x0] =	vst.idx.add.f32.msk $0xffff, v20  }
0x63: {  	v10 =	vadd.s32 $0x3, v3;
	[tilespmem:v1+s10+$0x0] =	vst.idx.add.f32.msk $0xffff, v6  }
0x64: {  	[tilespmem:v8+s10+$0x0] =	vst.idx.add.f32.msk $0xffff, v7  }
0x65: {  	v6 =	vadd.s32 $0x1, v2;
	[tilespmem:v3+s10+$0x0] =	vst.idx.add.f32.msk $0xffff, v4  }
0x66: {  	v3 =	vadd.s32 $0x2, v2;
	[tilespmem:v9+s10+$0x0] =	vst.idx.add.f32.msk $0xffff, v14  }
.Ltmp0:
0x67: {  	v1 =	vadd.s32 $0x3, v2;
	[tilespmem:v5+s10+$0x0] =	vst.idx.add.f32.msk $0xffff, v15;
	(pc) =	sbr.rel @p0 .LBB2_3-.Ltmp0, $4  }
0x68: {  	[tilespmem:v10+s10+$0x0] =	vst.idx.add.f32.msk $0xffff, v16  }
0x69: {  	[tilespmem:v2+s10+$0x0] =	vst.idx.add.f32.msk $0xffff, v12  }
0x6a: {  	[tilespmem:v6+s10+$0x0] =	vst.idx.add.f32.msk $0xffff, v17  }
0x6b: {  	[tilespmem:v3+s10+$0x0] =	vst.idx.add.f32.msk $0xffff, v18  }
0x6c: {  	s14 =	sadd.s32 $0x1, s14  }
0x6d: {  	p0 =	sne.s32 s14, $0x50  }
.Ltmp1:
0x6e: {  	_ = 	snop;
	(pc) =	sbr.rel @p0 .LBB2_2-.Ltmp1, $2  }
0x6f: {  	_ =	sdelay $0x2  }
0x70: {  	[tilespmem:v1+s10+$0x0] =	vst.idx.add.f32.msk $0xffff, v0  }
0x71: {  	s13 =	sadd.s32 $0x1, s13  }
0x72: {  	p0 =	sne.s32 s13, s8  }
.Ltmp2:
0x73: {  	_ = 	snop;
	(pc) =	sbr.rel @p0 .LBB2_1-.Ltmp2, $4  }
0x74: {  	[hbm4b:s7+s2] =	stream.linear.scatter [tilespmem:s10], [sflag:$0x1], $0x9C80, $0x38;
	[tilespmem:$0x14900] =	vst v63  }
0x75: {  	_ =	swait.ge [sflag:s9], $0x9C80  }
0x76: {  	[sflag:s9] =	ssyncset.done $0x0  }
0x77: {  	[sflag:s9] =	ssyncadd.s32 $0xFFFF6380  }
0x78: {  	_ =	sfence.sel $0x180000  }
0x79: {  	[bflag:$0x0] =	sbarrier.arrive $0xFFFF  }
0x7a: {  	p0 =	sne.s32 s1, $0x0;
	_ =	strace $0x90000053  }
0x7b: {  	s0 =	sadd.s32 @!p0 $0x100000, s0;
	[bflag:$0x2] =	sbarrier.arrive $0xFFFF  }
0x7c: {  	[sflag:s0] =	ssyncadd.tile.s32 @!p0 $0x1;
	_ =	shalt  }
.Lfunc_end2:
_tile_overlayer_lowered:
.L_overlay_start_2:
0x7d: {  	(tag) =	ssettag $0x2  }
0x7e: {  	s0 =	rddreg [dreg:$0x0];
	s2 =	stileid.u32  }
0x7f: {  	s1 =	rddreg [dreg:$0x1];
	p0 =	sne.s32 s2, $0x0  }
0x80: {  	s3 =	rddreg [dreg:$0x2];
	[bflag:$0x3] =	sbarrier.arrive $0xFFFF;
	s2 =	simm.s32 @!p0 $0x1C01  }
0x81: {  	[timem:s3], [sflag:s2] =	dma.local @!p0 [hbm:s0], s1  }
0x82: {  	s0 =	simm.s32 @!p0 $0x1  }
0x83: {  	_ =	swait.ge @!p0 [sflag:s0], s1  }
0x84: {  	s1 =	ssub.s32 @!p0 $0x0, s1;
	[sflag:s0] =	ssyncset.done @!p0 $0x0  }
0x85: {  	[sflag:s0] =	ssyncadd.s32 @!p0 s1  }
0x86: {  	[bflag:$0x3] =	sbarrier.arrive $0xFFFF  }
0x87: {  	_ =	shalt  }

</sc_bundles>
